<compile_context>
chip_gen: v7x
topology: tpu7x:2x2x1
jax: 0.10.2.dev20260603
libtpu: 0.0.44.dev20260713+nightly
codegen_flags: <defaults>
</compile_context>

<pallas_src>
import functools

import jax
import jax.numpy as jnp
from jax import lax
from jax.experimental import pallas as pl
from jax.experimental.pallas import tpu as pltpu, tpu_sc as plsc

NC = 2
NS = 16
NW = NC * NS

N_NODES = 10000
N_PAD = 10240
SENT = N_NODES
RPT = N_PAD // NS
BB = 512


def _seg_kernel(D, with_gather):
    mesh = plsc.VectorSubcoreMesh(core_axis_name="c", subcore_axis_name="s")

    def body(*refs):
        if with_gather:
            (row_hbm, col_hbm, tab_hbm, zeros_hbm, out_hbm,
             rowv0, rowv1, colv0, colv1, buf0, buf1,
             agg_sh, gsem0, gsem1, ssem) = refs
        else:
            (col_hbm, ones_hbm, zeros_hbm, out_hbm,
             colv, buf, agg_sh, gsem, ssem) = refs
        c = lax.axis_index("c")
        s = lax.axis_index("s")
        wid = c * NS + s
        r0 = s * RPT
        pltpu.sync_copy(zeros_hbm.at[pl.ds(r0, RPT)], agg_sh.at[pl.ds(r0, RPT)])
        if with_gather:
            chg = colv0.shape[0]
            pltpu.sync_copy(col_hbm.at[wid].at[pl.ds(0, chg)], colv0)
            pltpu.sync_copy(col_hbm.at[wid].at[pl.ds(chg, chg)], colv1)
            pltpu.sync_copy(row_hbm.at[wid].at[pl.ds(0, chg)], rowv0)
            pltpu.sync_copy(row_hbm.at[wid].at[pl.ds(chg, chg)], rowv1)
            plsc.subcore_barrier()

            def group(g, carry):
                d0 = pltpu.async_copy(tab_hbm.at[rowv0.at[g]], buf0, gsem0)
                d1 = pltpu.async_copy(tab_hbm.at[rowv1.at[g]], buf1, gsem1)
                d0.wait()
                pltpu.sync_copy(buf0, agg_sh.at[colv0.at[g]], add=True)
                d1.wait()
                pltpu.sync_copy(buf1, agg_sh.at[colv1.at[g]], add=True)
                return carry

            lax.fori_loop(0, chg, group, 0)
        else:
            pltpu.sync_copy(col_hbm.at[wid], colv)
            pltpu.sync_copy(ones_hbm, buf)
            plsc.subcore_barrier()
            ch = colv.shape[0]

            def group(j, carry):
                pltpu.sync_copy(buf, agg_sh.at[colv.at[j]], add=True)
                return carry

            lax.fori_loop(0, ch, group, 0)
        plsc.subcore_barrier()
        pltpu.sync_copy(agg_sh.at[pl.ds(r0, RPT)],
                        out_hbm.at[c].at[pl.ds(r0, RPT)])

    def make(ch):
        sc = []
        if with_gather:
            chg = ch // 2
            sc.append(pltpu.VMEM((chg, BB), jnp.int32))
            sc.append(pltpu.VMEM((chg, BB), jnp.int32))
            sc.append(pltpu.VMEM((chg, BB), jnp.int32))
            sc.append(pltpu.VMEM((chg, BB), jnp.int32))
            sc.append(pltpu.VMEM((BB, D), jnp.float32))
            sc.append(pltpu.VMEM((BB, D), jnp.float32))
            sc.append(pltpu.VMEM_SHARED((N_PAD, D), jnp.float32))
            sc.append(pltpu.SemaphoreType.DMA)
            sc.append(pltpu.SemaphoreType.DMA)
            sc.append(pltpu.SemaphoreType.DMA)
        else:
            sc.append(pltpu.VMEM((ch, BB), jnp.int32))
            sc.append(pltpu.VMEM((BB, D), jnp.float32))
            sc.append(pltpu.VMEM_SHARED((N_PAD, D), jnp.float32))
            sc.append(pltpu.SemaphoreType.DMA)
            sc.append(pltpu.SemaphoreType.DMA)
        return pl.kernel(
            body,
            out_type=jax.ShapeDtypeStruct((NC, N_PAD, D), jnp.float32),
            mesh=mesh,
            scratch_types=sc,
            compiler_params=pltpu.CompilerParams(use_tc_tiling_on_sc=False),
        )
    return make


def _tc_a(deg, x_pad, w1i, w1r, b1):
    R = 512
    grid = (N_PAD // R,)

    def body(deg_ref, x_ref, wi_ref, wr_ref, b_ref, hs_ref, root_ref, dis_ref):
        d = deg_ref[0] + deg_ref[1]
        dis = jnp.where(d > 0.0, lax.rsqrt(d), 0.0)
        xb = x_ref[...]
        h = jnp.dot(xb, wi_ref[...], preferred_element_type=jnp.float32)
        hs_ref[...] = h * dis
        root_ref[...] = (
            jnp.dot(xb, wr_ref[...], preferred_element_type=jnp.float32)
            + b_ref[...]
        )
        dis_ref[...] = dis

    H = w1i.shape[1]
    return pl.pallas_call(
        body,
        grid=grid,
        in_specs=[
            pl.BlockSpec((NC, R, H), lambda i: (0, i, 0)),
            pl.BlockSpec((R, x_pad.shape[1]), lambda i: (i, 0)),
            pl.BlockSpec(w1i.shape, lambda i: (0, 0)),
            pl.BlockSpec(w1r.shape, lambda i: (0, 0)),
            pl.BlockSpec((1, H), lambda i: (0, 0)),
        ],
        out_specs=[
            pl.BlockSpec((R, H), lambda i: (i, 0)),
            pl.BlockSpec((R, H), lambda i: (i, 0)),
            pl.BlockSpec((R, H), lambda i: (i, 0)),
        ],
        out_shape=[
            jax.ShapeDtypeStruct((N_PAD, H), jnp.float32),
            jax.ShapeDtypeStruct((N_PAD, H), jnp.float32),
            jax.ShapeDtypeStruct((N_PAD, H), jnp.float32),
        ],
    )(deg, x_pad, w1i, w1r, b1)


def _tc_b(agg1, dis16, root1, w2i, w2r, b2):
    R = 512
    grid = (N_PAD // R,)
    H = dis16.shape[1]
    D2 = w2i.shape[1]
    rep = D2 // H

    def body(agg_ref, dis_ref, root_ref, wi_ref, wr_ref, b_ref,
             hs_ref, root2_ref):
        dis = dis_ref[...]
        out1 = jnp.maximum(dis * (agg_ref[0] + agg_ref[1]) + root_ref[...], 0.0)
        disw = jnp.concatenate([dis] * rep, axis=1)
        h = jnp.dot(out1, wi_ref[...], preferred_element_type=jnp.float32)
        hs_ref[...] = h * disw
        root2_ref[...] = (
            jnp.dot(out1, wr_ref[...], preferred_element_type=jnp.float32)
            + b_ref[...]
        )

    return pl.pallas_call(
        body,
        grid=grid,
        in_specs=[
            pl.BlockSpec((NC, R, H), lambda i: (0, i, 0)),
            pl.BlockSpec((R, H), lambda i: (i, 0)),
            pl.BlockSpec((R, H), lambda i: (i, 0)),
            pl.BlockSpec(w2i.shape, lambda i: (0, 0)),
            pl.BlockSpec(w2r.shape, lambda i: (0, 0)),
            pl.BlockSpec((1, D2), lambda i: (0, 0)),
        ],
        out_specs=[
            pl.BlockSpec((R, D2), lambda i: (i, 0)),
            pl.BlockSpec((R, D2), lambda i: (i, 0)),
        ],
        out_shape=[
            jax.ShapeDtypeStruct((N_PAD, D2), jnp.float32),
            jax.ShapeDtypeStruct((N_PAD, D2), jnp.float32),
        ],
    )(agg1, dis16, root1, w2i, w2r, b2)


def _tc_c(agg2, dis16, root2):
    R = 512
    grid = (N_PAD // R,)
    H = dis16.shape[1]
    D2 = root2.shape[1]
    rep = D2 // H

    def body(agg_ref, dis_ref, root_ref, out_ref):
        disw = jnp.concatenate([dis_ref[...]] * rep, axis=1)
        out_ref[...] = jnp.maximum(
            disw * (agg_ref[0] + agg_ref[1]) + root_ref[...], 0.0)

    return pl.pallas_call(
        body,
        grid=grid,
        in_specs=[
            pl.BlockSpec((NC, R, D2), lambda i: (0, i, 0)),
            pl.BlockSpec((R, H), lambda i: (i, 0)),
            pl.BlockSpec((R, D2), lambda i: (i, 0)),
        ],
        out_specs=pl.BlockSpec((R, D2), lambda i: (i, 0)),
        out_shape=jax.ShapeDtypeStruct((N_PAD, D2), jnp.float32),
    )(agg2, dis16, root2)


@jax.jit
def _run(x, edge_index, W1_init, W1_root, b1, W2_init, W2_root, b2):
    N, F = x.shape
    E = edge_index.shape[1]
    H = W1_init.shape[1]
    C = W2_init.shape[1]
    D2 = 48

    ch = -(-E // (NW * BB))
    e_pad = NW * ch * BB

    row = jnp.concatenate(
        [edge_index[0], jnp.full((e_pad - E,), SENT, jnp.int32)]
    ).reshape(NW, ch, BB)
    col = jnp.concatenate(
        [edge_index[1], jnp.full((e_pad - E,), SENT, jnp.int32)]
    ).reshape(NW, ch, BB)

    x_pad = jnp.zeros((N_PAD, F), jnp.float32).at[:N].set(x)
    w2i = jnp.zeros((H, D2), jnp.float32).at[:, :C].set(W2_init)
    w2r = jnp.zeros((H, D2), jnp.float32).at[:, :C].set(W2_root)
    b2p = jnp.zeros((1, D2), jnp.float32).at[0, :C].set(b2)
    b1p = b1.reshape(1, H)

    zeros16 = jnp.zeros((N_PAD, H), jnp.float32)
    zeros48 = jnp.zeros((N_PAD, D2), jnp.float32)
    ones_b = jnp.ones((BB, H), jnp.float32)

    deg = _seg_kernel(H, with_gather=False)(ch)(col, ones_b, zeros16)
    hs1, root1, dis16 = _tc_a(deg, x_pad, W1_init, W1_root, b1p)
    agg1 = _seg_kernel(H, with_gather=True)(ch)(row, col, hs1, zeros16)
    hs2, root2 = _tc_b(agg1, dis16, root1, w2i, w2r, b2p)
    agg2 = _seg_kernel(D2, with_gather=True)(ch)(row, col, hs2, zeros48)
    out = _tc_c(agg2, dis16, root2)
    return out[:N, :C]


def kernel(x, edge_index, W1_init, W1_root, b1, W2_init, W2_root, b2):
    return _run(x, edge_index, W1_init, W1_root, b1, W2_init, W2_root, b2)

# --- scband reference (transcript-rebuilt; emitter-appended) ---
"""Pipeline reference for scband-net-33586644255234 (READ-ONLY COPY).

The authoritative reference and input builder live on the scoring server;
editing this copy changes nothing except your own understanding.
"""

import jax, jax.numpy as jnp
import numpy as np


def setup_inputs(seed: int = 0):
    key = jax.random.key(seed)
    N, E, F_in, H, C = 10000, 320000, 128, 16, 40
    ks = jax.random.split(key, 8)
    x = jax.random.normal(ks[0], (N, F_in), dtype=jnp.float32)
    edge_index = jax.random.randint(ks[1], (2, E), 0, N, dtype=jnp.int32)

    def glorot(k, fi, fo):
        s = (6.0 / (fi + fo)) ** 0.5
        return jax.random.uniform(k, (fi, fo), dtype=jnp.float32, minval=-s, maxval=s)

    W1_init = glorot(ks[2], F_in, H)
    W1_root = glorot(ks[3], F_in, H)
    b1 = jnp.zeros((H,), dtype=jnp.float32)
    W2_init = glorot(ks[4], H, C)
    W2_root = glorot(ks[5], H, C)
    b2 = jnp.zeros((C,), dtype=jnp.float32)
    return {"x": x, "edge_index": edge_index, "W1_init": W1_init, "W1_root": W1_root,
            "b1": b1, "W2_init": W2_init, "W2_root": W2_root, "b2": b2}


def _gcn_norm(edge_index, num_nodes):
    # gcn_norm with add_self_loops=False, as used by ARMAConv
    row, col = edge_index[0], edge_index[1]
    ones = jnp.ones(edge_index.shape[1], dtype=jnp.float32)
    deg = jnp.zeros((num_nodes,), dtype=jnp.float32).at[col].add(ones)
    dis = jnp.where(deg > 0, deg ** -0.5, 0.0)
    return dis[row] * dis[col]


def _arma_conv(x, edge_index, norm, W_init, W_root, b):
    # ARMAConv with num_stacks=1, num_layers=1, act=ReLU, internal dropout=0 (eval mode)
    row, col = edge_index[0], edge_index[1]
    h = x @ W_init
    msg = h[row] * norm[:, None]
    agg = jnp.zeros_like(h).at[col].add(msg)
    out = agg + x @ W_root + b
    return jax.nn.relu(out)


def reference(x, edge_index, W1_init, W1_root, b1, W2_init, W2_root, b2):
    # Net.forward in eval mode: dropout layers are identity
    norm = _gcn_norm(edge_index, x.shape[0])
    h = _arma_conv(x, edge_index, norm, W1_init, W1_root, b1)
    h = jax.nn.relu(h)
    out = _arma_conv(h, edge_index, norm, W2_init, W2_root, b2)
    return out

if __name__ == "__main__":
    import jax
    _d = setup_inputs()
    print(jax.jit(kernel)(*tuple(_d.values())))

</pallas_src>

<mosaic_0001>
#map = affine_map<(d0, d1) -> (0, 0, 0)>
#map1 = affine_map<(d0, d1) -> (0, 0)>
module attributes {stable_mosaic.version = 14 : i64} {
  func.func @body(%arg0: i32, %arg1: i32, %arg2: memref<32x20x512xi32, #tpu.memory_space<hbm>>, %arg3: memref<512x16xf32, #tpu.memory_space<hbm>>, %arg4: memref<10240x16xf32, #tpu.memory_space<hbm>>, %arg5: memref<2x10240x16xf32, #tpu.memory_space<hbm>>, %arg6: memref<20x512xi32, #tpu.memory_space<vmem>>, %arg7: memref<512x16xf32, #tpu.memory_space<vmem>>, %arg8: memref<10240x16xf32, #tpu.memory_space<vmem_shared>>, %arg9: memref<!tpu.dma_semaphore, #tpu.memory_space<semaphore_mem>>, %arg10: memref<!tpu.dma_semaphore, #tpu.memory_space<semaphore_mem>>) attributes {dimension_semantics = [#tpu.dimension_semantics<core_parallel>, #tpu.dimension_semantics<subcore_parallel>], iteration_bounds = array<i64: 2, 16>, scalar_prefetch = 0 : i64, scratch_operands = 5 : i64, tpu.core_type = #tpu.core_type<sc_vector_subcore>, window_params = [{transform_indices = #map}, {transform_indices = #map1}, {transform_indices = #map1}, {transform_indices = #map}]} {
    %mul3A = arith.constant 16 : i32
    %mul3A_0 = arith.muli %arg0, %mul3A : i32
    %add3A = arith.addi %mul3A_0, %arg1 : i32
    %mul3A_1 = arith.constant 640 : i32
    %mul3A_2 = arith.muli %arg1, %mul3A_1 : i32
    "tpu.region"() ({
      %run_scoped3A = tpu.sem_alloc : memref<!tpu.dma_semaphore, #tpu.memory_space<semaphore_mem>>
      %dma_start3A = arith.constant 0 : i32
      %dma_start3A_9 = tpu.memref_slice %arg8[%mul3A_2, %dma_start3A] : memref<10240x16xf32, #tpu.memory_space<vmem_shared>> -> memref<640x16xf32, #tpu.memory_space<vmem_shared>>
      %dma_start3A_10 = arith.constant 0 : i32
      %dma_start3A_11 = tpu.memref_slice %arg4[%mul3A_2, %dma_start3A_10] : memref<10240x16xf32, #tpu.memory_space<hbm>> -> memref<640x16xf32, #tpu.memory_space<hbm>>
      tpu.enqueue_dma source(%dma_start3A_11 : memref<640x16xf32, #tpu.memory_space<hbm>>) target(%dma_start3A_9 : memref<640x16xf32, #tpu.memory_space<vmem_shared>>) target_semaphore(%run_scoped3A : memref<!tpu.dma_semaphore, #tpu.memory_space<semaphore_mem>>)
      %dma_wait3A = arith.constant 0 : i32
      %dma_wait3A_12 = tpu.memref_slice %arg8[%mul3A_2, %dma_wait3A] : memref<10240x16xf32, #tpu.memory_space<vmem_shared>> -> memref<640x16xf32, #tpu.memory_space<vmem_shared>>
      %dma_wait3A_13 = arith.constant 0 : i32
      %dma_wait3A_14 = tpu.memref_slice %arg4[%mul3A_2, %dma_wait3A_13] : memref<10240x16xf32, #tpu.memory_space<hbm>> -> memref<640x16xf32, #tpu.memory_space<hbm>>
      tpu.wait_dma2 semaphore(%run_scoped3A : memref<!tpu.dma_semaphore, #tpu.memory_space<semaphore_mem>>) src(%dma_wait3A_14 : memref<640x16xf32, #tpu.memory_space<hbm>>) dst(%dma_wait3A_12 : memref<640x16xf32, #tpu.memory_space<vmem_shared>>)
      tpu.yield
    }) : () -> ()
    "tpu.region"() ({
      %run_scoped3A = tpu.sem_alloc : memref<!tpu.dma_semaphore, #tpu.memory_space<semaphore_mem>>
      %dma_start3A = arith.constant 0 : i32
      %dma_start3A_9 = arith.constant 0 : i32
      %dma_start3A_10 = tpu.memref_slice %arg2[%add3A, %dma_start3A, %dma_start3A_9] : memref<32x20x512xi32, #tpu.memory_space<hbm>> -> memref<1x20x512xi32, #tpu.memory_space<hbm>>
      %dma_start3A_11 = tpu.memref_squeeze %dma_start3A_10 : memref<1x20x512xi32, #tpu.memory_space<hbm>> -> memref<20x512xi32, #tpu.memory_space<hbm>>
      %dma_start3A_12 = arith.constant 0 : i32
      %dma_start3A_13 = arith.constant 0 : i32
      %dma_start3A_14 = tpu.memref_slice %arg2[%add3A, %dma_start3A_12, %dma_start3A_13] : memref<32x20x512xi32, #tpu.memory_space<hbm>> -> memref<1x20x512xi32, #tpu.memory_space<hbm>>
      %dma_start3A_15 = tpu.memref_squeeze %dma_start3A_14 : memref<1x20x512xi32, #tpu.memory_space<hbm>> -> memref<20x512xi32, #tpu.memory_space<hbm>>
      tpu.enqueue_dma source(%dma_start3A_15 : memref<20x512xi32, #tpu.memory_space<hbm>>) target(%arg6 : memref<20x512xi32, #tpu.memory_space<vmem>>) target_semaphore(%run_scoped3A : memref<!tpu.dma_semaphore, #tpu.memory_space<semaphore_mem>>)
      %dma_wait3A = arith.constant 0 : i32
      %dma_wait3A_16 = arith.constant 0 : i32
      %dma_wait3A_17 = tpu.memref_slice %arg2[%add3A, %dma_wait3A, %dma_wait3A_16] : memref<32x20x512xi32, #tpu.memory_space<hbm>> -> memref<1x20x512xi32, #tpu.memory_space<hbm>>
      %dma_wait3A_18 = tpu.memref_squeeze %dma_wait3A_17 : memref<1x20x512xi32, #tpu.memory_space<hbm>> -> memref<20x512xi32, #tpu.memory_space<hbm>>
      %dma_wait3A_19 = arith.constant 0 : i32
      %dma_wait3A_20 = arith.constant 0 : i32
      %dma_wait3A_21 = tpu.memref_slice %arg2[%add3A, %dma_wait3A_19, %dma_wait3A_20] : memref<32x20x512xi32, #tpu.memory_space<hbm>> -> memref<1x20x512xi32, #tpu.memory_space<hbm>>
      %dma_wait3A_22 = tpu.memref_squeeze %dma_wait3A_21 : memref<1x20x512xi32, #tpu.memory_space<hbm>> -> memref<20x512xi32, #tpu.memory_space<hbm>>
      tpu.wait_dma2 semaphore(%run_scoped3A : memref<!tpu.dma_semaphore, #tpu.memory_space<semaphore_mem>>) src(%dma_wait3A_22 : memref<20x512xi32, #tpu.memory_space<hbm>>) dst(%arg6 : memref<20x512xi32, #tpu.memory_space<vmem>>)
      tpu.yield
    }) : () -> ()
    "tpu.region"() ({
      %run_scoped3A = tpu.sem_alloc : memref<!tpu.dma_semaphore, #tpu.memory_space<semaphore_mem>>
      tpu.enqueue_dma source(%arg3 : memref<512x16xf32, #tpu.memory_space<hbm>>) target(%arg7 : memref<512x16xf32, #tpu.memory_space<vmem>>) target_semaphore(%run_scoped3A : memref<!tpu.dma_semaphore, #tpu.memory_space<semaphore_mem>>)
      tpu.wait_dma2 semaphore(%run_scoped3A : memref<!tpu.dma_semaphore, #tpu.memory_space<semaphore_mem>>) src(%arg3 : memref<512x16xf32, #tpu.memory_space<hbm>>) dst(%arg7 : memref<512x16xf32, #tpu.memory_space<vmem>>)
      tpu.yield
    }) : () -> ()
    %barrier3A = arith.constant 0 : index
    tpu.barrier barrier_id(%barrier3A)
    %scan3A = arith.constant 0 : i32
    %scan3A_3 = arith.constant 0 : i32
    %scan3A_4 = arith.constant 20 : i32
    %scan3A_5 = arith.addi %scan3A_3, %scan3A_4 : i32
    %scan3A_6 = arith.constant 1 : i32
    scf.for %scan3A_9 = %scan3A_3 to %scan3A_5 step %scan3A_6  : i32 {
      "tpu.region"() ({
        %run_scoped3A = tpu.sem_alloc : memref<!tpu.dma_semaphore, #tpu.memory_space<semaphore_mem>>
        %dma_start3A = arith.constant 0 : i32
        %dma_start3A_10 = tpu.memref_slice %arg6[%scan3A_9, %dma_start3A] : memref<20x512xi32, #tpu.memory_space<vmem>> -> memref<1x512xi32, #tpu.memory_space<vmem>>
        %dma_start3A_11 = tpu.memref_squeeze %dma_start3A_10 : memref<1x512xi32, #tpu.memory_space<vmem>> -> memref<512xi32, #tpu.memory_space<vmem>>
        %dma_start3A_12 = arith.constant 0 : i32
        %dma_start3A_13 = arith.constant 0 : i32
        %dma_start3A_14 = tpu.memref_slice %arg8[%dma_start3A_12, %dma_start3A_13] : memref<10240x16xf32, #tpu.memory_space<vmem_shared>> -> memref<10240x16xf32, #tpu.memory_space<vmem_shared>>
        tpu.enqueue_indirect_dma source(%arg7 : memref<512x16xf32, #tpu.memory_space<vmem>>) target(%dma_start3A_14 : memref<10240x16xf32, #tpu.memory_space<vmem_shared>>) offsets(%dma_start3A_11 : memref<512xi32, #tpu.memory_space<vmem>>) semaphore(%run_scoped3A : memref<!tpu.dma_semaphore, #tpu.memory_space<semaphore_mem>>) {add = true}
        %dma_wait3A = arith.constant 0 : i32
        %dma_wait3A_15 = tpu.memref_slice %arg6[%scan3A_9, %dma_wait3A] : memref<20x512xi32, #tpu.memory_space<vmem>> -> memref<1x512xi32, #tpu.memory_space<vmem>>
        %dma_wait3A_16 = tpu.memref_squeeze %dma_wait3A_15 : memref<1x512xi32, #tpu.memory_space<vmem>> -> memref<512xi32, #tpu.memory_space<vmem>>
        %dma_wait3A_17 = arith.constant 0 : i32
        %dma_wait3A_18 = arith.constant 0 : i32
        %dma_wait3A_19 = tpu.memref_slice %arg8[%dma_wait3A_17, %dma_wait3A_18] : memref<10240x16xf32, #tpu.memory_space<vmem_shared>> -> memref<10240x16xf32, #tpu.memory_space<vmem_shared>>
        tpu.wait_indirect_dma semaphore(%run_scoped3A : memref<!tpu.dma_semaphore, #tpu.memory_space<semaphore_mem>>) src(%arg7 : memref<512x16xf32, #tpu.memory_space<vmem>>) dst(%dma_wait3A_19 : memref<10240x16xf32, #tpu.memory_space<vmem_shared>>)
        tpu.yield
      }) : () -> ()
    }
    %scan3A_7 = arith.constant 20 : i32
    %barrier3A_8 = arith.constant 0 : index
    tpu.barrier barrier_id(%barrier3A_8)
    "tpu.region"() ({
      %run_scoped3A = tpu.sem_alloc : memref<!tpu.dma_semaphore, #tpu.memory_space<semaphore_mem>>
      %dma_start3A = arith.constant 0 : i32
      %dma_start3A_9 = arith.constant 0 : i32
      %dma_start3A_10 = tpu.memref_slice %arg5[%arg0, %dma_start3A, %dma_start3A_9] : memref<2x10240x16xf32, #tpu.memory_space<hbm>> -> memref<1x10240x16xf32, #tpu.memory_space<hbm>>
      %dma_start3A_11 = tpu.memref_squeeze %dma_start3A_10 : memref<1x10240x16xf32, #tpu.memory_space<hbm>> -> memref<10240x16xf32, #tpu.memory_space<hbm>>
      %dma_start3A_12 = arith.constant 0 : i32
      %dma_start3A_13 = tpu.memref_slice %dma_start3A_11[%mul3A_2, %dma_start3A_12] : memref<10240x16xf32, #tpu.memory_space<hbm>> -> memref<640x16xf32, #tpu.memory_space<hbm>>
      %dma_start3A_14 = arith.constant 0 : i32
      %dma_start3A_15 = tpu.memref_slice %arg8[%mul3A_2, %dma_start3A_14] : memref<10240x16xf32, #tpu.memory_space<vmem_shared>> -> memref<640x16xf32, #tpu.memory_space<vmem_shared>>
      tpu.enqueue_dma source(%dma_start3A_15 : memref<640x16xf32, #tpu.memory_space<vmem_shared>>) target(%dma_start3A_13 : memref<640x16xf32, #tpu.memory_space<hbm>>) target_semaphore(%run_scoped3A : memref<!tpu.dma_semaphore, #tpu.memory_space<semaphore_mem>>)
      %dma_wait3A = arith.constant 0 : i32
      %dma_wait3A_16 = arith.constant 0 : i32
      %dma_wait3A_17 = tpu.memref_slice %arg5[%arg0, %dma_wait3A, %dma_wait3A_16] : memref<2x10240x16xf32, #tpu.memory_space<hbm>> -> memref<1x10240x16xf32, #tpu.memory_space<hbm>>
      %dma_wait3A_18 = tpu.memref_squeeze %dma_wait3A_17 : memref<1x10240x16xf32, #tpu.memory_space<hbm>> -> memref<10240x16xf32, #tpu.memory_space<hbm>>
      %dma_wait3A_19 = arith.constant 0 : i32
      %dma_wait3A_20 = tpu.memref_slice %dma_wait3A_18[%mul3A_2, %dma_wait3A_19] : memref<10240x16xf32, #tpu.memory_space<hbm>> -> memref<640x16xf32, #tpu.memory_space<hbm>>
      %dma_wait3A_21 = arith.constant 0 : i32
      %dma_wait3A_22 = tpu.memref_slice %arg8[%mul3A_2, %dma_wait3A_21] : memref<10240x16xf32, #tpu.memory_space<vmem_shared>> -> memref<640x16xf32, #tpu.memory_space<vmem_shared>>
      tpu.wait_dma2 semaphore(%run_scoped3A : memref<!tpu.dma_semaphore, #tpu.memory_space<semaphore_mem>>) src(%dma_wait3A_22 : memref<640x16xf32, #tpu.memory_space<vmem_shared>>) dst(%dma_wait3A_20 : memref<640x16xf32, #tpu.memory_space<hbm>>)
      tpu.yield
    }) : () -> ()
    return
  }
}

#map = affine_map<(d0, d1) -> (0, 0, 0)>
#map1 = affine_map<(d0, d1) -> (0, 0)>
module attributes {stable_mosaic.version = 14 : i64} {
  func.func @body(%arg0: i32, %arg1: i32, %arg2: memref<32x20x512xi32, #tpu.memory_space<hbm>>, %arg3: memref<32x20x512xi32, #tpu.memory_space<hbm>>, %arg4: memref<10240x48xf32, #tpu.memory_space<hbm>>, %arg5: memref<10240x48xf32, #tpu.memory_space<hbm>>, %arg6: memref<2x10240x48xf32, #tpu.memory_space<hbm>>, %arg7: memref<10x512xi32, #tpu.memory_space<vmem>>, %arg8: memref<10x512xi32, #tpu.memory_space<vmem>>, %arg9: memref<10x512xi32, #tpu.memory_space<vmem>>, %arg10: memref<10x512xi32, #tpu.memory_space<vmem>>, %arg11: memref<512x48xf32, #tpu.memory_space<vmem>>, %arg12: memref<512x48xf32, #tpu.memory_space<vmem>>, %arg13: memref<10240x48xf32, #tpu.memory_space<vmem_shared>>, %arg14: memref<!tpu.dma_semaphore, #tpu.memory_space<semaphore_mem>>, %arg15: memref<!tpu.dma_semaphore, #tpu.memory_space<semaphore_mem>>, %arg16: memref<!tpu.dma_semaphore, #tpu.memory_space<semaphore_mem>>) attributes {dimension_semantics = [#tpu.dimension_semantics<core_parallel>, #tpu.dimension_semantics<subcore_parallel>], iteration_bounds = array<i64: 2, 16>, scalar_prefetch = 0 : i64, scratch_operands = 10 : i64, tpu.core_type = #tpu.core_type<sc_vector_subcore>, window_params = [{transform_indices = #map}, {transform_indices = #map}, {transform_indices = #map1}, {transform_indices = #map1}, {transform_indices = #map}]} {
    %mul3A = arith.constant 16 : i32
    %mul3A_0 = arith.muli %arg0, %mul3A : i32
    %add3A = arith.addi %mul3A_0, %arg1 : i32
    %mul3A_1 = arith.constant 640 : i32
    %mul3A_2 = arith.muli %arg1, %mul3A_1 : i32
    "tpu.region"() ({
      %run_scoped3A = tpu.sem_alloc : memref<!tpu.dma_semaphore, #tpu.memory_space<semaphore_mem>>
      %dma_start3A = arith.constant 0 : i32
      %dma_start3A_9 = tpu.memref_slice %arg13[%mul3A_2, %dma_start3A] : memref<10240x48xf32, #tpu.memory_space<vmem_shared>> -> memref<640x48xf32, #tpu.memory_space<vmem_shared>>
      %dma_start3A_10 = arith.constant 0 : i32
      %dma_start3A_11 = tpu.memref_slice %arg5[%mul3A_2, %dma_start3A_10] : memref<10240x48xf32, #tpu.memory_space<hbm>> -> memref<640x48xf32, #tpu.memory_space<hbm>>
      tpu.enqueue_dma source(%dma_start3A_11 : memref<640x48xf32, #tpu.memory_space<hbm>>) target(%dma_start3A_9 : memref<640x48xf32, #tpu.memory_space<vmem_shared>>) target_semaphore(%run_scoped3A : memref<!tpu.dma_semaphore, #tpu.memory_space<semaphore_mem>>)
      %dma_wait3A = arith.constant 0 : i32
      %dma_wait3A_12 = tpu.memref_slice %arg13[%mul3A_2, %dma_wait3A] : memref<10240x48xf32, #tpu.memory_space<vmem_shared>> -> memref<640x48xf32, #tpu.memory_space<vmem_shared>>
      %dma_wait3A_13 = arith.constant 0 : i32
      %dma_wait3A_14 = tpu.memref_slice %arg5[%mul3A_2, %dma_wait3A_13] : memref<10240x48xf32, #tpu.memory_space<hbm>> -> memref<640x48xf32, #tpu.memory_space<hbm>>
      tpu.wait_dma2 semaphore(%run_scoped3A : memref<!tpu.dma_semaphore, #tpu.memory_space<semaphore_mem>>) src(%dma_wait3A_14 : memref<640x48xf32, #tpu.memory_space<hbm>>) dst(%dma_wait3A_12 : memref<640x48xf32, #tpu.memory_space<vmem_shared>>)
      tpu.yield
    }) : () -> ()
    "tpu.region"() ({
      %run_scoped3A = tpu.sem_alloc : memref<!tpu.dma_semaphore, #tpu.memory_space<semaphore_mem>>
      %dma_start3A = arith.constant 0 : i32
      %dma_start3A_9 = arith.constant 0 : i32
      %dma_start3A_10 = tpu.memref_slice %arg3[%add3A, %dma_start3A, %dma_start3A_9] : memref<32x20x512xi32, #tpu.memory_space<hbm>> -> memref<1x20x512xi32, #tpu.memory_space<hbm>>
      %dma_start3A_11 = tpu.memref_squeeze %dma_start3A_10 : memref<1x20x512xi32, #tpu.memory_space<hbm>> -> memref<20x512xi32, #tpu.memory_space<hbm>>
      %dma_start3A_12 = arith.constant 0 : i32
      %dma_start3A_13 = arith.constant 0 : i32
      %dma_start3A_14 = tpu.memref_slice %dma_start3A_11[%dma_start3A_12, %dma_start3A_13] : memref<20x512xi32, #tpu.memory_space<hbm>> -> memref<10x512xi32, #tpu.memory_space<hbm>>
      %dma_start3A_15 = arith.constant 0 : i32
      %dma_start3A_16 = arith.constant 0 : i32
      %dma_start3A_17 = tpu.memref_slice %arg3[%add3A, %dma_start3A_15, %dma_start3A_16] : memref<32x20x512xi32, #tpu.memory_space<hbm>> -> memref<1x20x512xi32, #tpu.memory_space<hbm>>
      %dma_start3A_18 = tpu.memref_squeeze %dma_start3A_17 : memref<1x20x512xi32, #tpu.memory_space<hbm>> -> memref<20x512xi32, #tpu.memory_space<hbm>>
      %dma_start3A_19 = arith.constant 0 : i32
      %dma_start3A_20 = arith.constant 0 : i32
      %dma_start3A_21 = tpu.memref_slice %dma_start3A_18[%dma_start3A_19, %dma_start3A_20] : memref<20x512xi32, #tpu.memory_space<hbm>> -> memref<10x512xi32, #tpu.memory_space<hbm>>
      tpu.enqueue_dma source(%dma_start3A_21 : memref<10x512xi32, #tpu.memory_space<hbm>>) target(%arg9 : memref<10x512xi32, #tpu.memory_space<vmem>>) target_semaphore(%run_scoped3A : memref<!tpu.dma_semaphore, #tpu.memory_space<semaphore_mem>>)
      %dma_wait3A = arith.constant 0 : i32
      %dma_wait3A_22 = arith.constant 0 : i32
      %dma_wait3A_23 = tpu.memref_slice %arg3[%add3A, %dma_wait3A, %dma_wait3A_22] : memref<32x20x512xi32, #tpu.memory_space<hbm>> -> memref<1x20x512xi32, #tpu.memory_space<hbm>>
      %dma_wait3A_24 = tpu.memref_squeeze %dma_wait3A_23 : memref<1x20x512xi32, #tpu.memory_space<hbm>> -> memref<20x512xi32, #tpu.memory_space<hbm>>
      %dma_wait3A_25 = arith.constant 0 : i32
      %dma_wait3A_26 = arith.constant 0 : i32
      %dma_wait3A_27 = tpu.memref_slice %dma_wait3A_24[%dma_wait3A_25, %dma_wait3A_26] : memref<20x512xi32, #tpu.memory_space<hbm>> -> memref<10x512xi32, #tpu.memory_space<hbm>>
      %dma_wait3A_28 = arith.constant 0 : i32
      %dma_wait3A_29 = arith.constant 0 : i32
      %dma_wait3A_30 = tpu.memref_slice %arg3[%add3A, %dma_wait3A_28, %dma_wait3A_29] : memref<32x20x512xi32, #tpu.memory_space<hbm>> -> memref<1x20x512xi32, #tpu.memory_space<hbm>>
      %dma_wait3A_31 = tpu.memref_squeeze %dma_wait3A_30 : memref<1x20x512xi32, #tpu.memory_space<hbm>> -> memref<20x512xi32, #tpu.memory_space<hbm>>
      %dma_wait3A_32 = arith.constant 0 : i32
      %dma_wait3A_33 = arith.constant 0 : i32
      %dma_wait3A_34 = tpu.memref_slice %dma_wait3A_31[%dma_wait3A_32, %dma_wait3A_33] : memref<20x512xi32, #tpu.memory_space<hbm>> -> memref<10x512xi32, #tpu.memory_space<hbm>>
      tpu.wait_dma2 semaphore(%run_scoped3A : memref<!tpu.dma_semaphore, #tpu.memory_space<semaphore_mem>>) src(%dma_wait3A_34 : memref<10x512xi32, #tpu.memory_space<hbm>>) dst(%arg9 : memref<10x512xi32, #tpu.memory_space<vmem>>)
      tpu.yield
    }) : () -> ()
    "tpu.region"() ({
      %run_scoped3A = tpu.sem_alloc : memref<!tpu.dma_semaphore, #tpu.memory_space<semaphore_mem>>
      %dma_start3A = arith.constant 0 : i32
      %dma_start3A_9 = arith.constant 0 : i32
      %dma_start3A_10 = tpu.memref_slice %arg3[%add3A, %dma_start3A, %dma_start3A_9] : memref<32x20x512xi32, #tpu.memory_space<hbm>> -> memref<1x20x512xi32, #tpu.memory_space<hbm>>
      %dma_start3A_11 = tpu.memref_squeeze %dma_start3A_10 : memref<1x20x512xi32, #tpu.memory_space<hbm>> -> memref<20x512xi32, #tpu.memory_space<hbm>>
      %dma_start3A_12 = arith.constant 10 : i32
      %dma_start3A_13 = arith.constant 0 : i32
      %dma_start3A_14 = tpu.memref_slice %dma_start3A_11[%dma_start3A_12, %dma_start3A_13] : memref<20x512xi32, #tpu.memory_space<hbm>> -> memref<10x512xi32, #tpu.memory_space<hbm>>
      %dma_start3A_15 = arith.constant 0 : i32
      %dma_start3A_16 = arith.constant 0 : i32
      %dma_start3A_17 = tpu.memref_slice %arg3[%add3A, %dma_start3A_15, %dma_start3A_16] : memref<32x20x512xi32, #tpu.memory_space<hbm>> -> memref<1x20x512xi32, #tpu.memory_space<hbm>>
      %dma_start3A_18 = tpu.memref_squeeze %dma_start3A_17 : memref<1x20x512xi32, #tpu.memory_space<hbm>> -> memref<20x512xi32, #tpu.memory_space<hbm>>
      %dma_start3A_19 = arith.constant 10 : i32
      %dma_start3A_20 = arith.constant 0 : i32
      %dma_start3A_21 = tpu.memref_slice %dma_start3A_18[%dma_start3A_19, %dma_start3A_20] : memref<20x512xi32, #tpu.memory_space<hbm>> -> memref<10x512xi32, #tpu.memory_space<hbm>>
      tpu.enqueue_dma source(%dma_start3A_21 : memref<10x512xi32, #tpu.memory_space<hbm>>) target(%arg10 : memref<10x512xi32, #tpu.memory_space<vmem>>) target_semaphore(%run_scoped3A : memref<!tpu.dma_semaphore, #tpu.memory_space<semaphore_mem>>)
      %dma_wait3A = arith.constant 0 : i32
      %dma_wait3A_22 = arith.constant 0 : i32
      %dma_wait3A_23 = tpu.memref_slice %arg3[%add3A, %dma_wait3A, %dma_wait3A_22] : memref<32x20x512xi32, #tpu.memory_space<hbm>> -> memref<1x20x512xi32, #tpu.memory_space<hbm>>
      %dma_wait3A_24 = tpu.memref_squeeze %dma_wait3A_23 : memref<1x20x512xi32, #tpu.memory_space<hbm>> -> memref<20x512xi32, #tpu.memory_space<hbm>>
      %dma_wait3A_25 = arith.constant 10 : i32
      %dma_wait3A_26 = arith.constant 0 : i32
      %dma_wait3A_27 = tpu.memref_slice %dma_wait3A_24[%dma_wait3A_25, %dma_wait3A_26] : memref<20x512xi32, #tpu.memory_space<hbm>> -> memref<10x512xi32, #tpu.memory_space<hbm>>
      %dma_wait3A_28 = arith.constant 0 : i32
      %dma_wait3A_29 = arith.constant 0 : i32
      %dma_wait3A_30 = tpu.memref_slice %arg3[%add3A, %dma_wait3A_28, %dma_wait3A_29] : memref<32x20x512xi32, #tpu.memory_space<hbm>> -> memref<1x20x512xi32, #tpu.memory_space<hbm>>
      %dma_wait3A_31 = tpu.memref_squeeze %dma_wait3A_30 : memref<1x20x512xi32, #tpu.memory_space<hbm>> -> memref<20x512xi32, #tpu.memory_space<hbm>>
      %dma_wait3A_32 = arith.constant 10 : i32
      %dma_wait3A_33 = arith.constant 0 : i32
      %dma_wait3A_34 = tpu.memref_slice %dma_wait3A_31[%dma_wait3A_32, %dma_wait3A_33] : memref<20x512xi32, #tpu.memory_space<hbm>> -> memref<10x512xi32, #tpu.memory_space<hbm>>
      tpu.wait_dma2 semaphore(%run_scoped3A : memref<!tpu.dma_semaphore, #tpu.memory_space<semaphore_mem>>) src(%dma_wait3A_34 : memref<10x512xi32, #tpu.memory_space<hbm>>) dst(%arg10 : memref<10x512xi32, #tpu.memory_space<vmem>>)
      tpu.yield
    }) : () -> ()
    "tpu.region"() ({
      %run_scoped3A = tpu.sem_alloc : memref<!tpu.dma_semaphore, #tpu.memory_space<semaphore_mem>>
      %dma_start3A = arith.constant 0 : i32
      %dma_start3A_9 = arith.constant 0 : i32
      %dma_start3A_10 = tpu.memref_slice %arg2[%add3A, %dma_start3A, %dma_start3A_9] : memref<32x20x512xi32, #tpu.memory_space<hbm>> -> memref<1x20x512xi32, #tpu.memory_space<hbm>>
      %dma_start3A_11 = tpu.memref_squeeze %dma_start3A_10 : memref<1x20x512xi32, #tpu.memory_space<hbm>> -> memref<20x512xi32, #tpu.memory_space<hbm>>
      %dma_start3A_12 = arith.constant 0 : i32
      %dma_start3A_13 = arith.constant 0 : i32
      %dma_start3A_14 = tpu.memref_slice %dma_start3A_11[%dma_start3A_12, %dma_start3A_13] : memref<20x512xi32, #tpu.memory_space<hbm>> -> memref<10x512xi32, #tpu.memory_space<hbm>>
      %dma_start3A_15 = arith.constant 0 : i32
      %dma_start3A_16 = arith.constant 0 : i32
      %dma_start3A_17 = tpu.memref_slice %arg2[%add3A, %dma_start3A_15, %dma_start3A_16] : memref<32x20x512xi32, #tpu.memory_space<hbm>> -> memref<1x20x512xi32, #tpu.memory_space<hbm>>
      %dma_start3A_18 = tpu.memref_squeeze %dma_start3A_17 : memref<1x20x512xi32, #tpu.memory_space<hbm>> -> memref<20x512xi32, #tpu.memory_space<hbm>>
      %dma_start3A_19 = arith.constant 0 : i32
      %dma_start3A_20 = arith.constant 0 : i32
      %dma_start3A_21 = tpu.memref_slice %dma_start3A_18[%dma_start3A_19, %dma_start3A_20] : memref<20x512xi32, #tpu.memory_space<hbm>> -> memref<10x512xi32, #tpu.memory_space<hbm>>
      tpu.enqueue_dma source(%dma_start3A_21 : memref<10x512xi32, #tpu.memory_space<hbm>>) target(%arg7 : memref<10x512xi32, #tpu.memory_space<vmem>>) target_semaphore(%run_scoped3A : memref<!tpu.dma_semaphore, #tpu.memory_space<semaphore_mem>>)
      %dma_wait3A = arith.constant 0 : i32
      %dma_wait3A_22 = arith.constant 0 : i32
      %dma_wait3A_23 = tpu.memref_slice %arg2[%add3A, %dma_wait3A, %dma_wait3A_22] : memref<32x20x512xi32, #tpu.memory_space<hbm>> -> memref<1x20x512xi32, #tpu.memory_space<hbm>>
      %dma_wait3A_24 = tpu.memref_squeeze %dma_wait3A_23 : memref<1x20x512xi32, #tpu.memory_space<hbm>> -> memref<20x512xi32, #tpu.memory_space<hbm>>
      %dma_wait3A_25 = arith.constant 0 : i32
      %dma_wait3A_26 = arith.constant 0 : i32
      %dma_wait3A_27 = tpu.memref_slice %dma_wait3A_24[%dma_wait3A_25, %dma_wait3A_26] : memref<20x512xi32, #tpu.memory_space<hbm>> -> memref<10x512xi32, #tpu.memory_space<hbm>>
      %dma_wait3A_28 = arith.constant 0 : i32
      %dma_wait3A_29 = arith.constant 0 : i32
      %dma_wait3A_30 = tpu.memref_slice %arg2[%add3A, %dma_wait3A_28, %dma_wait3A_29] : memref<32x20x512xi32, #tpu.memory_space<hbm>> -> memref<1x20x512xi32, #tpu.memory_space<hbm>>
      %dma_wait3A_31 = tpu.memref_squeeze %dma_wait3A_30 : memref<1x20x512xi32, #tpu.memory_space<hbm>> -> memref<20x512xi32, #tpu.memory_space<hbm>>
      %dma_wait3A_32 = arith.constant 0 : i32
      %dma_wait3A_33 = arith.constant 0 : i32
      %dma_wait3A_34 = tpu.memref_slice %dma_wait3A_31[%dma_wait3A_32, %dma_wait3A_33] : memref<20x512xi32, #tpu.memory_space<hbm>> -> memref<10x512xi32, #tpu.memory_space<hbm>>
      tpu.wait_dma2 semaphore(%run_scoped3A : memref<!tpu.dma_semaphore, #tpu.memory_space<semaphore_mem>>) src(%dma_wait3A_34 : memref<10x512xi32, #tpu.memory_space<hbm>>) dst(%arg7 : memref<10x512xi32, #tpu.memory_space<vmem>>)
      tpu.yield
    }) : () -> ()
    "tpu.region"() ({
      %run_scoped3A = tpu.sem_alloc : memref<!tpu.dma_semaphore, #tpu.memory_space<semaphore_mem>>
      %dma_start3A = arith.constant 0 : i32
      %dma_start3A_9 = arith.constant 0 : i32
      %dma_start3A_10 = tpu.memref_slice %arg2[%add3A, %dma_start3A, %dma_start3A_9] : memref<32x20x512xi32, #tpu.memory_space<hbm>> -> memref<1x20x512xi32, #tpu.memory_space<hbm>>
      %dma_start3A_11 = tpu.memref_squeeze %dma_start3A_10 : memref<1x20x512xi32, #tpu.memory_space<hbm>> -> memref<20x512xi32, #tpu.memory_space<hbm>>
      %dma_start3A_12 = arith.constant 10 : i32
      %dma_start3A_13 = arith.constant 0 : i32
      %dma_start3A_14 = tpu.memref_slice %dma_start3A_11[%dma_start3A_12, %dma_start3A_13] : memref<20x512xi32, #tpu.memory_space<hbm>> -> memref<10x512xi32, #tpu.memory_space<hbm>>
      %dma_start3A_15 = arith.constant 0 : i32
      %dma_start3A_16 = arith.constant 0 : i32
      %dma_start3A_17 = tpu.memref_slice %arg2[%add3A, %dma_start3A_15, %dma_start3A_16] : memref<32x20x512xi32, #tpu.memory_space<hbm>> -> memref<1x20x512xi32, #tpu.memory_space<hbm>>
      %dma_start3A_18 = tpu.memref_squeeze %dma_start3A_17 : memref<1x20x512xi32, #tpu.memory_space<hbm>> -> memref<20x512xi32, #tpu.memory_space<hbm>>
      %dma_start3A_19 = arith.constant 10 : i32
      %dma_start3A_20 = arith.constant 0 : i32
      %dma_start3A_21 = tpu.memref_slice %dma_start3A_18[%dma_start3A_19, %dma_start3A_20] : memref<20x512xi32, #tpu.memory_space<hbm>> -> memref<10x512xi32, #tpu.memory_space<hbm>>
      tpu.enqueue_dma source(%dma_start3A_21 : memref<10x512xi32, #tpu.memory_space<hbm>>) target(%arg8 : memref<10x512xi32, #tpu.memory_space<vmem>>) target_semaphore(%run_scoped3A : memref<!tpu.dma_semaphore, #tpu.memory_space<semaphore_mem>>)
      %dma_wait3A = arith.constant 0 : i32
      %dma_wait3A_22 = arith.constant 0 : i32
      %dma_wait3A_23 = tpu.memref_slice %arg2[%add3A, %dma_wait3A, %dma_wait3A_22] : memref<32x20x512xi32, #tpu.memory_space<hbm>> -> memref<1x20x512xi32, #tpu.memory_space<hbm>>
      %dma_wait3A_24 = tpu.memref_squeeze %dma_wait3A_23 : memref<1x20x512xi32, #tpu.memory_space<hbm>> -> memref<20x512xi32, #tpu.memory_space<hbm>>
      %dma_wait3A_25 = arith.constant 10 : i32
      %dma_wait3A_26 = arith.constant 0 : i32
      %dma_wait3A_27 = tpu.memref_slice %dma_wait3A_24[%dma_wait3A_25, %dma_wait3A_26] : memref<20x512xi32, #tpu.memory_space<hbm>> -> memref<10x512xi32, #tpu.memory_space<hbm>>
      %dma_wait3A_28 = arith.constant 0 : i32
      %dma_wait3A_29 = arith.constant 0 : i32
      %dma_wait3A_30 = tpu.memref_slice %arg2[%add3A, %dma_wait3A_28, %dma_wait3A_29] : memref<32x20x512xi32, #tpu.memory_space<hbm>> -> memref<1x20x512xi32, #tpu.memory_space<hbm>>
      %dma_wait3A_31 = tpu.memref_squeeze %dma_wait3A_30 : memref<1x20x512xi32, #tpu.memory_space<hbm>> -> memref<20x512xi32, #tpu.memory_space<hbm>>
      %dma_wait3A_32 = arith.constant 10 : i32
      %dma_wait3A_33 = arith.constant 0 : i32
      %dma_wait3A_34 = tpu.memref_slice %dma_wait3A_31[%dma_wait3A_32, %dma_wait3A_33] : memref<20x512xi32, #tpu.memory_space<hbm>> -> memref<10x512xi32, #tpu.memory_space<hbm>>
      tpu.wait_dma2 semaphore(%run_scoped3A : memref<!tpu.dma_semaphore, #tpu.memory_space<semaphore_mem>>) src(%dma_wait3A_34 : memref<10x512xi32, #tpu.memory_space<hbm>>) dst(%arg8 : memref<10x512xi32, #tpu.memory_space<vmem>>)
      tpu.yield
    }) : () -> ()
    %barrier3A = arith.constant 0 : index
    tpu.barrier barrier_id(%barrier3A)
    %scan3A = arith.constant 0 : i32
    %scan3A_3 = arith.constant 0 : i32
    %scan3A_4 = arith.constant 10 : i32
    %scan3A_5 = arith.addi %scan3A_3, %scan3A_4 : i32
    %scan3A_6 = arith.constant 1 : i32
    scf.for %scan3A_9 = %scan3A_3 to %scan3A_5 step %scan3A_6  : i32 {
      %dma_start3A = arith.constant 0 : i32
      %dma_start3A_10 = tpu.memref_slice %arg7[%scan3A_9, %dma_start3A] : memref<10x512xi32, #tpu.memory_space<vmem>> -> memref<1x512xi32, #tpu.memory_space<vmem>>
      %dma_start3A_11 = tpu.memref_squeeze %dma_start3A_10 : memref<1x512xi32, #tpu.memory_space<vmem>> -> memref<512xi32, #tpu.memory_space<vmem>>
      %dma_start3A_12 = arith.constant 0 : i32
      %dma_start3A_13 = arith.constant 0 : i32
      %dma_start3A_14 = tpu.memref_slice %arg4[%dma_start3A_12, %dma_start3A_13] : memref<10240x48xf32, #tpu.memory_space<hbm>> -> memref<10240x48xf32, #tpu.memory_space<hbm>>
      tpu.enqueue_indirect_dma source(%dma_start3A_14 : memref<10240x48xf32, #tpu.memory_space<hbm>>) target(%arg11 : memref<512x48xf32, #tpu.memory_space<vmem>>) offsets(%dma_start3A_11 : memref<512xi32, #tpu.memory_space<vmem>>) semaphore(%arg14 : memref<!tpu.dma_semaphore, #tpu.memory_space<semaphore_mem>>)
      %dma_start3A_15 = arith.constant 0 : i32
      %dma_start3A_16 = tpu.memref_slice %arg8[%scan3A_9, %dma_start3A_15] : memref<10x512xi32, #tpu.memory_space<vmem>> -> memref<1x512xi32, #tpu.memory_space<vmem>>
      %dma_start3A_17 = tpu.memref_squeeze %dma_start3A_16 : memref<1x512xi32, #tpu.memory_space<vmem>> -> memref<512xi32, #tpu.memory_space<vmem>>
      %dma_start3A_18 = arith.constant 0 : i32
      %dma_start3A_19 = arith.constant 0 : i32
      %dma_start3A_20 = tpu.memref_slice %arg4[%dma_start3A_18, %dma_start3A_19] : memref<10240x48xf32, #tpu.memory_space<hbm>> -> memref<10240x48xf32, #tpu.memory_space<hbm>>
      tpu.enqueue_indirect_dma source(%dma_start3A_20 : memref<10240x48xf32, #tpu.memory_space<hbm>>) target(%arg12 : memref<512x48xf32, #tpu.memory_space<vmem>>) offsets(%dma_start3A_17 : memref<512xi32, #tpu.memory_space<vmem>>) semaphore(%arg15 : memref<!tpu.dma_semaphore, #tpu.memory_space<semaphore_mem>>)
      %dma_wait3A = arith.constant 0 : i32
      %dma_wait3A_21 = tpu.memref_slice %arg7[%scan3A_9, %dma_wait3A] : memref<10x512xi32, #tpu.memory_space<vmem>> -> memref<1x512xi32, #tpu.memory_space<vmem>>
      %dma_wait3A_22 = tpu.memref_squeeze %dma_wait3A_21 : memref<1x512xi32, #tpu.memory_space<vmem>> -> memref<512xi32, #tpu.memory_space<vmem>>
      %dma_wait3A_23 = arith.constant 0 : i32
      %dma_wait3A_24 = arith.constant 0 : i32
      %dma_wait3A_25 = tpu.memref_slice %arg4[%dma_wait3A_23, %dma_wait3A_24] : memref<10240x48xf32, #tpu.memory_space<hbm>> -> memref<10240x48xf32, #tpu.memory_space<hbm>>
      tpu.wait_indirect_dma semaphore(%arg14 : memref<!tpu.dma_semaphore, #tpu.memory_space<semaphore_mem>>) src(%dma_wait3A_25 : memref<10240x48xf32, #tpu.memory_space<hbm>>) dst(%arg11 : memref<512x48xf32, #tpu.memory_space<vmem>>)
      "tpu.region"() ({
        %run_scoped3A = tpu.sem_alloc : memref<!tpu.dma_semaphore, #tpu.memory_space<semaphore_mem>>
        %dma_start3A_32 = arith.constant 0 : i32
        %dma_start3A_33 = tpu.memref_slice %arg9[%scan3A_9, %dma_start3A_32] : memref<10x512xi32, #tpu.memory_space<vmem>> -> memref<1x512xi32, #tpu.memory_space<vmem>>
        %dma_start3A_34 = tpu.memref_squeeze %dma_start3A_33 : memref<1x512xi32, #tpu.memory_space<vmem>> -> memref<512xi32, #tpu.memory_space<vmem>>
        %dma_start3A_35 = arith.constant 0 : i32
        %dma_start3A_36 = arith.constant 0 : i32
        %dma_start3A_37 = tpu.memref_slice %arg13[%dma_start3A_35, %dma_start3A_36] : memref<10240x48xf32, #tpu.memory_space<vmem_shared>> -> memref<10240x48xf32, #tpu.memory_space<vmem_shared>>
        tpu.enqueue_indirect_dma source(%arg11 : memref<512x48xf32, #tpu.memory_space<vmem>>) target(%dma_start3A_37 : memref<10240x48xf32, #tpu.memory_space<vmem_shared>>) offsets(%dma_start3A_34 : memref<512xi32, #tpu.memory_space<vmem>>) semaphore(%run_scoped3A : memref<!tpu.dma_semaphore, #tpu.memory_space<semaphore_mem>>) {add = true}
        %dma_wait3A_38 = arith.constant 0 : i32
        %dma_wait3A_39 = tpu.memref_slice %arg9[%scan3A_9, %dma_wait3A_38] : memref<10x512xi32, #tpu.memory_space<vmem>> -> memref<1x512xi32, #tpu.memory_space<vmem>>
        %dma_wait3A_40 = tpu.memref_squeeze %dma_wait3A_39 : memref<1x512xi32, #tpu.memory_space<vmem>> -> memref<512xi32, #tpu.memory_space<vmem>>
        %dma_wait3A_41 = arith.constant 0 : i32
        %dma_wait3A_42 = arith.constant 0 : i32
        %dma_wait3A_43 = tpu.memref_slice %arg13[%dma_wait3A_41, %dma_wait3A_42] : memref<10240x48xf32, #tpu.memory_space<vmem_shared>> -> memref<10240x48xf32, #tpu.memory_space<vmem_shared>>
        tpu.wait_indirect_dma semaphore(%run_scoped3A : memref<!tpu.dma_semaphore, #tpu.memory_space<semaphore_mem>>) src(%arg11 : memref<512x48xf32, #tpu.memory_space<vmem>>) dst(%dma_wait3A_43 : memref<10240x48xf32, #tpu.memory_space<vmem_shared>>)
        tpu.yield
      }) : () -> ()
      %dma_wait3A_26 = arith.constant 0 : i32
      %dma_wait3A_27 = tpu.memref_slice %arg8[%scan3A_9, %dma_wait3A_26] : memref<10x512xi32, #tpu.memory_space<vmem>> -> memref<1x512xi32, #tpu.memory_space<vmem>>
      %dma_wait3A_28 = tpu.memref_squeeze %dma_wait3A_27 : memref<1x512xi32, #tpu.memory_space<vmem>> -> memref<512xi32, #tpu.memory_space<vmem>>
      %dma_wait3A_29 = arith.constant 0 : i32
      %dma_wait3A_30 = arith.constant 0 : i32
      %dma_wait3A_31 = tpu.memref_slice %arg4[%dma_wait3A_29, %dma_wait3A_30] : memref<10240x48xf32, #tpu.memory_space<hbm>> -> memref<10240x48xf32, #tpu.memory_space<hbm>>
      tpu.wait_indirect_dma semaphore(%arg15 : memref<!tpu.dma_semaphore, #tpu.memory_space<semaphore_mem>>) src(%dma_wait3A_31 : memref<10240x48xf32, #tpu.memory_space<hbm>>) dst(%arg12 : memref<512x48xf32, #tpu.memory_space<vmem>>)
      "tpu.region"() ({
        %run_scoped3A = tpu.sem_alloc : memref<!tpu.dma_semaphore, #tpu.memory_space<semaphore_mem>>
        %dma_start3A_32 = arith.constant 0 : i32
        %dma_start3A_33 = tpu.memref_slice %arg10[%scan3A_9, %dma_start3A_32] : memref<10x512xi32, #tpu.memory_space<vmem>> -> memref<1x512xi32, #tpu.memory_space<vmem>>
        %dma_start3A_34 = tpu.memref_squeeze %dma_start3A_33 : memref<1x512xi32, #tpu.memory_space<vmem>> -> memref<512xi32, #tpu.memory_space<vmem>>
        %dma_start3A_35 = arith.constant 0 : i32
        %dma_start3A_36 = arith.constant 0 : i32
        %dma_start3A_37 = tpu.memref_slice %arg13[%dma_start3A_35, %dma_start3A_36] : memref<10240x48xf32, #tpu.memory_space<vmem_shared>> -> memref<10240x48xf32, #tpu.memory_space<vmem_shared>>
        tpu.enqueue_indirect_dma source(%arg12 : memref<512x48xf32, #tpu.memory_space<vmem>>) target(%dma_start3A_37 : memref<10240x48xf32, #tpu.memory_space<vmem_shared>>) offsets(%dma_start3A_34 : memref<512xi32, #tpu.memory_space<vmem>>) semaphore(%run_scoped3A : memref<!tpu.dma_semaphore, #tpu.memory_space<semaphore_mem>>) {add = true}
        %dma_wait3A_38 = arith.constant 0 : i32
        %dma_wait3A_39 = tpu.memref_slice %arg10[%scan3A_9, %dma_wait3A_38] : memref<10x512xi32, #tpu.memory_space<vmem>> -> memref<1x512xi32, #tpu.memory_space<vmem>>
        %dma_wait3A_40 = tpu.memref_squeeze %dma_wait3A_39 : memref<1x512xi32, #tpu.memory_space<vmem>> -> memref<512xi32, #tpu.memory_space<vmem>>
        %dma_wait3A_41 = arith.constant 0 : i32
        %dma_wait3A_42 = arith.constant 0 : i32
        %dma_wait3A_43 = tpu.memref_slice %arg13[%dma_wait3A_41, %dma_wait3A_42] : memref<10240x48xf32, #tpu.memory_space<vmem_shared>> -> memref<10240x48xf32, #tpu.memory_space<vmem_shared>>
        tpu.wait_indirect_dma semaphore(%run_scoped3A : memref<!tpu.dma_semaphore, #tpu.memory_space<semaphore_mem>>) src(%arg12 : memref<512x48xf32, #tpu.memory_space<vmem>>) dst(%dma_wait3A_43 : memref<10240x48xf32, #tpu.memory_space<vmem_shared>>)
        tpu.yield
      }) : () -> ()
    }
    %scan3A_7 = arith.constant 10 : i32
    %barrier3A_8 = arith.constant 0 : index
    tpu.barrier barrier_id(%barrier3A_8)
    "tpu.region"() ({
      %run_scoped3A = tpu.sem_alloc : memref<!tpu.dma_semaphore, #tpu.memory_space<semaphore_mem>>
      %dma_start3A = arith.constant 0 : i32
      %dma_start3A_9 = arith.constant 0 : i32
      %dma_start3A_10 = tpu.memref_slice %arg6[%arg0, %dma_start3A, %dma_start3A_9] : memref<2x10240x48xf32, #tpu.memory_space<hbm>> -> memref<1x10240x48xf32, #tpu.memory_space<hbm>>
      %dma_start3A_11 = tpu.memref_squeeze %dma_start3A_10 : memref<1x10240x48xf32, #tpu.memory_space<hbm>> -> memref<10240x48xf32, #tpu.memory_space<hbm>>
      %dma_start3A_12 = arith.constant 0 : i32
      %dma_start3A_13 = tpu.memref_slice %dma_start3A_11[%mul3A_2, %dma_start3A_12] : memref<10240x48xf32, #tpu.memory_space<hbm>> -> memref<640x48xf32, #tpu.memory_space<hbm>>
      %dma_start3A_14 = arith.constant 0 : i32
      %dma_start3A_15 = tpu.memref_slice %arg13[%mul3A_2, %dma_start3A_14] : memref<10240x48xf32, #tpu.memory_space<vmem_shared>> -> memref<640x48xf32, #tpu.memory_space<vmem_shared>>
      tpu.enqueue_dma source(%dma_start3A_15 : memref<640x48xf32, #tpu.memory_space<vmem_shared>>) target(%dma_start3A_13 : memref<640x48xf32, #tpu.memory_space<hbm>>) target_semaphore(%run_scoped3A : memref<!tpu.dma_semaphore, #tpu.memory_space<semaphore_mem>>)
      %dma_wait3A = arith.constant 0 : i32
      %dma_wait3A_16 = arith.constant 0 : i32
      %dma_wait3A_17 = tpu.memref_slice %arg6[%arg0, %dma_wait3A, %dma_wait3A_16] : memref<2x10240x48xf32, #tpu.memory_space<hbm>> -> memref<1x10240x48xf32, #tpu.memory_space<hbm>>
      %dma_wait3A_18 = tpu.memref_squeeze %dma_wait3A_17 : memref<1x10240x48xf32, #tpu.memory_space<hbm>> -> memref<10240x48xf32, #tpu.memory_space<hbm>>
      %dma_wait3A_19 = arith.constant 0 : i32
      %dma_wait3A_20 = tpu.memref_slice %dma_wait3A_18[%mul3A_2, %dma_wait3A_19] : memref<10240x48xf32, #tpu.memory_space<hbm>> -> memref<640x48xf32, #tpu.memory_space<hbm>>
      %dma_wait3A_21 = arith.constant 0 : i32
      %dma_wait3A_22 = tpu.memref_slice %arg13[%mul3A_2, %dma_wait3A_21] : memref<10240x48xf32, #tpu.memory_space<vmem_shared>> -> memref<640x48xf32, #tpu.memory_space<vmem_shared>>
      tpu.wait_dma2 semaphore(%run_scoped3A : memref<!tpu.dma_semaphore, #tpu.memory_space<semaphore_mem>>) src(%dma_wait3A_22 : memref<640x48xf32, #tpu.memory_space<vmem_shared>>) dst(%dma_wait3A_20 : memref<640x48xf32, #tpu.memory_space<hbm>>)
      tpu.yield
    }) : () -> ()
    return
  }
}

#map = affine_map<(d0, d1) -> (0, 0, 0)>
#map1 = affine_map<(d0, d1) -> (0, 0)>
module attributes {stable_mosaic.version = 14 : i64} {
  func.func @body(%arg0: i32, %arg1: i32, %arg2: memref<32x20x512xi32, #tpu.memory_space<hbm>>, %arg3: memref<32x20x512xi32, #tpu.memory_space<hbm>>, %arg4: memref<10240x16xf32, #tpu.memory_space<hbm>>, %arg5: memref<10240x16xf32, #tpu.memory_space<hbm>>, %arg6: memref<2x10240x16xf32, #tpu.memory_space<hbm>>, %arg7: memref<10x512xi32, #tpu.memory_space<vmem>>, %arg8: memref<10x512xi32, #tpu.memory_space<vmem>>, %arg9: memref<10x512xi32, #tpu.memory_space<vmem>>, %arg10: memref<10x512xi32, #tpu.memory_space<vmem>>, %arg11: memref<512x16xf32, #tpu.memory_space<vmem>>, %arg12: memref<512x16xf32, #tpu.memory_space<vmem>>, %arg13: memref<10240x16xf32, #tpu.memory_space<vmem_shared>>, %arg14: memref<!tpu.dma_semaphore, #tpu.memory_space<semaphore_mem>>, %arg15: memref<!tpu.dma_semaphore, #tpu.memory_space<semaphore_mem>>, %arg16: memref<!tpu.dma_semaphore, #tpu.memory_space<semaphore_mem>>) attributes {dimension_semantics = [#tpu.dimension_semantics<core_parallel>, #tpu.dimension_semantics<subcore_parallel>], iteration_bounds = array<i64: 2, 16>, scalar_prefetch = 0 : i64, scratch_operands = 10 : i64, tpu.core_type = #tpu.core_type<sc_vector_subcore>, window_params = [{transform_indices = #map}, {transform_indices = #map}, {transform_indices = #map1}, {transform_indices = #map1}, {transform_indices = #map}]} {
    %mul3A = arith.constant 16 : i32
    %mul3A_0 = arith.muli %arg0, %mul3A : i32
    %add3A = arith.addi %mul3A_0, %arg1 : i32
    %mul3A_1 = arith.constant 640 : i32
    %mul3A_2 = arith.muli %arg1, %mul3A_1 : i32
    "tpu.region"() ({
      %run_scoped3A = tpu.sem_alloc : memref<!tpu.dma_semaphore, #tpu.memory_space<semaphore_mem>>
      %dma_start3A = arith.constant 0 : i32
      %dma_start3A_9 = tpu.memref_slice %arg13[%mul3A_2, %dma_start3A] : memref<10240x16xf32, #tpu.memory_space<vmem_shared>> -> memref<640x16xf32, #tpu.memory_space<vmem_shared>>
      %dma_start3A_10 = arith.constant 0 : i32
      %dma_start3A_11 = tpu.memref_slice %arg5[%mul3A_2, %dma_start3A_10] : memref<10240x16xf32, #tpu.memory_space<hbm>> -> memref<640x16xf32, #tpu.memory_space<hbm>>
      tpu.enqueue_dma source(%dma_start3A_11 : memref<640x16xf32, #tpu.memory_space<hbm>>) target(%dma_start3A_9 : memref<640x16xf32, #tpu.memory_space<vmem_shared>>) target_semaphore(%run_scoped3A : memref<!tpu.dma_semaphore, #tpu.memory_space<semaphore_mem>>)
      %dma_wait3A = arith.constant 0 : i32
      %dma_wait3A_12 = tpu.memref_slice %arg13[%mul3A_2, %dma_wait3A] : memref<10240x16xf32, #tpu.memory_space<vmem_shared>> -> memref<640x16xf32, #tpu.memory_space<vmem_shared>>
      %dma_wait3A_13 = arith.constant 0 : i32
      %dma_wait3A_14 = tpu.memref_slice %arg5[%mul3A_2, %dma_wait3A_13] : memref<10240x16xf32, #tpu.memory_space<hbm>> -> memref<640x16xf32, #tpu.memory_space<hbm>>
      tpu.wait_dma2 semaphore(%run_scoped3A : memref<!tpu.dma_semaphore, #tpu.memory_space<semaphore_mem>>) src(%dma_wait3A_14 : memref<640x16xf32, #tpu.memory_space<hbm>>) dst(%dma_wait3A_12 : memref<640x16xf32, #tpu.memory_space<vmem_shared>>)
      tpu.yield
    }) : () -> ()
    "tpu.region"() ({
      %run_scoped3A = tpu.sem_alloc : memref<!tpu.dma_semaphore, #tpu.memory_space<semaphore_mem>>
      %dma_start3A = arith.constant 0 : i32
      %dma_start3A_9 = arith.constant 0 : i32
      %dma_start3A_10 = tpu.memref_slice %arg3[%add3A, %dma_start3A, %dma_start3A_9] : memref<32x20x512xi32, #tpu.memory_space<hbm>> -> memref<1x20x512xi32, #tpu.memory_space<hbm>>
      %dma_start3A_11 = tpu.memref_squeeze %dma_start3A_10 : memref<1x20x512xi32, #tpu.memory_space<hbm>> -> memref<20x512xi32, #tpu.memory_space<hbm>>
      %dma_start3A_12 = arith.constant 0 : i32
      %dma_start3A_13 = arith.constant 0 : i32
      %dma_start3A_14 = tpu.memref_slice %dma_start3A_11[%dma_start3A_12, %dma_start3A_13] : memref<20x512xi32, #tpu.memory_space<hbm>> -> memref<10x512xi32, #tpu.memory_space<hbm>>
      %dma_start3A_15 = arith.constant 0 : i32
      %dma_start3A_16 = arith.constant 0 : i32
      %dma_start3A_17 = tpu.memref_slice %arg3[%add3A, %dma_start3A_15, %dma_start3A_16] : memref<32x20x512xi32, #tpu.memory_space<hbm>> -> memref<1x20x512xi32, #tpu.memory_space<hbm>>
      %dma_start3A_18 = tpu.memref_squeeze %dma_start3A_17 : memref<1x20x512xi32, #tpu.memory_space<hbm>> -> memref<20x512xi32, #tpu.memory_space<hbm>>
      %dma_start3A_19 = arith.constant 0 : i32
      %dma_start3A_20 = arith.constant 0 : i32
      %dma_start3A_21 = tpu.memref_slice %dma_start3A_18[%dma_start3A_19, %dma_start3A_20] : memref<20x512xi32, #tpu.memory_space<hbm>> -> memref<10x512xi32, #tpu.memory_space<hbm>>
      tpu.enqueue_dma source(%dma_start3A_21 : memref<10x512xi32, #tpu.memory_space<hbm>>) target(%arg9 : memref<10x512xi32, #tpu.memory_space<vmem>>) target_semaphore(%run_scoped3A : memref<!tpu.dma_semaphore, #tpu.memory_space<semaphore_mem>>)
      %dma_wait3A = arith.constant 0 : i32
      %dma_wait3A_22 = arith.constant 0 : i32
      %dma_wait3A_23 = tpu.memref_slice %arg3[%add3A, %dma_wait3A, %dma_wait3A_22] : memref<32x20x512xi32, #tpu.memory_space<hbm>> -> memref<1x20x512xi32, #tpu.memory_space<hbm>>
      %dma_wait3A_24 = tpu.memref_squeeze %dma_wait3A_23 : memref<1x20x512xi32, #tpu.memory_space<hbm>> -> memref<20x512xi32, #tpu.memory_space<hbm>>
      %dma_wait3A_25 = arith.constant 0 : i32
      %dma_wait3A_26 = arith.constant 0 : i32
      %dma_wait3A_27 = tpu.memref_slice %dma_wait3A_24[%dma_wait3A_25, %dma_wait3A_26] : memref<20x512xi32, #tpu.memory_space<hbm>> -> memref<10x512xi32, #tpu.memory_space<hbm>>
      %dma_wait3A_28 = arith.constant 0 : i32
      %dma_wait3A_29 = arith.constant 0 : i32
      %dma_wait3A_30 = tpu.memref_slice %arg3[%add3A, %dma_wait3A_28, %dma_wait3A_29] : memref<32x20x512xi32, #tpu.memory_space<hbm>> -> memref<1x20x512xi32, #tpu.memory_space<hbm>>
      %dma_wait3A_31 = tpu.memref_squeeze %dma_wait3A_30 : memref<1x20x512xi32, #tpu.memory_space<hbm>> -> memref<20x512xi32, #tpu.memory_space<hbm>>
      %dma_wait3A_32 = arith.constant 0 : i32
      %dma_wait3A_33 = arith.constant 0 : i32
      %dma_wait3A_34 = tpu.memref_slice %dma_wait3A_31[%dma_wait3A_32, %dma_wait3A_33] : memref<20x512xi32, #tpu.memory_space<hbm>> -> memref<10x512xi32, #tpu.memory_space<hbm>>
      tpu.wait_dma2 semaphore(%run_scoped3A : memref<!tpu.dma_semaphore, #tpu.memory_space<semaphore_mem>>) src(%dma_wait3A_34 : memref<10x512xi32, #tpu.memory_space<hbm>>) dst(%arg9 : memref<10x512xi32, #tpu.memory_space<vmem>>)
      tpu.yield
    }) : () -> ()
    "tpu.region"() ({
      %run_scoped3A = tpu.sem_alloc : memref<!tpu.dma_semaphore, #tpu.memory_space<semaphore_mem>>
      %dma_start3A = arith.constant 0 : i32
      %dma_start3A_9 = arith.constant 0 : i32
      %dma_start3A_10 = tpu.memref_slice %arg3[%add3A, %dma_start3A, %dma_start3A_9] : memref<32x20x512xi32, #tpu.memory_space<hbm>> -> memref<1x20x512xi32, #tpu.memory_space<hbm>>
      %dma_start3A_11 = tpu.memref_squeeze %dma_start3A_10 : memref<1x20x512xi32, #tpu.memory_space<hbm>> -> memref<20x512xi32, #tpu.memory_space<hbm>>
      %dma_start3A_12 = arith.constant 10 : i32
      %dma_start3A_13 = arith.constant 0 : i32
      %dma_start3A_14 = tpu.memref_slice %dma_start3A_11[%dma_start3A_12, %dma_start3A_13] : memref<20x512xi32, #tpu.memory_space<hbm>> -> memref<10x512xi32, #tpu.memory_space<hbm>>
      %dma_start3A_15 = arith.constant 0 : i32
      %dma_start3A_16 = arith.constant 0 : i32
      %dma_start3A_17 = tpu.memref_slice %arg3[%add3A, %dma_start3A_15, %dma_start3A_16] : memref<32x20x512xi32, #tpu.memory_space<hbm>> -> memref<1x20x512xi32, #tpu.memory_space<hbm>>
      %dma_start3A_18 = tpu.memref_squeeze %dma_start3A_17 : memref<1x20x512xi32, #tpu.memory_space<hbm>> -> memref<20x512xi32, #tpu.memory_space<hbm>>
      %dma_start3A_19 = arith.constant 10 : i32
      %dma_start3A_20 = arith.constant 0 : i32
      %dma_start3A_21 = tpu.memref_slice %dma_start3A_18[%dma_start3A_19, %dma_start3A_20] : memref<20x512xi32, #tpu.memory_space<hbm>> -> memref<10x512xi32, #tpu.memory_space<hbm>>
      tpu.enqueue_dma source(%dma_start3A_21 : memref<10x512xi32, #tpu.memory_space<hbm>>) target(%arg10 : memref<10x512xi32, #tpu.memory_space<vmem>>) target_semaphore(%run_scoped3A : memref<!tpu.dma_semaphore, #tpu.memory_space<semaphore_mem>>)
      %dma_wait3A = arith.constant 0 : i32
      %dma_wait3A_22 = arith.constant 0 : i32
      %dma_wait3A_23 = tpu.memref_slice %arg3[%add3A, %dma_wait3A, %dma_wait3A_22] : memref<32x20x512xi32, #tpu.memory_space<hbm>> -> memref<1x20x512xi32, #tpu.memory_space<hbm>>
      %dma_wait3A_24 = tpu.memref_squeeze %dma_wait3A_23 : memref<1x20x512xi32, #tpu.memory_space<hbm>> -> memref<20x512xi32, #tpu.memory_space<hbm>>
      %dma_wait3A_25 = arith.constant 10 : i32
      %dma_wait3A_26 = arith.constant 0 : i32
      %dma_wait3A_27 = tpu.memref_slice %dma_wait3A_24[%dma_wait3A_25, %dma_wait3A_26] : memref<20x512xi32, #tpu.memory_space<hbm>> -> memref<10x512xi32, #tpu.memory_space<hbm>>
      %dma_wait3A_28 = arith.constant 0 : i32
      %dma_wait3A_29 = arith.constant 0 : i32
      %dma_wait3A_30 = tpu.memref_slice %arg3[%add3A, %dma_wait3A_28, %dma_wait3A_29] : memref<32x20x512xi32, #tpu.memory_space<hbm>> -> memref<1x20x512xi32, #tpu.memory_space<hbm>>
      %dma_wait3A_31 = tpu.memref_squeeze %dma_wait3A_30 : memref<1x20x512xi32, #tpu.memory_space<hbm>> -> memref<20x512xi32, #tpu.memory_space<hbm>>
      %dma_wait3A_32 = arith.constant 10 : i32
      %dma_wait3A_33 = arith.constant 0 : i32
      %dma_wait3A_34 = tpu.memref_slice %dma_wait3A_31[%dma_wait3A_32, %dma_wait3A_33] : memref<20x512xi32, #tpu.memory_space<hbm>> -> memref<10x512xi32, #tpu.memory_space<hbm>>
      tpu.wait_dma2 semaphore(%run_scoped3A : memref<!tpu.dma_semaphore, #tpu.memory_space<semaphore_mem>>) src(%dma_wait3A_34 : memref<10x512xi32, #tpu.memory_space<hbm>>) dst(%arg10 : memref<10x512xi32, #tpu.memory_space<vmem>>)
      tpu.yield
    }) : () -> ()
    "tpu.region"() ({
      %run_scoped3A = tpu.sem_alloc : memref<!tpu.dma_semaphore, #tpu.memory_space<semaphore_mem>>
      %dma_start3A = arith.constant 0 : i32
      %dma_start3A_9 = arith.constant 0 : i32
      %dma_start3A_10 = tpu.memref_slice %arg2[%add3A, %dma_start3A, %dma_start3A_9] : memref<32x20x512xi32, #tpu.memory_space<hbm>> -> memref<1x20x512xi32, #tpu.memory_space<hbm>>
      %dma_start3A_11 = tpu.memref_squeeze %dma_start3A_10 : memref<1x20x512xi32, #tpu.memory_space<hbm>> -> memref<20x512xi32, #tpu.memory_space<hbm>>
      %dma_start3A_12 = arith.constant 0 : i32
      %dma_start3A_13 = arith.constant 0 : i32
      %dma_start3A_14 = tpu.memref_slice %dma_start3A_11[%dma_start3A_12, %dma_start3A_13] : memref<20x512xi32, #tpu.memory_space<hbm>> -> memref<10x512xi32, #tpu.memory_space<hbm>>
      %dma_start3A_15 = arith.constant 0 : i32
      %dma_start3A_16 = arith.constant 0 : i32
      %dma_start3A_17 = tpu.memref_slice %arg2[%add3A, %dma_start3A_15, %dma_start3A_16] : memref<32x20x512xi32, #tpu.memory_space<hbm>> -> memref<1x20x512xi32, #tpu.memory_space<hbm>>
      %dma_start3A_18 = tpu.memref_squeeze %dma_start3A_17 : memref<1x20x512xi32, #tpu.memory_space<hbm>> -> memref<20x512xi32, #tpu.memory_space<hbm>>
      %dma_start3A_19 = arith.constant 0 : i32
      %dma_start3A_20 = arith.constant 0 : i32
      %dma_start3A_21 = tpu.memref_slice %dma_start3A_18[%dma_start3A_19, %dma_start3A_20] : memref<20x512xi32, #tpu.memory_space<hbm>> -> memref<10x512xi32, #tpu.memory_space<hbm>>
      tpu.enqueue_dma source(%dma_start3A_21 : memref<10x512xi32, #tpu.memory_space<hbm>>) target(%arg7 : memref<10x512xi32, #tpu.memory_space<vmem>>) target_semaphore(%run_scoped3A : memref<!tpu.dma_semaphore, #tpu.memory_space<semaphore_mem>>)
      %dma_wait3A = arith.constant 0 : i32
      %dma_wait3A_22 = arith.constant 0 : i32
      %dma_wait3A_23 = tpu.memref_slice %arg2[%add3A, %dma_wait3A, %dma_wait3A_22] : memref<32x20x512xi32, #tpu.memory_space<hbm>> -> memref<1x20x512xi32, #tpu.memory_space<hbm>>
      %dma_wait3A_24 = tpu.memref_squeeze %dma_wait3A_23 : memref<1x20x512xi32, #tpu.memory_space<hbm>> -> memref<20x512xi32, #tpu.memory_space<hbm>>
      %dma_wait3A_25 = arith.constant 0 : i32
      %dma_wait3A_26 = arith.constant 0 : i32
      %dma_wait3A_27 = tpu.memref_slice %dma_wait3A_24[%dma_wait3A_25, %dma_wait3A_26] : memref<20x512xi32, #tpu.memory_space<hbm>> -> memref<10x512xi32, #tpu.memory_space<hbm>>
      %dma_wait3A_28 = arith.constant 0 : i32
      %dma_wait3A_29 = arith.constant 0 : i32
      %dma_wait3A_30 = tpu.memref_slice %arg2[%add3A, %dma_wait3A_28, %dma_wait3A_29] : memref<32x20x512xi32, #tpu.memory_space<hbm>> -> memref<1x20x512xi32, #tpu.memory_space<hbm>>
      %dma_wait3A_31 = tpu.memref_squeeze %dma_wait3A_30 : memref<1x20x512xi32, #tpu.memory_space<hbm>> -> memref<20x512xi32, #tpu.memory_space<hbm>>
      %dma_wait3A_32 = arith.constant 0 : i32
      %dma_wait3A_33 = arith.constant 0 : i32
      %dma_wait3A_34 = tpu.memref_slice %dma_wait3A_31[%dma_wait3A_32, %dma_wait3A_33] : memref<20x512xi32, #tpu.memory_space<hbm>> -> memref<10x512xi32, #tpu.memory_space<hbm>>
      tpu.wait_dma2 semaphore(%run_scoped3A : memref<!tpu.dma_semaphore, #tpu.memory_space<semaphore_mem>>) src(%dma_wait3A_34 : memref<10x512xi32, #tpu.memory_space<hbm>>) dst(%arg7 : memref<10x512xi32, #tpu.memory_space<vmem>>)
      tpu.yield
    }) : () -> ()
    "tpu.region"() ({
      %run_scoped3A = tpu.sem_alloc : memref<!tpu.dma_semaphore, #tpu.memory_space<semaphore_mem>>
      %dma_start3A = arith.constant 0 : i32
      %dma_start3A_9 = arith.constant 0 : i32
      %dma_start3A_10 = tpu.memref_slice %arg2[%add3A, %dma_start3A, %dma_start3A_9] : memref<32x20x512xi32, #tpu.memory_space<hbm>> -> memref<1x20x512xi32, #tpu.memory_space<hbm>>
      %dma_start3A_11 = tpu.memref_squeeze %dma_start3A_10 : memref<1x20x512xi32, #tpu.memory_space<hbm>> -> memref<20x512xi32, #tpu.memory_space<hbm>>
      %dma_start3A_12 = arith.constant 10 : i32
      %dma_start3A_13 = arith.constant 0 : i32
      %dma_start3A_14 = tpu.memref_slice %dma_start3A_11[%dma_start3A_12, %dma_start3A_13] : memref<20x512xi32, #tpu.memory_space<hbm>> -> memref<10x512xi32, #tpu.memory_space<hbm>>
      %dma_start3A_15 = arith.constant 0 : i32
      %dma_start3A_16 = arith.constant 0 : i32
      %dma_start3A_17 = tpu.memref_slice %arg2[%add3A, %dma_start3A_15, %dma_start3A_16] : memref<32x20x512xi32, #tpu.memory_space<hbm>> -> memref<1x20x512xi32, #tpu.memory_space<hbm>>
      %dma_start3A_18 = tpu.memref_squeeze %dma_start3A_17 : memref<1x20x512xi32, #tpu.memory_space<hbm>> -> memref<20x512xi32, #tpu.memory_space<hbm>>
      %dma_start3A_19 = arith.constant 10 : i32
      %dma_start3A_20 = arith.constant 0 : i32
      %dma_start3A_21 = tpu.memref_slice %dma_start3A_18[%dma_start3A_19, %dma_start3A_20] : memref<20x512xi32, #tpu.memory_space<hbm>> -> memref<10x512xi32, #tpu.memory_space<hbm>>
      tpu.enqueue_dma source(%dma_start3A_21 : memref<10x512xi32, #tpu.memory_space<hbm>>) target(%arg8 : memref<10x512xi32, #tpu.memory_space<vmem>>) target_semaphore(%run_scoped3A : memref<!tpu.dma_semaphore, #tpu.memory_space<semaphore_mem>>)
      %dma_wait3A = arith.constant 0 : i32
      %dma_wait3A_22 = arith.constant 0 : i32
      %dma_wait3A_23 = tpu.memref_slice %arg2[%add3A, %dma_wait3A, %dma_wait3A_22] : memref<32x20x512xi32, #tpu.memory_space<hbm>> -> memref<1x20x512xi32, #tpu.memory_space<hbm>>
      %dma_wait3A_24 = tpu.memref_squeeze %dma_wait3A_23 : memref<1x20x512xi32, #tpu.memory_space<hbm>> -> memref<20x512xi32, #tpu.memory_space<hbm>>
      %dma_wait3A_25 = arith.constant 10 : i32
      %dma_wait3A_26 = arith.constant 0 : i32
      %dma_wait3A_27 = tpu.memref_slice %dma_wait3A_24[%dma_wait3A_25, %dma_wait3A_26] : memref<20x512xi32, #tpu.memory_space<hbm>> -> memref<10x512xi32, #tpu.memory_space<hbm>>
      %dma_wait3A_28 = arith.constant 0 : i32
      %dma_wait3A_29 = arith.constant 0 : i32
      %dma_wait3A_30 = tpu.memref_slice %arg2[%add3A, %dma_wait3A_28, %dma_wait3A_29] : memref<32x20x512xi32, #tpu.memory_space<hbm>> -> memref<1x20x512xi32, #tpu.memory_space<hbm>>
      %dma_wait3A_31 = tpu.memref_squeeze %dma_wait3A_30 : memref<1x20x512xi32, #tpu.memory_space<hbm>> -> memref<20x512xi32, #tpu.memory_space<hbm>>
      %dma_wait3A_32 = arith.constant 10 : i32
      %dma_wait3A_33 = arith.constant 0 : i32
      %dma_wait3A_34 = tpu.memref_slice %dma_wait3A_31[%dma_wait3A_32, %dma_wait3A_33] : memref<20x512xi32, #tpu.memory_space<hbm>> -> memref<10x512xi32, #tpu.memory_space<hbm>>
      tpu.wait_dma2 semaphore(%run_scoped3A : memref<!tpu.dma_semaphore, #tpu.memory_space<semaphore_mem>>) src(%dma_wait3A_34 : memref<10x512xi32, #tpu.memory_space<hbm>>) dst(%arg8 : memref<10x512xi32, #tpu.memory_space<vmem>>)
      tpu.yield
    }) : () -> ()
    %barrier3A = arith.constant 0 : index
    tpu.barrier barrier_id(%barrier3A)
    %scan3A = arith.constant 0 : i32
    %scan3A_3 = arith.constant 0 : i32
    %scan3A_4 = arith.constant 10 : i32
    %scan3A_5 = arith.addi %scan3A_3, %scan3A_4 : i32
    %scan3A_6 = arith.constant 1 : i32
    scf.for %scan3A_9 = %scan3A_3 to %scan3A_5 step %scan3A_6  : i32 {
      %dma_start3A = arith.constant 0 : i32
      %dma_start3A_10 = tpu.memref_slice %arg7[%scan3A_9, %dma_start3A] : memref<10x512xi32, #tpu.memory_space<vmem>> -> memref<1x512xi32, #tpu.memory_space<vmem>>
      %dma_start3A_11 = tpu.memref_squeeze %dma_start3A_10 : memref<1x512xi32, #tpu.memory_space<vmem>> -> memref<512xi32, #tpu.memory_space<vmem>>
      %dma_start3A_12 = arith.constant 0 : i32
      %dma_start3A_13 = arith.constant 0 : i32
      %dma_start3A_14 = tpu.memref_slice %arg4[%dma_start3A_12, %dma_start3A_13] : memref<10240x16xf32, #tpu.memory_space<hbm>> -> memref<10240x16xf32, #tpu.memory_space<hbm>>
      tpu.enqueue_indirect_dma source(%dma_start3A_14 : memref<10240x16xf32, #tpu.memory_space<hbm>>) target(%arg11 : memref<512x16xf32, #tpu.memory_space<vmem>>) offsets(%dma_start3A_11 : memref<512xi32, #tpu.memory_space<vmem>>) semaphore(%arg14 : memref<!tpu.dma_semaphore, #tpu.memory_space<semaphore_mem>>)
      %dma_start3A_15 = arith.constant 0 : i32
      %dma_start3A_16 = tpu.memref_slice %arg8[%scan3A_9, %dma_start3A_15] : memref<10x512xi32, #tpu.memory_space<vmem>> -> memref<1x512xi32, #tpu.memory_space<vmem>>
      %dma_start3A_17 = tpu.memref_squeeze %dma_start3A_16 : memref<1x512xi32, #tpu.memory_space<vmem>> -> memref<512xi32, #tpu.memory_space<vmem>>
      %dma_start3A_18 = arith.constant 0 : i32
      %dma_start3A_19 = arith.constant 0 : i32
      %dma_start3A_20 = tpu.memref_slice %arg4[%dma_start3A_18, %dma_start3A_19] : memref<10240x16xf32, #tpu.memory_space<hbm>> -> memref<10240x16xf32, #tpu.memory_space<hbm>>
      tpu.enqueue_indirect_dma source(%dma_start3A_20 : memref<10240x16xf32, #tpu.memory_space<hbm>>) target(%arg12 : memref<512x16xf32, #tpu.memory_space<vmem>>) offsets(%dma_start3A_17 : memref<512xi32, #tpu.memory_space<vmem>>) semaphore(%arg15 : memref<!tpu.dma_semaphore, #tpu.memory_space<semaphore_mem>>)
      %dma_wait3A = arith.constant 0 : i32
      %dma_wait3A_21 = tpu.memref_slice %arg7[%scan3A_9, %dma_wait3A] : memref<10x512xi32, #tpu.memory_space<vmem>> -> memref<1x512xi32, #tpu.memory_space<vmem>>
      %dma_wait3A_22 = tpu.memref_squeeze %dma_wait3A_21 : memref<1x512xi32, #tpu.memory_space<vmem>> -> memref<512xi32, #tpu.memory_space<vmem>>
      %dma_wait3A_23 = arith.constant 0 : i32
      %dma_wait3A_24 = arith.constant 0 : i32
      %dma_wait3A_25 = tpu.memref_slice %arg4[%dma_wait3A_23, %dma_wait3A_24] : memref<10240x16xf32, #tpu.memory_space<hbm>> -> memref<10240x16xf32, #tpu.memory_space<hbm>>
      tpu.wait_indirect_dma semaphore(%arg14 : memref<!tpu.dma_semaphore, #tpu.memory_space<semaphore_mem>>) src(%dma_wait3A_25 : memref<10240x16xf32, #tpu.memory_space<hbm>>) dst(%arg11 : memref<512x16xf32, #tpu.memory_space<vmem>>)
      "tpu.region"() ({
        %run_scoped3A = tpu.sem_alloc : memref<!tpu.dma_semaphore, #tpu.memory_space<semaphore_mem>>
        %dma_start3A_32 = arith.constant 0 : i32
        %dma_start3A_33 = tpu.memref_slice %arg9[%scan3A_9, %dma_start3A_32] : memref<10x512xi32, #tpu.memory_space<vmem>> -> memref<1x512xi32, #tpu.memory_space<vmem>>
        %dma_start3A_34 = tpu.memref_squeeze %dma_start3A_33 : memref<1x512xi32, #tpu.memory_space<vmem>> -> memref<512xi32, #tpu.memory_space<vmem>>
        %dma_start3A_35 = arith.constant 0 : i32
        %dma_start3A_36 = arith.constant 0 : i32
        %dma_start3A_37 = tpu.memref_slice %arg13[%dma_start3A_35, %dma_start3A_36] : memref<10240x16xf32, #tpu.memory_space<vmem_shared>> -> memref<10240x16xf32, #tpu.memory_space<vmem_shared>>
        tpu.enqueue_indirect_dma source(%arg11 : memref<512x16xf32, #tpu.memory_space<vmem>>) target(%dma_start3A_37 : memref<10240x16xf32, #tpu.memory_space<vmem_shared>>) offsets(%dma_start3A_34 : memref<512xi32, #tpu.memory_space<vmem>>) semaphore(%run_scoped3A : memref<!tpu.dma_semaphore, #tpu.memory_space<semaphore_mem>>) {add = true}
        %dma_wait3A_38 = arith.constant 0 : i32
        %dma_wait3A_39 = tpu.memref_slice %arg9[%scan3A_9, %dma_wait3A_38] : memref<10x512xi32, #tpu.memory_space<vmem>> -> memref<1x512xi32, #tpu.memory_space<vmem>>
        %dma_wait3A_40 = tpu.memref_squeeze %dma_wait3A_39 : memref<1x512xi32, #tpu.memory_space<vmem>> -> memref<512xi32, #tpu.memory_space<vmem>>
        %dma_wait3A_41 = arith.constant 0 : i32
        %dma_wait3A_42 = arith.constant 0 : i32
        %dma_wait3A_43 = tpu.memref_slice %arg13[%dma_wait3A_41, %dma_wait3A_42] : memref<10240x16xf32, #tpu.memory_space<vmem_shared>> -> memref<10240x16xf32, #tpu.memory_space<vmem_shared>>
        tpu.wait_indirect_dma semaphore(%run_scoped3A : memref<!tpu.dma_semaphore, #tpu.memory_space<semaphore_mem>>) src(%arg11 : memref<512x16xf32, #tpu.memory_space<vmem>>) dst(%dma_wait3A_43 : memref<10240x16xf32, #tpu.memory_space<vmem_shared>>)
        tpu.yield
      }) : () -> ()
      %dma_wait3A_26 = arith.constant 0 : i32
      %dma_wait3A_27 = tpu.memref_slice %arg8[%scan3A_9, %dma_wait3A_26] : memref<10x512xi32, #tpu.memory_space<vmem>> -> memref<1x512xi32, #tpu.memory_space<vmem>>
      %dma_wait3A_28 = tpu.memref_squeeze %dma_wait3A_27 : memref<1x512xi32, #tpu.memory_space<vmem>> -> memref<512xi32, #tpu.memory_space<vmem>>
      %dma_wait3A_29 = arith.constant 0 : i32
      %dma_wait3A_30 = arith.constant 0 : i32
      %dma_wait3A_31 = tpu.memref_slice %arg4[%dma_wait3A_29, %dma_wait3A_30] : memref<10240x16xf32, #tpu.memory_space<hbm>> -> memref<10240x16xf32, #tpu.memory_space<hbm>>
      tpu.wait_indirect_dma semaphore(%arg15 : memref<!tpu.dma_semaphore, #tpu.memory_space<semaphore_mem>>) src(%dma_wait3A_31 : memref<10240x16xf32, #tpu.memory_space<hbm>>) dst(%arg12 : memref<512x16xf32, #tpu.memory_space<vmem>>)
      "tpu.region"() ({
        %run_scoped3A = tpu.sem_alloc : memref<!tpu.dma_semaphore, #tpu.memory_space<semaphore_mem>>
        %dma_start3A_32 = arith.constant 0 : i32
        %dma_start3A_33 = tpu.memref_slice %arg10[%scan3A_9, %dma_start3A_32] : memref<10x512xi32, #tpu.memory_space<vmem>> -> memref<1x512xi32, #tpu.memory_space<vmem>>
        %dma_start3A_34 = tpu.memref_squeeze %dma_start3A_33 : memref<1x512xi32, #tpu.memory_space<vmem>> -> memref<512xi32, #tpu.memory_space<vmem>>
        %dma_start3A_35 = arith.constant 0 : i32
        %dma_start3A_36 = arith.constant 0 : i32
        %dma_start3A_37 = tpu.memref_slice %arg13[%dma_start3A_35, %dma_start3A_36] : memref<10240x16xf32, #tpu.memory_space<vmem_shared>> -> memref<10240x16xf32, #tpu.memory_space<vmem_shared>>
        tpu.enqueue_indirect_dma source(%arg12 : memref<512x16xf32, #tpu.memory_space<vmem>>) target(%dma_start3A_37 : memref<10240x16xf32, #tpu.memory_space<vmem_shared>>) offsets(%dma_start3A_34 : memref<512xi32, #tpu.memory_space<vmem>>) semaphore(%run_scoped3A : memref<!tpu.dma_semaphore, #tpu.memory_space<semaphore_mem>>) {add = true}
        %dma_wait3A_38 = arith.constant 0 : i32
        %dma_wait3A_39 = tpu.memref_slice %arg10[%scan3A_9, %dma_wait3A_38] : memref<10x512xi32, #tpu.memory_space<vmem>> -> memref<1x512xi32, #tpu.memory_space<vmem>>
        %dma_wait3A_40 = tpu.memref_squeeze %dma_wait3A_39 : memref<1x512xi32, #tpu.memory_space<vmem>> -> memref<512xi32, #tpu.memory_space<vmem>>
        %dma_wait3A_41 = arith.constant 0 : i32
        %dma_wait3A_42 = arith.constant 0 : i32
        %dma_wait3A_43 = tpu.memref_slice %arg13[%dma_wait3A_41, %dma_wait3A_42] : memref<10240x16xf32, #tpu.memory_space<vmem_shared>> -> memref<10240x16xf32, #tpu.memory_space<vmem_shared>>
        tpu.wait_indirect_dma semaphore(%run_scoped3A : memref<!tpu.dma_semaphore, #tpu.memory_space<semaphore_mem>>) src(%arg12 : memref<512x16xf32, #tpu.memory_space<vmem>>) dst(%dma_wait3A_43 : memref<10240x16xf32, #tpu.memory_space<vmem_shared>>)
        tpu.yield
      }) : () -> ()
    }
    %scan3A_7 = arith.constant 10 : i32
    %barrier3A_8 = arith.constant 0 : index
    tpu.barrier barrier_id(%barrier3A_8)
    "tpu.region"() ({
      %run_scoped3A = tpu.sem_alloc : memref<!tpu.dma_semaphore, #tpu.memory_space<semaphore_mem>>
      %dma_start3A = arith.constant 0 : i32
      %dma_start3A_9 = arith.constant 0 : i32
      %dma_start3A_10 = tpu.memref_slice %arg6[%arg0, %dma_start3A, %dma_start3A_9] : memref<2x10240x16xf32, #tpu.memory_space<hbm>> -> memref<1x10240x16xf32, #tpu.memory_space<hbm>>
      %dma_start3A_11 = tpu.memref_squeeze %dma_start3A_10 : memref<1x10240x16xf32, #tpu.memory_space<hbm>> -> memref<10240x16xf32, #tpu.memory_space<hbm>>
      %dma_start3A_12 = arith.constant 0 : i32
      %dma_start3A_13 = tpu.memref_slice %dma_start3A_11[%mul3A_2, %dma_start3A_12] : memref<10240x16xf32, #tpu.memory_space<hbm>> -> memref<640x16xf32, #tpu.memory_space<hbm>>
      %dma_start3A_14 = arith.constant 0 : i32
      %dma_start3A_15 = tpu.memref_slice %arg13[%mul3A_2, %dma_start3A_14] : memref<10240x16xf32, #tpu.memory_space<vmem_shared>> -> memref<640x16xf32, #tpu.memory_space<vmem_shared>>
      tpu.enqueue_dma source(%dma_start3A_15 : memref<640x16xf32, #tpu.memory_space<vmem_shared>>) target(%dma_start3A_13 : memref<640x16xf32, #tpu.memory_space<hbm>>) target_semaphore(%run_scoped3A : memref<!tpu.dma_semaphore, #tpu.memory_space<semaphore_mem>>)
      %dma_wait3A = arith.constant 0 : i32
      %dma_wait3A_16 = arith.constant 0 : i32
      %dma_wait3A_17 = tpu.memref_slice %arg6[%arg0, %dma_wait3A, %dma_wait3A_16] : memref<2x10240x16xf32, #tpu.memory_space<hbm>> -> memref<1x10240x16xf32, #tpu.memory_space<hbm>>
      %dma_wait3A_18 = tpu.memref_squeeze %dma_wait3A_17 : memref<1x10240x16xf32, #tpu.memory_space<hbm>> -> memref<10240x16xf32, #tpu.memory_space<hbm>>
      %dma_wait3A_19 = arith.constant 0 : i32
      %dma_wait3A_20 = tpu.memref_slice %dma_wait3A_18[%mul3A_2, %dma_wait3A_19] : memref<10240x16xf32, #tpu.memory_space<hbm>> -> memref<640x16xf32, #tpu.memory_space<hbm>>
      %dma_wait3A_21 = arith.constant 0 : i32
      %dma_wait3A_22 = tpu.memref_slice %arg13[%mul3A_2, %dma_wait3A_21] : memref<10240x16xf32, #tpu.memory_space<vmem_shared>> -> memref<640x16xf32, #tpu.memory_space<vmem_shared>>
      tpu.wait_dma2 semaphore(%run_scoped3A : memref<!tpu.dma_semaphore, #tpu.memory_space<semaphore_mem>>) src(%dma_wait3A_22 : memref<640x16xf32, #tpu.memory_space<vmem_shared>>) dst(%dma_wait3A_20 : memref<640x16xf32, #tpu.memory_space<hbm>>)
      tpu.yield
    }) : () -> ()
    return
  }
}

module attributes {stable_mosaic.version = 14 : i64} {
  func.func @body(%arg0: i32, %arg1: memref<2x512x16xf32, #tpu.memory_space<vmem>>, %arg2: memref<512x128xf32, #tpu.memory_space<vmem>>, %arg3: memref<128x16xf32, #tpu.memory_space<vmem>>, %arg4: memref<128x16xf32, #tpu.memory_space<vmem>>, %arg5: memref<1x16xf32, #tpu.memory_space<vmem>>, %arg6: memref<512x16xf32, #tpu.memory_space<vmem>>, %arg7: memref<512x16xf32, #tpu.memory_space<vmem>>, %arg8: memref<512x16xf32, #tpu.memory_space<vmem>>) attributes {dimension_semantics = [#tpu.dimension_semantics<arbitrary>], iteration_bounds = array<i64: 20>, scalar_prefetch = 0 : i64, scratch_operands = 0 : i64, tpu.core_type = #tpu.core_type<tc>, window_params = [{transform_indices = @transform_0, window_bounds = array<i64: 2, 512, 16>}, {transform_indices = @transform_1, window_bounds = array<i64: 512, 128>}, {pipeline_mode = #tpu.pipeline_mode<synchronous>, transform_indices = @transform_2, window_bounds = array<i64: 128, 16>}, {pipeline_mode = #tpu.pipeline_mode<synchronous>, transform_indices = @transform_3, window_bounds = array<i64: 128, 16>}, {pipeline_mode = #tpu.pipeline_mode<synchronous>, transform_indices = @transform_4, window_bounds = array<i64: 1, 16>}, {transform_indices = @transform_5, window_bounds = array<i64: 512, 16>}, {transform_indices = @transform_6, window_bounds = array<i64: 512, 16>}, {transform_indices = @transform_7, window_bounds = array<i64: 512, 16>}]} {
    %get3A = arith.constant 0 : index
    %get3A_0 = arith.constant 0 : index
    %get3A_1 = arith.constant 0 : index
    %get3A_2 = vector.load %arg1[%get3A, %get3A_0, %get3A_1] : memref<2x512x16xf32, #tpu.memory_space<vmem>>, vector<1x512x16xf32>
    %get3A_3 = vector.shape_cast %get3A_2 : vector<1x512x16xf32> to vector<512x16xf32>
    %get3A_4 = arith.constant 1 : index
    %get3A_5 = arith.constant 0 : index
    %get3A_6 = arith.constant 0 : index
    %get3A_7 = vector.load %arg1[%get3A_4, %get3A_5, %get3A_6] : memref<2x512x16xf32, #tpu.memory_space<vmem>>, vector<1x512x16xf32>
    %get3A_8 = vector.shape_cast %get3A_7 : vector<1x512x16xf32> to vector<512x16xf32>
    %add3A = arith.addf %get3A_3, %get3A_8 : vector<512x16xf32>
    %gt3A = arith.constant 0.000000e+00 : f32
    %gt3A_9 = vector.broadcast %gt3A : f32 to vector<512x16xf32>
    %gt3A_10 = arith.cmpf ogt, %add3A, %gt3A_9 : vector<512x16xf32>
    %rsqrt3A = math.rsqrt %add3A : vector<512x16xf32>
    %jit3A = arith.constant 0.000000e+00 : f32
    %broadcast_in_dim3A = vector.broadcast %jit3A : f32 to vector<512x16xf32>
    %select_n3A = arith.select %gt3A_10, %rsqrt3A, %broadcast_in_dim3A : vector<512x16xi1>, vector<512x16xf32>
    %get3A_11 = arith.constant 0 : index
    %get3A_12 = arith.constant 0 : index
    %get3A_13 = vector.load %arg2[%get3A_11, %get3A_12] : memref<512x128xf32, #tpu.memory_space<vmem>>, vector<512x128xf32>
    %get3A_14 = arith.constant 0 : index
    %get3A_15 = arith.constant 0 : index
    %get3A_16 = vector.load %arg3[%get3A_14, %get3A_15] : memref<128x16xf32, #tpu.memory_space<vmem>>, vector<128x16xf32>
    %dot_general3A = arith.constant dense<0.000000e+00> : vector<512x16xf32>
    %dot_general3A_17 = tpu.matmul %get3A_13, %get3A_16, %dot_general3A {dimension_numbers = #tpu.dot_dimension_numbers<[1], [0], [0], [1], [0, 0, 1, 1], [], []>, transpose_lhs_hint = false} : vector<512x128xf32>, vector<128x16xf32>, vector<512x16xf32> -> vector<512x16xf32>
    %mul3A = arith.mulf %dot_general3A_17, %select_n3A : vector<512x16xf32>
    %swap3A = arith.constant 0 : index
    %swap3A_18 = arith.constant 0 : index
    %swap3A_19 = vector.load %arg6[%swap3A, %swap3A_18] : memref<512x16xf32, #tpu.memory_space<vmem>>, vector<512x16xf32>
    tpu.vector_store %arg6[%swap3A, %swap3A_18], %mul3A {strides = array<i32>} : memref<512x16xf32, #tpu.memory_space<vmem>>, vector<512x16xf32>,
    %get3A_20 = arith.constant 0 : index
    %get3A_21 = arith.constant 0 : index
    %get3A_22 = vector.load %arg4[%get3A_20, %get3A_21] : memref<128x16xf32, #tpu.memory_space<vmem>>, vector<128x16xf32>
    %dot_general3A_23 = arith.constant dense<0.000000e+00> : vector<512x16xf32>
    %dot_general3A_24 = tpu.matmul %get3A_13, %get3A_22, %dot_general3A_23 {dimension_numbers = #tpu.dot_dimension_numbers<[1], [0], [0], [1], [0, 0, 1, 1], [], []>, transpose_lhs_hint = false} : vector<512x128xf32>, vector<128x16xf32>, vector<512x16xf32> -> vector<512x16xf32>
    %get3A_25 = arith.constant 0 : index
    %get3A_26 = arith.constant 0 : index
    %get3A_27 = vector.load %arg5[%get3A_25, %get3A_26] : memref<1x16xf32, #tpu.memory_space<vmem>>, vector<1x16xf32>
    %add3A_28 = vector.broadcast %get3A_27 : vector<1x16xf32> to vector<512x16xf32>
    %add3A_29 = arith.addf %dot_general3A_24, %add3A_28 : vector<512x16xf32>
    %swap3A_30 = arith.constant 0 : index
    %swap3A_31 = arith.constant 0 : index
    %swap3A_32 = vector.load %arg7[%swap3A_30, %swap3A_31] : memref<512x16xf32, #tpu.memory_space<vmem>>, vector<512x16xf32>
    tpu.vector_store %arg7[%swap3A_30, %swap3A_31], %add3A_29 {strides = array<i32>} : memref<512x16xf32, #tpu.memory_space<vmem>>, vector<512x16xf32>,
    %swap3A_33 = arith.constant 0 : index
    %swap3A_34 = arith.constant 0 : index
    %swap3A_35 = vector.load %arg8[%swap3A_33, %swap3A_34] : memref<512x16xf32, #tpu.memory_space<vmem>>, vector<512x16xf32>
    tpu.vector_store %arg8[%swap3A_33, %swap3A_34], %select_n3A {strides = array<i32>} : memref<512x16xf32, #tpu.memory_space<vmem>>, vector<512x16xf32>,
    return
  }
  func.func @transform_0(%arg0: i32) -> (i32, i32, i32) {
    %c0_i32 = arith.constant 0 : i32
    %c0_i32_0 = arith.constant 0 : i32
    %c0_i32_1 = arith.constant 0 : i32
    return %c0_i32, %arg0, %c0_i32_0 : i32, i32, i32
  }
  func.func @transform_1(%arg0: i32) -> (i32, i32) {
    %c0_i32 = arith.constant 0 : i32
    %c0_i32_0 = arith.constant 0 : i32
    return %arg0, %c0_i32 : i32, i32
  }
  func.func @transform_2(%arg0: i32) -> (i32, i32) {
    %c0_i32 = arith.constant 0 : i32
    %c0_i32_0 = arith.constant 0 : i32
    %c0_i32_1 = arith.constant 0 : i32
    return %c0_i32, %c0_i32_0 : i32, i32
  }
  func.func @transform_3(%arg0: i32) -> (i32, i32) {
    %c0_i32 = arith.constant 0 : i32
    %c0_i32_0 = arith.constant 0 : i32
    %c0_i32_1 = arith.constant 0 : i32
    return %c0_i32, %c0_i32_0 : i32, i32
  }
  func.func @transform_4(%arg0: i32) -> (i32, i32) {
    %c0_i32 = arith.constant 0 : i32
    %c0_i32_0 = arith.constant 0 : i32
    %c0_i32_1 = arith.constant 0 : i32
    return %c0_i32, %c0_i32_0 : i32, i32
  }
  func.func @transform_5(%arg0: i32) -> (i32, i32) {
    %c0_i32 = arith.constant 0 : i32
    %c0_i32_0 = arith.constant 0 : i32
    return %arg0, %c0_i32 : i32, i32
  }
  func.func @transform_6(%arg0: i32) -> (i32, i32) {
    %c0_i32 = arith.constant 0 : i32
    %c0_i32_0 = arith.constant 0 : i32
    return %arg0, %c0_i32 : i32, i32
  }
  func.func @transform_7(%arg0: i32) -> (i32, i32) {
    %c0_i32 = arith.constant 0 : i32
    %c0_i32_0 = arith.constant 0 : i32
    return %arg0, %c0_i32 : i32, i32
  }
}

module attributes {stable_mosaic.version = 14 : i64} {
  func.func @body(%arg0: i32, %arg1: memref<2x512x16xf32, #tpu.memory_space<vmem>>, %arg2: memref<512x16xf32, #tpu.memory_space<vmem>>, %arg3: memref<512x16xf32, #tpu.memory_space<vmem>>, %arg4: memref<16x48xf32, #tpu.memory_space<vmem>>, %arg5: memref<16x48xf32, #tpu.memory_space<vmem>>, %arg6: memref<1x48xf32, #tpu.memory_space<vmem>>, %arg7: memref<512x48xf32, #tpu.memory_space<vmem>>, %arg8: memref<512x48xf32, #tpu.memory_space<vmem>>) attributes {dimension_semantics = [#tpu.dimension_semantics<arbitrary>], iteration_bounds = array<i64: 20>, scalar_prefetch = 0 : i64, scratch_operands = 0 : i64, tpu.core_type = #tpu.core_type<tc>, window_params = [{transform_indices = @transform_0, window_bounds = array<i64: 2, 512, 16>}, {transform_indices = @transform_1, window_bounds = array<i64: 512, 16>}, {transform_indices = @transform_2, window_bounds = array<i64: 512, 16>}, {pipeline_mode = #tpu.pipeline_mode<synchronous>, transform_indices = @transform_3, window_bounds = array<i64: 16, 48>}, {pipeline_mode = #tpu.pipeline_mode<synchronous>, transform_indices = @transform_4, window_bounds = array<i64: 16, 48>}, {pipeline_mode = #tpu.pipeline_mode<synchronous>, transform_indices = @transform_5, window_bounds = array<i64: 1, 48>}, {transform_indices = @transform_6, window_bounds = array<i64: 512, 48>}, {transform_indices = @transform_7, window_bounds = array<i64: 512, 48>}]} {
    %get3A = arith.constant 0 : index
    %get3A_0 = arith.constant 0 : index
    %get3A_1 = vector.load %arg2[%get3A, %get3A_0] : memref<512x16xf32, #tpu.memory_space<vmem>>, vector<512x16xf32>
    %get3A_2 = arith.constant 0 : index
    %get3A_3 = arith.constant 0 : index
    %get3A_4 = arith.constant 0 : index
    %get3A_5 = vector.load %arg1[%get3A_2, %get3A_3, %get3A_4] : memref<2x512x16xf32, #tpu.memory_space<vmem>>, vector<1x512x16xf32>
    %get3A_6 = vector.shape_cast %get3A_5 : vector<1x512x16xf32> to vector<512x16xf32>
    %get3A_7 = arith.constant 1 : index
    %get3A_8 = arith.constant 0 : index
    %get3A_9 = arith.constant 0 : index
    %get3A_10 = vector.load %arg1[%get3A_7, %get3A_8, %get3A_9] : memref<2x512x16xf32, #tpu.memory_space<vmem>>, vector<1x512x16xf32>
    %get3A_11 = vector.shape_cast %get3A_10 : vector<1x512x16xf32> to vector<512x16xf32>
    %add3A = arith.addf %get3A_6, %get3A_11 : vector<512x16xf32>
    %mul3A = arith.mulf %get3A_1, %add3A : vector<512x16xf32>
    %get3A_12 = arith.constant 0 : index
    %get3A_13 = arith.constant 0 : index
    %get3A_14 = vector.load %arg3[%get3A_12, %get3A_13] : memref<512x16xf32, #tpu.memory_space<vmem>>, vector<512x16xf32>
    %add3A_15 = arith.addf %mul3A, %get3A_14 : vector<512x16xf32>
    %max3A = arith.constant 0.000000e+00 : f32
    %max3A_16 = vector.broadcast %max3A : f32 to vector<512x16xf32>
    %max3A_17 = arith.maximumf %add3A_15, %max3A_16 : vector<512x16xf32>
    %concatenate3A = tpu.concatenate %get3A_1, %get3A_1, %get3A_1 in 1 : vector<512x16xf32>, vector<512x16xf32>, vector<512x16xf32> -> vector<512x48xf32>
    %get3A_18 = arith.constant 0 : index
    %get3A_19 = arith.constant 0 : index
    %get3A_20 = vector.load %arg4[%get3A_18, %get3A_19] : memref<16x48xf32, #tpu.memory_space<vmem>>, vector<16x48xf32>
    %dot_general3A = arith.constant dense<0.000000e+00> : vector<512x48xf32>
    %dot_general3A_21 = tpu.matmul %max3A_17, %get3A_20, %dot_general3A {dimension_numbers = #tpu.dot_dimension_numbers<[1], [0], [0], [1], [0, 0, 1, 1], [], []>, transpose_lhs_hint = false} : vector<512x16xf32>, vector<16x48xf32>, vector<512x48xf32> -> vector<512x48xf32>
    %mul3A_22 = arith.mulf %dot_general3A_21, %concatenate3A : vector<512x48xf32>
    %swap3A = arith.constant 0 : index
    %swap3A_23 = arith.constant 0 : index
    %swap3A_24 = vector.load %arg7[%swap3A, %swap3A_23] : memref<512x48xf32, #tpu.memory_space<vmem>>, vector<512x48xf32>
    tpu.vector_store %arg7[%swap3A, %swap3A_23], %mul3A_22 {strides = array<i32>} : memref<512x48xf32, #tpu.memory_space<vmem>>, vector<512x48xf32>,
    %get3A_25 = arith.constant 0 : index
    %get3A_26 = arith.constant 0 : index
    %get3A_27 = vector.load %arg5[%get3A_25, %get3A_26] : memref<16x48xf32, #tpu.memory_space<vmem>>, vector<16x48xf32>
    %dot_general3A_28 = arith.constant dense<0.000000e+00> : vector<512x48xf32>
    %dot_general3A_29 = tpu.matmul %max3A_17, %get3A_27, %dot_general3A_28 {dimension_numbers = #tpu.dot_dimension_numbers<[1], [0], [0], [1], [0, 0, 1, 1], [], []>, transpose_lhs_hint = false} : vector<512x16xf32>, vector<16x48xf32>, vector<512x48xf32> -> vector<512x48xf32>
    %get3A_30 = arith.constant 0 : index
    %get3A_31 = arith.constant 0 : index
    %get3A_32 = vector.load %arg6[%get3A_30, %get3A_31] : memref<1x48xf32, #tpu.memory_space<vmem>>, vector<1x48xf32>
    %add3A_33 = vector.broadcast %get3A_32 : vector<1x48xf32> to vector<512x48xf32>
    %add3A_34 = arith.addf %dot_general3A_29, %add3A_33 : vector<512x48xf32>
    %swap3A_35 = arith.constant 0 : index
    %swap3A_36 = arith.constant 0 : index
    %swap3A_37 = vector.load %arg8[%swap3A_35, %swap3A_36] : memref<512x48xf32, #tpu.memory_space<vmem>>, vector<512x48xf32>
    tpu.vector_store %arg8[%swap3A_35, %swap3A_36], %add3A_34 {strides = array<i32>} : memref<512x48xf32, #tpu.memory_space<vmem>>, vector<512x48xf32>,
    return
  }
  func.func @transform_0(%arg0: i32) -> (i32, i32, i32) {
    %c0_i32 = arith.constant 0 : i32
    %c0_i32_0 = arith.constant 0 : i32
    %c0_i32_1 = arith.constant 0 : i32
    return %c0_i32, %arg0, %c0_i32_0 : i32, i32, i32
  }
  func.func @transform_1(%arg0: i32) -> (i32, i32) {
    %c0_i32 = arith.constant 0 : i32
    %c0_i32_0 = arith.constant 0 : i32
    return %arg0, %c0_i32 : i32, i32
  }
  func.func @transform_2(%arg0: i32) -> (i32, i32) {
    %c0_i32 = arith.constant 0 : i32
    %c0_i32_0 = arith.constant 0 : i32
    return %arg0, %c0_i32 : i32, i32
  }
  func.func @transform_3(%arg0: i32) -> (i32, i32) {
    %c0_i32 = arith.constant 0 : i32
    %c0_i32_0 = arith.constant 0 : i32
    %c0_i32_1 = arith.constant 0 : i32
    return %c0_i32, %c0_i32_0 : i32, i32
  }
  func.func @transform_4(%arg0: i32) -> (i32, i32) {
    %c0_i32 = arith.constant 0 : i32
    %c0_i32_0 = arith.constant 0 : i32
    %c0_i32_1 = arith.constant 0 : i32
    return %c0_i32, %c0_i32_0 : i32, i32
  }
  func.func @transform_5(%arg0: i32) -> (i32, i32) {
    %c0_i32 = arith.constant 0 : i32
    %c0_i32_0 = arith.constant 0 : i32
    %c0_i32_1 = arith.constant 0 : i32
    return %c0_i32, %c0_i32_0 : i32, i32
  }
  func.func @transform_6(%arg0: i32) -> (i32, i32) {
    %c0_i32 = arith.constant 0 : i32
    %c0_i32_0 = arith.constant 0 : i32
    return %arg0, %c0_i32 : i32, i32
  }
  func.func @transform_7(%arg0: i32) -> (i32, i32) {
    %c0_i32 = arith.constant 0 : i32
    %c0_i32_0 = arith.constant 0 : i32
    return %arg0, %c0_i32 : i32, i32
  }
}

module attributes {stable_mosaic.version = 14 : i64} {
  func.func @body(%arg0: i32, %arg1: memref<2x512x48xf32, #tpu.memory_space<vmem>>, %arg2: memref<512x16xf32, #tpu.memory_space<vmem>>, %arg3: memref<512x48xf32, #tpu.memory_space<vmem>>, %arg4: memref<512x48xf32, #tpu.memory_space<vmem>>) attributes {dimension_semantics = [#tpu.dimension_semantics<arbitrary>], iteration_bounds = array<i64: 20>, scalar_prefetch = 0 : i64, scratch_operands = 0 : i64, tpu.core_type = #tpu.core_type<tc>, window_params = [{transform_indices = @transform_0, window_bounds = array<i64: 2, 512, 48>}, {transform_indices = @transform_1, window_bounds = array<i64: 512, 16>}, {transform_indices = @transform_2, window_bounds = array<i64: 512, 48>}, {transform_indices = @transform_3, window_bounds = array<i64: 512, 48>}]} {
    %get3A = arith.constant 0 : index
    %get3A_0 = arith.constant 0 : index
    %get3A_1 = vector.load %arg2[%get3A, %get3A_0] : memref<512x16xf32, #tpu.memory_space<vmem>>, vector<512x16xf32>
    %concatenate3A = tpu.concatenate %get3A_1, %get3A_1, %get3A_1 in 1 : vector<512x16xf32>, vector<512x16xf32>, vector<512x16xf32> -> vector<512x48xf32>
    %get3A_2 = arith.constant 0 : index
    %get3A_3 = arith.constant 0 : index
    %get3A_4 = arith.constant 0 : index
    %get3A_5 = vector.load %arg1[%get3A_2, %get3A_3, %get3A_4] : memref<2x512x48xf32, #tpu.memory_space<vmem>>, vector<1x512x48xf32>
    %get3A_6 = vector.shape_cast %get3A_5 : vector<1x512x48xf32> to vector<512x48xf32>
    %get3A_7 = arith.constant 1 : index
    %get3A_8 = arith.constant 0 : index
    %get3A_9 = arith.constant 0 : index
    %get3A_10 = vector.load %arg1[%get3A_7, %get3A_8, %get3A_9] : memref<2x512x48xf32, #tpu.memory_space<vmem>>, vector<1x512x48xf32>
    %get3A_11 = vector.shape_cast %get3A_10 : vector<1x512x48xf32> to vector<512x48xf32>
    %add3A = arith.addf %get3A_6, %get3A_11 : vector<512x48xf32>
    %mul3A = arith.mulf %concatenate3A, %add3A : vector<512x48xf32>
    %get3A_12 = arith.constant 0 : index
    %get3A_13 = arith.constant 0 : index
    %get3A_14 = vector.load %arg3[%get3A_12, %get3A_13] : memref<512x48xf32, #tpu.memory_space<vmem>>, vector<512x48xf32>
    %add3A_15 = arith.addf %mul3A, %get3A_14 : vector<512x48xf32>
    %max3A = arith.constant 0.000000e+00 : f32
    %max3A_16 = vector.broadcast %max3A : f32 to vector<512x48xf32>
    %max3A_17 = arith.maximumf %add3A_15, %max3A_16 : vector<512x48xf32>
    %swap3A = arith.constant 0 : index
    %swap3A_18 = arith.constant 0 : index
    %swap3A_19 = vector.load %arg4[%swap3A, %swap3A_18] : memref<512x48xf32, #tpu.memory_space<vmem>>, vector<512x48xf32>
    tpu.vector_store %arg4[%swap3A, %swap3A_18], %max3A_17 {strides = array<i32>} : memref<512x48xf32, #tpu.memory_space<vmem>>, vector<512x48xf32>,
    return
  }
  func.func @transform_0(%arg0: i32) -> (i32, i32, i32) {
    %c0_i32 = arith.constant 0 : i32
    %c0_i32_0 = arith.constant 0 : i32
    %c0_i32_1 = arith.constant 0 : i32
    return %c0_i32, %arg0, %c0_i32_0 : i32, i32, i32
  }
  func.func @transform_1(%arg0: i32) -> (i32, i32) {
    %c0_i32 = arith.constant 0 : i32
    %c0_i32_0 = arith.constant 0 : i32
    return %arg0, %c0_i32 : i32, i32
  }
  func.func @transform_2(%arg0: i32) -> (i32, i32) {
    %c0_i32 = arith.constant 0 : i32
    %c0_i32_0 = arith.constant 0 : i32
    return %arg0, %c0_i32 : i32, i32
  }
  func.func @transform_3(%arg0: i32) -> (i32, i32) {
    %c0_i32 = arith.constant 0 : i32
    %c0_i32_0 = arith.constant 0 : i32
    return %arg0, %c0_i32 : i32, i32
  }
}

</mosaic_0001>

<sc_bundles>
// kernel: _run.11.cloned.1.call-start
scs
__scs_entry_jumppad:
0x0: {  	(pc) =	sbr.rel $0x88, $3  }
0x1: {  	(tag) =	ssettag $0x0;
	lr =	simm.s32 $0x1  }
0x2: {  	[smem:$0x3F99] =	sst lr;
	_ =	strace $0xD0000000  }
0x3: {  	_ = 	snop  }
0x4: {  	_ = 	snop  }
0x5: {  	_ = 	snop  }
0x6: {  	_ = 	snop  }
0x7: {  	_ = 	snop  }
__scs_overlays_trampoline_lowered:
0x8: {  	[smem:$0x3FA8] =	sst s0  }
0x9: {  	[smem:$0x3FA9] =	sst s1  }
0xa: {  	[smem:$0x3FAA] =	sst s2  }
0xb: {  	[smem:$0x3FAB] =	sst s3  }
0xc: {  	[smem:$0x3FAC] =	sst s4  }
0xd: {  	[smem:$0x3FAD] =	sst s5  }
0xe: {  	[smem:$0x3FAE] =	sst s6  }
0xf: {  	[smem:$0x3FAF] =	sst s7  }
0x10: {  	[smem:$0x3FB0] =	sst s8  }
0x11: {  	[smem:$0x3FB1] =	sst s9;
	s0 =	simm.s32 @!p0 $0x0  }
0x12: {  	s1 =	sld [smem:$0x3F97];
	s0 =	simm.s32 @p0 $0x1  }
0x13: {  	[smem:$0x3FB2] =	sst s0;
	s0 =	simm.s32 @!p1 $0x0  }
0x14: {  	s2 =	sld [smem:$0x3F96];
	s0 =	simm.s32 @p1 $0x1  }
0x15: {  	[smem:$0x3FB3] =	sst s0;
	s0 =	simm.s32 @!p2 $0x0  }
0x16: {  	s3 =	sld [smem:$0x3FDB];
	s0 =	simm.s32 @p2 $0x1  }
0x17: {  	s4 =	simm.s32 $0x1BF5;
	[smem:$0x3FB5] =	sst s0  }
0x18: {  	s0 =	sld [smem:$0x3F98];
	_ =	swait.ge [sflag:s4], $0x0  }
0x19: {  	s7 =	sld [smem:$0x3F99]  }
0x1a: {  	s8 =	sadd.s32 $0xFFFFE003, lr  }
0x1b: {  	s9 =	sadd.s32 $0xFFFFFEF7, lr;
	s5 =	simm.s32 $0xFFFFFFFF;
	p2 =	slt.u32 s8, $0xFFFFF086  }
0x1c: {  	p1 =	slt.u32 s9, $0xF7A;
	s5 =	simm.s32 @!p2 $0x0  }
0x1d: {  	s5 =	simm.s32 @p1 $0x1;
	p0 =	seq.s32 s7, s2  }
0x1e: {  	s7 =	smul.u32 @!p0 $0xF7A, s2;
	p2 =	seq.s32 @!p0 s5, $0x0  }
0x1f: {  	s9 =	smul.u32 $0xF7A, s1;
	s8 =	simm.s32 @!p0 $0x1BF5;
	p2 =	por !p2, p0  }
0x20: {  	[sflag:s8] =	ssyncset.s32 @!p0 $0xFFFFF086;
	s6 =	sadd.s32 @!p0 s3, s7;
	s7 =	simm.s32 @!p0 $0x108  }
0x21: {  	s3 =	sadd.s32 s3, s9;
	s6 =	sadd.s32 @!p0 $0x88, s6;
	s7 =	simm.s32 @p2 $0x1082  }
0x22: {  	[simem:s7], [sflag:s8] =	dma.local @!p0 [hbm:s6], $0xF7A  }
0x23: {  	s9 =	sor.u32 $0xD0000000, s2;
	s6 =	simm.s32 $0x108;
	_ =	swait.ge @!p0 [sflag:s8], $0x0  }
0x24: {  	s3 =	sadd.s32 $0x88, s3;
	s6 =	simm.s32 @!p1 $0x1082;
	[sflag:s4] =	ssyncset.s32 $0xFFFFF086  }
0x25: {  	[simem:s6], [sflag:s4] =	dma.local [hbm:s3], $0xF7A  }
0x26: {  	[smem:$0x3F99] =	sst s1;
	(tag) =	ssettag s2;
	_ =	strace s9  }
0x27: {  	s1 =	sld [smem:$0x3FA9]  }
0x28: {  	s2 =	sld [smem:$0x3FAA]  }
0x29: {  	s4 =	sld [smem:$0x3FAC]  }
0x2a: {  	p0 =	seq.s32 s5, $0x0;
	s5 =	sld [smem:$0x3FAD]  }
0x2b: {  	s6 =	sld [smem:$0x3FAE]  }
0x2c: {  	s7 =	sld [smem:$0x3FAF]  }
0x2d: {  	s3 =	simm.s32 $0x108;
	s8 =	sld [smem:$0x3FB0]  }
0x2e: {  	s3 =	simm.s32 @!p0 $0x1082;
	s9 =	sld [smem:$0x3FB1]  }
0x2f: {  	lr =	sadd.s32 s0, s3;
	s0 =	sld [smem:$0x3FA8]  }
0x30: {  	s3 =	sld [smem:$0x3FAB]  }
0x31: {  	[smem:$0x3FB4] =	sst s10  }
0x32: {  	s10 =	sld [smem:$0x3FB2];
	_ =	sdelay $0x3  }
0x33: {  	p0 =	seq.s32 s10, $0x1;
	s10 =	sld [smem:$0x3FB4];
	_ =	sdelay $0x3  }
0x34: {  	[smem:$0x3FB4] =	sst s10  }
0x35: {  	s10 =	sld [smem:$0x3FB3];
	_ =	sdelay $0x3  }
0x36: {  	p1 =	seq.s32 s10, $0x1;
	s10 =	sld [smem:$0x3FB4];
	_ =	sdelay $0x3  }
0x37: {  	[smem:$0x3FB4] =	sst s10  }
0x38: {  	s10 =	sld [smem:$0x3FB5]  }
0x39: {  	_ = 	snop;
	(pc) =	sbr.ind lr, $3  }
0x3a: {  	_ = 	snop  }
0x3b: {  	_ = 	snop  }
0x3c: {  	p2 =	seq.s32 s10, $0x1;
	s10 =	sld [smem:$0x3FB4]  }
0x3d: {  	_ =	shalt  }
0x3e: {  	_ =	shalt  }
0x3f: {  	_ =	shalt  }
0x40: {  	_ =	shalt  }
0x41: {  	_ =	shalt  }
0x42: {  	_ =	shalt  }
0x43: {  	_ =	shalt  }
0x44: {  	_ =	shalt  }
0x45: {  	_ =	shalt  }
0x46: {  	_ =	shalt  }
0x47: {  	_ =	shalt  }
0x48: {  	_ =	shalt  }
0x49: {  	_ =	shalt  }
0x4a: {  	_ =	shalt  }
0x4b: {  	_ =	shalt  }
0x4c: {  	_ =	shalt  }
0x4d: {  	_ =	shalt  }
0x4e: {  	_ =	shalt  }
0x4f: {  	_ =	shalt  }
0x50: {  	_ =	shalt  }
0x51: {  	_ =	shalt  }
0x52: {  	_ =	shalt  }
0x53: {  	_ =	shalt  }
0x54: {  	_ =	shalt  }
0x55: {  	_ =	shalt  }
0x56: {  	_ =	shalt  }
0x57: {  	_ =	shalt  }
0x58: {  	_ =	shalt  }
0x59: {  	_ =	shalt  }
0x5a: {  	_ =	shalt  }
0x5b: {  	_ =	shalt  }
0x5c: {  	_ =	shalt  }
0x5d: {  	_ =	shalt  }
0x5e: {  	_ =	shalt  }
0x5f: {  	_ =	shalt  }
0x60: {  	_ =	shalt  }
0x61: {  	_ =	shalt  }
0x62: {  	_ =	shalt  }
0x63: {  	_ =	shalt  }
0x64: {  	_ =	shalt  }
0x65: {  	_ =	shalt  }
0x66: {  	_ =	shalt  }
0x67: {  	_ =	shalt  }
0x68: {  	_ =	shalt  }
0x69: {  	_ =	shalt  }
0x6a: {  	_ =	shalt  }
0x6b: {  	_ =	shalt  }
0x6c: {  	_ =	shalt  }
0x6d: {  	_ =	shalt  }
0x6e: {  	_ =	shalt  }
0x6f: {  	_ =	shalt  }
0x70: {  	_ =	shalt  }
0x71: {  	_ =	shalt  }
0x72: {  	_ =	shalt  }
0x73: {  	_ =	shalt  }
0x74: {  	_ =	shalt  }
0x75: {  	_ =	shalt  }
0x76: {  	_ =	shalt  }
0x77: {  	_ =	shalt  }
0x78: {  	_ =	shalt  }
0x79: {  	_ =	shalt  }
0x7a: {  	_ =	shalt  }
0x7b: {  	_ =	shalt  }
0x7c: {  	_ =	shalt  }
0x7d: {  	_ =	shalt  }
0x7e: {  	_ =	shalt  }
0x7f: {  	_ =	shalt  }
0x80: {  	_ =	shalt  }
0x81: {  	_ =	shalt  }
0x82: {  	_ =	shalt  }
0x83: {  	_ =	shalt  }
0x84: {  	_ =	shalt  }
0x85: {  	_ =	shalt  }
0x86: {  	_ =	shalt  }
0x87: {  	_ =	shalt  }
.Lfunc_end0:
.L_simem_size_0:
called_computation.1_lowered:
.L_overlay_start_0:
0x88: {  	s2 =	sld [smem:$0x3FD9]  }
0x89: {  	s3 =	sld [smem:$0x3FFE];
	_ =	sdelay $0x1  }
0x8a: {  	s1 =	srdreg.scid  }
0x8b: {  	s0 =	sand.u32 $0x1, s1  }
0x8c: {  	s17 =	sshll.u32 s0, $0xA;
	s2 =	sadd.s32 s3, s2  }
0x8d: {  	s2 =	sadd.s32 s2, s17  }
0x8e: {  	[smem:$0x3FC0] =	sst s2  }
0x8f: {  	_ = 	snop  }
0x90: {  	s2 =	sld [smem:$0x3FD0];
	(tm) =	ssettm $0x1  }
0x91: {  	s18 =	sld [smem:$0x3FFB];
	_ =	sdelay $0x3  }
0x92: {  	_ =	strace s18  }
0x93: {  	s3 =	sld [smem:$0x3FFC];
	_ =	sdelay $0x3  }
0x94: {  	_ =	strace s3  }
0x95: {  	s3 =	sld [smem:$0x3FFD];
	_ =	sdelay $0x3  }
0x96: {  	_ =	strace s3  }
0x97: {  	_ =	strace $0x8FFFFFFF  }
0x98: {  	s19 =	sld [smem:$0x3FDB];
	_ =	sdelay $0x1  }
0x99: {  	s4 =	simm.s32 $_scs_section_size  }
0x9a: {  	s5 =	simm.s32 $_size__tile_overlayer_lowered;
	s6 =	simm.s32 $_tile_overlayer_lowered  }
0x9b: {  	s22 =	simm.s32 $0x1BFF;
	s21 =	sshll.u32 s6, $0x1;
	s3 =	sadd.s32 s4, s19  }
0x9c: {  	s7 =	simm.s32 $0x0;
	s20 =	sshll.u32 s5, $0x1;
	s5 =	sadd.s32 s21, s3  }
0x9d: {  	[timem:s7], [sflag:s22] =	dma.local [hbm:s5], s20  }
0x9e: {  	_ =	swait.ge [sflag:s22], s20  }
0x9f: {  	s4 =	ssub.s32 $0x0, s20;
	[sflag:s22] =	ssyncset.done $0x0  }
0xa0: {  	[sflag:s22] =	ssyncadd.s32 s4;
	_ =	sdelay $0x1  }
0xa1: {  	s23 =	simm.s32 $0x1B8B  }
0xa2: {  	_ =	swait.ge [sflag:s23], $0x1  }
0xa3: {  	[sflag:s23] =	ssyncset.done $0x0  }
0xa4: {  	s25 =	simm.s32 $0x1B8E;
	s24 =	sld [smem:$0x3FFE];
	[sflag:s23] =	ssyncadd.s32 $0xFFFFFFFF  }
0xa5: {  	s26 =	simm.s32 $execute0_lowered;
	[smem:$0x3FD2] =	sst s25  }
0xa6: {  	s5 =	sshll.u32 s26, $0x1;
	_ =	strace $0x80000049;
	[dreg:$0x1] =	wrdreg $0xFFFFFFFF  }
0xa7: {  	s28 =	simm.s32 $_size_execute0_lowered;
	s3 =	sadd.s32 s3, s5;
	[dreg:$0x0] =	wrdreg $0x0  }
0xa8: {  	s5 =	sshll.u32 s28, $0x1;
	[dreg:$0x2] =	wrdreg s3  }
0xa9: {  	[dreg:$0x3] =	wrdreg s5  }
0xaa: {  	[dreg:$0x4] =	wrdreg $0xC0  }
0xab: {  	_ =	task [dreg:s7], $0x5FFFF  }
0xac: {  	[dreg:$0x1] =	wrdreg $0xFFFFFFFF  }
0xad: {  	[dreg:$0x0] =	wrdreg $0x60  }
0xae: {  	[dreg:$0x2] =	wrdreg s2  }
0xaf: {  	[dreg:$0x3] =	wrdreg s24  }
0xb0: {  	[dreg:$0x4] =	wrdreg $0x90000  }
0xb1: {  	[dreg:$0x5] =	wrdreg $0x9  }
0xb2: {  	_ =	task.clear_ibuf [dreg:s7], $0x6FFFF;
	_ =	strace $0x90000049  }
0xb3: {  	s29 =	simm.s32 $0x9;
	_ =	strace $0x8000004B  }
0xb4: {  	_ =	swait.ge [sflag:s29], $0x1  }
0xb5: {  	[sflag:s29] =	ssyncadd.s32 $0xFFFFFFFF  }
0xb6: {  	_ =	strace $0x9000004B  }
0xb7: {  	_ =	sfence  }
0xb8: {  	s30 =	sld [smem:$0x0];
	_ =	sdelay $0x2  }
0xb9: {  	s31 =	sshll.u32 s1, $0xD;
	s1 =	sshrl.u32 s1, $0x2  }
0xba: {  	s3 =	sand.u32 $0x4000, s31;
	s1 =	sadd.s32 s1, s30  }
0xbb: {  	s0 =	sor.u32 s3, s0;
	s1 =	sshll.u32 s1, $0x11  }
0xbc: {  	s0 =	sor.u32 s1, s0  }
0xbd: {  	s0 =	sadd.s32 $0x8F2B, s0  }
0xbe: {  	[sflag:s0] =	ssyncadd.remote.s32 $0x1  }
0xbf: {  	_ =	sfence.sel $0xFFFF  }
0xc0: {  	[dreg:$0x0] =	wrdreg $0xFFFFFFFF;
	(pc) =	sbr.abs _section_cstart, $3  }
0xc1: {  	[dreg:$0x1] =	wrdreg $0xFFFFFFFF  }
0xc2: {  	_ =	task.clear_ibuf [dreg:s7], $0x2FFFF;
	_ =	strace $0x9FFFFFFF  }
0xc3: {  	(tm) =	ssettm $0x7FFFFFFF  }
tec
execute0_lowered:
.L_overlay_start_1:
0x0: {  	(tag) =	ssettag $0x1  }
0x1: {  	s3 =	rddreg [dreg:$0x0]  }
0x2: {  	s4 =	rddreg [dreg:$0x1]  }
0x3: {  	s2 =	rddreg [dreg:$0x2];
	s25 =	simm.s32 $0x0  }
0x4: {  	s0 =	srdreg.scid;
	s17 =	simm.s32 $0x1600;
	[smem:$0x7FF] =	sst s25  }
0x5: {  	s18 =	simm.s32 $0x2A00;
	_ =	strace $0x8000004A;
	[dreg:$0x7] =	wrdreg s17  }
0x6: {  	s9 =	stileid.u32;
	s20 =	simm.s32 $0x3E00;
	[dreg:$0x8] =	wrdreg s18  }
0x7: {  	s21 =	simm.s32 $0x400;
	s22 =	simm.s32 $0x1800;
	[dreg:$0x9] =	wrdreg s20  }
0x8: {  	s23 =	simm.s32 $0x2C00;
	s10 =	simm.s32 $0x600;
	[dreg:$0xa] =	wrdreg s21  }
0x9: {  	s11 =	simm.s32 $0x1A00;
	s13 =	simm.s32 $0x2E00;
	[dreg:$0xb] =	wrdreg s22  }
0xa: {  	s14 =	simm.s32 $0x4200;
	s30 =	simm.s32 $0x2800;
	[dreg:$0xc] =	wrdreg s23  }
0xb: {  	s29 =	simm.s32 $0x3C00;
	s31 =	simm.s32 $0x1400;
	[dreg:$0xe] =	wrdreg s10  }
0xc: {  	p0 =	por $0x0, $0x0;
	s0 =	sand.u32 $0x1, s0;
	[dreg:$0xf] =	wrdreg s11  }
0xd: {  	s5 =	smul.u32 $0x2800, s9;
	s12 =	sshll.u32 s9, $0x6;
	[dreg:$0x10] =	wrdreg s13  }
0xe: {  	s1 =	sshll.u32 s0, $0x4;
	[dreg:$0x11] =	wrdreg s14;
	s17 =	simm.s32 $0x3000  }
0xf: {  	s19 =	smul.u32 $0x5000, s0;
	s18 =	simm.s32 $0x4400;
	[dreg:$0x14] =	wrdreg s17  }
0x10: {  	s0 =	ssub.s32 $0x2, s0;
	s20 =	simm.s32 $0x1E00;
	[dreg:$0x15] =	wrdreg s18  }
0x11: {  	s21 =	simm.s32 $0x3200;
	s22 =	simm.s32 $0x4600;
	[dreg:$0x17] =	wrdreg s20  }
0x12: {  	s10 =	simm.s32 $0xC00;
	s23 =	simm.s32 $0x2000;
	[dreg:$0x18] =	wrdreg s21  }
0x13: {  	s13 =	simm.s32 $0x3400;
	s14 =	simm.s32 $0x3A00;
	[dreg:$0x19] =	wrdreg s22  }
0x14: {  	s1 =	sor.u32 s9, s1;
	s24 =	sshrl.u32 s0, $0x1;
	[dreg:$0x1a] =	wrdreg s10  }
0x15: {  	s9 =	simm.s32 $0x5000;
	[dreg:$0x1b] =	wrdreg s23;
	s10 =	simm.s32 $0x2  }
0x16: {  	[dreg:$0x1c] =	wrdreg s13;
	s23 =	simm.s32 $0xE00;
	s22 =	simm.s32 $0x3600  }
0x17: {  	s21 =	simm.s32 $0x4A00;
	s18 =	simm.s32 $0x1000;
	s20 =	simm.s32 $0x3800  }
0x18: {  	s17 =	simm.s32 $0x4C00;
	s13 =	simm.s32 $0x4E00;
	s6 =	smul.u32 $0x500, s1  }
0x19: {  	s1 =	sshrl.u32 s5, $0x3;
	s0 =	ssub.s32 s0, s24;
	s5 =	sadd.s32 s5, s2  }
0x1a: {  	s24 =	simm.s32 $0x4800;
	s8 =	sadd.s32 s1, s4;
	s0 =	smax.u32 s0, $0x1  }
0x1b: {  	s5 =	sshrl.u32 s5, $0x3;
	[dreg:$0x1d] =	wrdreg s24;
	s24 =	simm.s32 $0x2200  }
0x1c: {  	s7 =	sadd.s32 s6, s4;
	s8 =	sadd.s32 $0xB800, s8;
	s26 =	sadd.s32 s3, s6  }
0x1d: {  	s3 =	sadd.s32 $0x10800, s4;
	s6 =	sadd.s32 s19, s4;
	s4 =	sor.u32 $0x1C03, s12  }
0x1e: {  	s19 =	simm.s32 $0xA00;
	s12 =	simm.s32 $0x1;
	p1 =	sne.s32 s0, $0x1  }
0x1f: {  	s28 =	sadd.s32 $0x1800, s7;
	[dreg:$0x4] =	wrdreg s8;
	s16 =	sadd.s32 $0x280, s26  }
0x20: {  	s8 =	simm.s32 $0x4000;
	s11 =	sadd.s32 $0x15800, s6;
	[dreg:$0x16] =	wrdreg s19  }
0x21: {  	s6 =	simm.s32 $0x3;
	s7 =	simm.s32 $0x200;
	[dreg:$0x6] =	wrdreg s16  }
.Ltmp0:
0x22: {  	s15 =	sadd.s32 $0x280, s28;
	[dreg:$0xd] =	wrdreg s8;
	(pc) =	sbr.rel @!p1 .LBB2_3-.Ltmp0, $4  }
0x23: {  	s11 =	sadd.s32 s1, s11;
	s1 =	sadd.s32 $0xFFFFFFFF, s0;
	s0 =	rddreg [dreg:$0x4]  }
0x24: {  	s19 =	simm.s32 $0x2400;
	s16 =	simm.s32 $0x1C00;
	[dreg:$0x5] =	wrdreg s15  }
0x25: {  	s8 =	simm.s32 $0x7000;
	s15 =	simm.s32 $0x800;
	[dreg:$0x13] =	wrdreg s16  }
0x26: {  	s16 =	simm.s32 $0x2600;
	[dreg:$0x12] =	wrdreg s15;
	s15 =	simm.s32 $0x1200  }
0x27: {  	[spmem:s5], [sflag:s4] =	dma.local [hbm:s0], $0x500  }
0x28: {  	_ =	swait.ge [sflag:s6], $0x500  }
0x29: {  	[sflag:s6] =	ssyncset.done $0x0  }
0x2a: {  	[sflag:s6] =	ssyncadd.s32 $0xFFFFFB00  }
0x2b: {  	[tilespmem:s30], [sflag:$0x3] =	stream.linear.gather [hbm4b:s28+s25], $0x1400, $0x38;
	[tilespmem:$0xB800] =	vst v63  }
0x2c: {  	_ =	swait.ge [sflag:s6], $0x1400  }
0x2d: {  	[sflag:s6] =	ssyncset.done $0x0  }
0x2e: {  	s0 =	rddreg [dreg:$0x5];
	[sflag:s6] =	ssyncadd.s32 $0xFFFFEC00  }
0x2f: {  	[tilespmem:s29], [sflag:$0x3] =	stream.linear.gather [hbm4b:s0+s25], $0x1400, $0x38;
	[tilespmem:$0xB800] =	vst v63  }
0x30: {  	_ =	swait.ge [sflag:s6], $0x1400  }
0x31: {  	[sflag:s6] =	ssyncset.done $0x0  }
0x32: {  	[sflag:s6] =	ssyncadd.s32 $0xFFFFEC00  }
0x33: {  	[tilespmem:s25], [sflag:$0x3] =	stream.linear.gather [hbm4b:s26+s25], $0x1400, $0x38;
	[tilespmem:$0xB800] =	vst v63  }
0x34: {  	_ =	swait.ge [sflag:s6], $0x1400  }
0x35: {  	[sflag:s6] =	ssyncset.done $0x0  }
0x36: {  	s0 =	rddreg [dreg:$0x6];
	[sflag:s6] =	ssyncadd.s32 $0xFFFFEC00  }
0x37: {  	[tilespmem:s31], [sflag:$0x3] =	stream.linear.gather [hbm4b:s0+s25], $0x1400, $0x38;
	[tilespmem:$0xB800] =	vst v63  }
0x38: {  	_ =	swait.ge [sflag:s6], $0x1400  }
0x39: {  	[sflag:s6] =	ssyncset.done $0x0  }
0x3a: {  	[sflag:s6] =	ssyncadd.s32 $0xFFFFEC00  }
0x3b: {  	[bflag:$0x0] =	sbarrier.arrive $0xFFFF  }
0x3c: {  	[tilespmem:s9], [sflag:$0x1] =	stream.indirect.gather [hbm4b:s3+s7], $0x10, s25, s7, $0xb8;
	[tilespmem:$0xB800] =	vst v63  }
0x3d: {  	_ = 	snop  }
0x3e: {  	[tilespmem:s8], [sflag:$0x2] =	stream.indirect.gather [hbm4b:s3+s7], $0x10, s31, s7, $0xb8;
	[tilespmem:$0xB800] =	vst v63  }
0x3f: {  	_ =	swait.ge [sflag:s12], $0x2000  }
0x40: {  	[sflag:s12] =	ssyncset.done $0x0  }
0x41: {  	[sflag:s12] =	ssyncadd.s32 $0xFFFFE000  }
0x42: {  	[spmem:s2] =	stream.indirect.scatter.add.f32 [tilespmem:s9], [sflag:$0x3], $0x10, s30, s7, $0xb8;
	[tilespmem:$0xB800] =	vst v63  }
0x43: {  	_ =	swait.ge [sflag:s6], $0x2000  }
0x44: {  	[sflag:s6] =	ssyncset.done $0x0  }
0x45: {  	[sflag:s6] =	ssyncadd.s32 $0xFFFFE000  }
0x46: {  	_ =	swait.ge [sflag:s10], $0x2000  }
0x47: {  	[sflag:s10] =	ssyncset.done $0x0  }
0x48: {  	[sflag:s10] =	ssyncadd.s32 $0xFFFFE000  }
0x49: {  	[spmem:s2] =	stream.indirect.scatter.add.f32 [tilespmem:s8], [sflag:$0x3], $0x10, s29, s7, $0xb8;
	[tilespmem:$0xB800] =	vst v63  }
0x4a: {  	_ =	swait.ge [sflag:s6], $0x2000  }
0x4b: {  	[sflag:s6] =	ssyncset.done $0x0  }
0x4c: {  	[sflag:s6] =	ssyncadd.s32 $0xFFFFE000  }
0x4d: {  	[tilespmem:s9], [sflag:$0x1] =	stream.indirect.gather [hbm4b:s3+s7], $0x10, s7, s7, $0xb8;
	[tilespmem:$0xB800] =	vst v63  }
0x4e: {  	s0 =	rddreg [dreg:$0x7]  }
0x4f: {  	[tilespmem:s8], [sflag:$0x2] =	stream.indirect.gather [hbm4b:s3+s7], $0x10, s0, s7, $0xb8;
	[tilespmem:$0xB800] =	vst v63  }
0x50: {  	_ =	swait.ge [sflag:s12], $0x2000  }
0x51: {  	[sflag:s12] =	ssyncset.done $0x0  }
0x52: {  	s0 =	rddreg [dreg:$0x8];
	[sflag:s12] =	ssyncadd.s32 $0xFFFFE000  }
0x53: {  	[spmem:s2] =	stream.indirect.scatter.add.f32 [tilespmem:s9], [sflag:$0x3], $0x10, s0, s7, $0xb8;
	[tilespmem:$0xB800] =	vst v63  }
0x54: {  	_ =	swait.ge [sflag:s6], $0x2000  }
0x55: {  	[sflag:s6] =	ssyncset.done $0x0  }
0x56: {  	[sflag:s6] =	ssyncadd.s32 $0xFFFFE000  }
0x57: {  	_ =	swait.ge [sflag:s10], $0x2000  }
0x58: {  	[sflag:s10] =	ssyncset.done $0x0  }
0x59: {  	s0 =	rddreg [dreg:$0x9];
	[sflag:s10] =	ssyncadd.s32 $0xFFFFE000  }
0x5a: {  	[spmem:s2] =	stream.indirect.scatter.add.f32 [tilespmem:s8], [sflag:$0x3], $0x10, s0, s7, $0xb8;
	[tilespmem:$0xB800] =	vst v63  }
0x5b: {  	_ =	swait.ge [sflag:s6], $0x2000  }
0x5c: {  	[dreg:$0x1e] =	wrdreg s1;
	[sflag:s6] =	ssyncset.done $0x0  }
0x5d: {  	s0 =	rddreg [dreg:$0xa];
	[sflag:s6] =	ssyncadd.s32 $0xFFFFE000  }
0x5e: {  	[tilespmem:s9], [sflag:$0x1] =	stream.indirect.gather [hbm4b:s3+s7], $0x10, s0, s7, $0xb8;
	[tilespmem:$0xB800] =	vst v63  }
0x5f: {  	s1 =	rddreg [dreg:$0xb]  }
0x60: {  	[tilespmem:s8], [sflag:$0x2] =	stream.indirect.gather [hbm4b:s3+s7], $0x10, s1, s7, $0xb8;
	[tilespmem:$0xB800] =	vst v63  }
0x61: {  	_ =	swait.ge [sflag:s12], $0x2000  }
0x62: {  	[sflag:s12] =	ssyncset.done $0x0  }
0x63: {  	s1 =	rddreg [dreg:$0xc];
	[sflag:s12] =	ssyncadd.s32 $0xFFFFE000  }
0x64: {  	[spmem:s2] =	stream.indirect.scatter.add.f32 [tilespmem:s9], [sflag:$0x3], $0x10, s1, s7, $0xb8;
	[tilespmem:$0xB800] =	vst v63  }
0x65: {  	_ =	swait.ge [sflag:s6], $0x2000  }
0x66: {  	[sflag:s6] =	ssyncset.done $0x0  }
0x67: {  	[sflag:s6] =	ssyncadd.s32 $0xFFFFE000  }
0x68: {  	_ =	swait.ge [sflag:s10], $0x2000  }
0x69: {  	[sflag:s10] =	ssyncset.done $0x0  }
0x6a: {  	s1 =	rddreg [dreg:$0xd];
	[sflag:s10] =	ssyncadd.s32 $0xFFFFE000  }
0x6b: {  	[spmem:s2] =	stream.indirect.scatter.add.f32 [tilespmem:s8], [sflag:$0x3], $0x10, s1, s7, $0xb8;
	[tilespmem:$0xB800] =	vst v63  }
0x6c: {  	_ =	swait.ge [sflag:s6], $0x2000  }
0x6d: {  	[sflag:s6] =	ssyncset.done $0x0  }
0x6e: {  	s0 =	rddreg [dreg:$0xe];
	[sflag:s6] =	ssyncadd.s32 $0xFFFFE000  }
0x6f: {  	[tilespmem:s9], [sflag:$0x1] =	stream.indirect.gather [hbm4b:s3+s7], $0x10, s0, s7, $0xb8;
	[tilespmem:$0xB800] =	vst v63  }
0x70: {  	s1 =	rddreg [dreg:$0xf]  }
0x71: {  	[tilespmem:s8], [sflag:$0x2] =	stream.indirect.gather [hbm4b:s3+s7], $0x10, s1, s7, $0xb8;
	[tilespmem:$0xB800] =	vst v63  }
0x72: {  	_ =	swait.ge [sflag:s12], $0x2000  }
0x73: {  	[sflag:s12] =	ssyncset.done $0x0  }
0x74: {  	s1 =	rddreg [dreg:$0x10];
	[sflag:s12] =	ssyncadd.s32 $0xFFFFE000  }
0x75: {  	[spmem:s2] =	stream.indirect.scatter.add.f32 [tilespmem:s9], [sflag:$0x3], $0x10, s1, s7, $0xb8;
	[tilespmem:$0xB800] =	vst v63  }
0x76: {  	_ =	swait.ge [sflag:s6], $0x2000  }
0x77: {  	[sflag:s6] =	ssyncset.done $0x0  }
0x78: {  	[sflag:s6] =	ssyncadd.s32 $0xFFFFE000  }
0x79: {  	_ =	swait.ge [sflag:s10], $0x2000  }
0x7a: {  	[sflag:s10] =	ssyncset.done $0x0  }
0x7b: {  	s1 =	rddreg [dreg:$0x11];
	[sflag:s10] =	ssyncadd.s32 $0xFFFFE000  }
0x7c: {  	[spmem:s2] =	stream.indirect.scatter.add.f32 [tilespmem:s8], [sflag:$0x3], $0x10, s1, s7, $0xb8;
	[tilespmem:$0xB800] =	vst v63  }
0x7d: {  	_ =	swait.ge [sflag:s6], $0x2000  }
0x7e: {  	[sflag:s6] =	ssyncset.done $0x0  }
0x7f: {  	s0 =	rddreg [dreg:$0x12];
	[sflag:s6] =	ssyncadd.s32 $0xFFFFE000  }
0x80: {  	[tilespmem:s9], [sflag:$0x1] =	stream.indirect.gather [hbm4b:s3+s7], $0x10, s0, s7, $0xb8;
	[tilespmem:$0xB800] =	vst v63  }
0x81: {  	s1 =	rddreg [dreg:$0x13]  }
0x82: {  	[tilespmem:s8], [sflag:$0x2] =	stream.indirect.gather [hbm4b:s3+s7], $0x10, s1, s7, $0xb8;
	[tilespmem:$0xB800] =	vst v63  }
0x83: {  	_ =	swait.ge [sflag:s12], $0x2000  }
0x84: {  	[sflag:s12] =	ssyncset.done $0x0  }
0x85: {  	s1 =	rddreg [dreg:$0x14];
	[sflag:s12] =	ssyncadd.s32 $0xFFFFE000  }
0x86: {  	[spmem:s2] =	stream.indirect.scatter.add.f32 [tilespmem:s9], [sflag:$0x3], $0x10, s1, s7, $0xb8;
	[tilespmem:$0xB800] =	vst v63  }
0x87: {  	_ =	swait.ge [sflag:s6], $0x2000  }
0x88: {  	[sflag:s6] =	ssyncset.done $0x0  }
0x89: {  	[sflag:s6] =	ssyncadd.s32 $0xFFFFE000  }
0x8a: {  	_ =	swait.ge [sflag:s10], $0x2000  }
0x8b: {  	[sflag:s10] =	ssyncset.done $0x0  }
0x8c: {  	s1 =	rddreg [dreg:$0x15];
	[sflag:s10] =	ssyncadd.s32 $0xFFFFE000  }
0x8d: {  	[spmem:s2] =	stream.indirect.scatter.add.f32 [tilespmem:s8], [sflag:$0x3], $0x10, s1, s7, $0xb8;
	[tilespmem:$0xB800] =	vst v63  }
0x8e: {  	_ =	swait.ge [sflag:s6], $0x2000  }
0x8f: {  	[sflag:s6] =	ssyncset.done $0x0  }
0x90: {  	s0 =	rddreg [dreg:$0x16];
	[sflag:s6] =	ssyncadd.s32 $0xFFFFE000  }
0x91: {  	[tilespmem:s9], [sflag:$0x1] =	stream.indirect.gather [hbm4b:s3+s7], $0x10, s0, s7, $0xb8;
	[tilespmem:$0xB800] =	vst v63  }
0x92: {  	s1 =	rddreg [dreg:$0x17]  }
0x93: {  	[tilespmem:s8], [sflag:$0x2] =	stream.indirect.gather [hbm4b:s3+s7], $0x10, s1, s7, $0xb8;
	[tilespmem:$0xB800] =	vst v63  }
0x94: {  	_ =	swait.ge [sflag:s12], $0x2000  }
0x95: {  	[sflag:s12] =	ssyncset.done $0x0  }
0x96: {  	s1 =	rddreg [dreg:$0x18];
	[sflag:s12] =	ssyncadd.s32 $0xFFFFE000  }
0x97: {  	[spmem:s2] =	stream.indirect.scatter.add.f32 [tilespmem:s9], [sflag:$0x3], $0x10, s1, s7, $0xb8;
	[tilespmem:$0xB800] =	vst v63  }
0x98: {  	_ =	swait.ge [sflag:s6], $0x2000  }
0x99: {  	[sflag:s6] =	ssyncset.done $0x0  }
0x9a: {  	[sflag:s6] =	ssyncadd.s32 $0xFFFFE000  }
0x9b: {  	_ =	swait.ge [sflag:s10], $0x2000  }
0x9c: {  	[sflag:s10] =	ssyncset.done $0x0  }
0x9d: {  	s1 =	rddreg [dreg:$0x19];
	[sflag:s10] =	ssyncadd.s32 $0xFFFFE000  }
0x9e: {  	[spmem:s2] =	stream.indirect.scatter.add.f32 [tilespmem:s8], [sflag:$0x3], $0x10, s1, s7, $0xb8;
	[tilespmem:$0xB800] =	vst v63  }
0x9f: {  	_ =	swait.ge [sflag:s6], $0x2000  }
0xa0: {  	[sflag:s6] =	ssyncset.done $0x0  }
0xa1: {  	s0 =	rddreg [dreg:$0x1a];
	[sflag:s6] =	ssyncadd.s32 $0xFFFFE000  }
0xa2: {  	[tilespmem:s9], [sflag:$0x1] =	stream.indirect.gather [hbm4b:s3+s7], $0x10, s0, s7, $0xb8;
	[tilespmem:$0xB800] =	vst v63  }
0xa3: {  	s1 =	rddreg [dreg:$0x1b]  }
0xa4: {  	[tilespmem:s8], [sflag:$0x2] =	stream.indirect.gather [hbm4b:s3+s7], $0x10, s1, s7, $0xb8;
	[tilespmem:$0xB800] =	vst v63  }
0xa5: {  	_ =	swait.ge [sflag:s12], $0x2000  }
0xa6: {  	[sflag:s12] =	ssyncset.done $0x0  }
0xa7: {  	s1 =	rddreg [dreg:$0x1c];
	[sflag:s12] =	ssyncadd.s32 $0xFFFFE000  }
0xa8: {  	[spmem:s2] =	stream.indirect.scatter.add.f32 [tilespmem:s9], [sflag:$0x3], $0x10, s1, s7, $0xb8;
	[tilespmem:$0xB800] =	vst v63  }
0xa9: {  	_ =	swait.ge [sflag:s6], $0x2000  }
0xaa: {  	[sflag:s6] =	ssyncset.done $0x0  }
0xab: {  	[sflag:s6] =	ssyncadd.s32 $0xFFFFE000  }
0xac: {  	_ =	swait.ge [sflag:s10], $0x2000  }
0xad: {  	[sflag:s10] =	ssyncset.done $0x0  }
0xae: {  	s1 =	rddreg [dreg:$0x1d];
	[sflag:s10] =	ssyncadd.s32 $0xFFFFE000  }
0xaf: {  	[spmem:s2] =	stream.indirect.scatter.add.f32 [tilespmem:s8], [sflag:$0x3], $0x10, s1, s7, $0xb8;
	[tilespmem:$0xB800] =	vst v63  }
0xb0: {  	_ =	swait.ge [sflag:s6], $0x2000  }
0xb1: {  	[sflag:s6] =	ssyncset.done $0x0  }
0xb2: {  	[sflag:s6] =	ssyncadd.s32 $0xFFFFE000  }
0xb3: {  	[tilespmem:s9], [sflag:$0x1] =	stream.indirect.gather [hbm4b:s3+s7], $0x10, s23, s7, $0xb8;
	[tilespmem:$0xB800] =	vst v63  }
0xb4: {  	_ = 	snop  }
0xb5: {  	[tilespmem:s8], [sflag:$0x2] =	stream.indirect.gather [hbm4b:s3+s7], $0x10, s24, s7, $0xb8;
	[tilespmem:$0xB800] =	vst v63  }
0xb6: {  	_ =	swait.ge [sflag:s12], $0x2000  }
0xb7: {  	[sflag:s12] =	ssyncset.done $0x0  }
0xb8: {  	[sflag:s12] =	ssyncadd.s32 $0xFFFFE000  }
0xb9: {  	[spmem:s2] =	stream.indirect.scatter.add.f32 [tilespmem:s9], [sflag:$0x3], $0x10, s22, s7, $0xb8;
	[tilespmem:$0xB800] =	vst v63  }
0xba: {  	_ =	swait.ge [sflag:s6], $0x2000  }
0xbb: {  	[sflag:s6] =	ssyncset.done $0x0  }
0xbc: {  	[sflag:s6] =	ssyncadd.s32 $0xFFFFE000  }
0xbd: {  	_ =	swait.ge [sflag:s10], $0x2000  }
0xbe: {  	[sflag:s10] =	ssyncset.done $0x0  }
0xbf: {  	[sflag:s10] =	ssyncadd.s32 $0xFFFFE000  }
0xc0: {  	[spmem:s2] =	stream.indirect.scatter.add.f32 [tilespmem:s8], [sflag:$0x3], $0x10, s21, s7, $0xb8;
	[tilespmem:$0xB800] =	vst v63  }
0xc1: {  	_ =	swait.ge [sflag:s6], $0x2000  }
0xc2: {  	[sflag:s6] =	ssyncset.done $0x0  }
0xc3: {  	[sflag:s6] =	ssyncadd.s32 $0xFFFFE000  }
0xc4: {  	[tilespmem:s9], [sflag:$0x1] =	stream.indirect.gather [hbm4b:s3+s7], $0x10, s18, s7, $0xb8;
	[tilespmem:$0xB800] =	vst v63  }
0xc5: {  	_ = 	snop  }
0xc6: {  	[tilespmem:s8], [sflag:$0x2] =	stream.indirect.gather [hbm4b:s3+s7], $0x10, s19, s7, $0xb8;
	[tilespmem:$0xB800] =	vst v63  }
0xc7: {  	_ =	swait.ge [sflag:s12], $0x2000  }
0xc8: {  	[sflag:s12] =	ssyncset.done $0x0  }
0xc9: {  	[sflag:s12] =	ssyncadd.s32 $0xFFFFE000  }
0xca: {  	[spmem:s2] =	stream.indirect.scatter.add.f32 [tilespmem:s9], [sflag:$0x3], $0x10, s20, s7, $0xb8;
	[tilespmem:$0xB800] =	vst v63  }
0xcb: {  	_ =	swait.ge [sflag:s6], $0x2000  }
0xcc: {  	[sflag:s6] =	ssyncset.done $0x0  }
0xcd: {  	[sflag:s6] =	ssyncadd.s32 $0xFFFFE000  }
0xce: {  	_ =	swait.ge [sflag:s10], $0x2000  }
0xcf: {  	[sflag:s10] =	ssyncset.done $0x0  }
0xd0: {  	[sflag:s10] =	ssyncadd.s32 $0xFFFFE000  }
0xd1: {  	[spmem:s2] =	stream.indirect.scatter.add.f32 [tilespmem:s8], [sflag:$0x3], $0x10, s17, s7, $0xb8;
	[tilespmem:$0xB800] =	vst v63  }
0xd2: {  	_ =	swait.ge [sflag:s6], $0x2000  }
0xd3: {  	[sflag:s6] =	ssyncset.done $0x0  }
0xd4: {  	[sflag:s6] =	ssyncadd.s32 $0xFFFFE000  }
0xd5: {  	[tilespmem:s9], [sflag:$0x1] =	stream.indirect.gather [hbm4b:s3+s7], $0x10, s15, s7, $0xb8;
	[tilespmem:$0xB800] =	vst v63  }
0xd6: {  	_ = 	snop  }
0xd7: {  	[tilespmem:s8], [sflag:$0x2] =	stream.indirect.gather [hbm4b:s3+s7], $0x10, s16, s7, $0xb8;
	[tilespmem:$0xB800] =	vst v63  }
0xd8: {  	_ =	swait.ge [sflag:s12], $0x2000  }
0xd9: {  	[sflag:s12] =	ssyncset.done $0x0  }
0xda: {  	[sflag:s12] =	ssyncadd.s32 $0xFFFFE000  }
0xdb: {  	[spmem:s2] =	stream.indirect.scatter.add.f32 [tilespmem:s9], [sflag:$0x3], $0x10, s14, s7, $0xb8;
	[tilespmem:$0xB800] =	vst v63  }
0xdc: {  	_ =	swait.ge [sflag:s6], $0x2000  }
0xdd: {  	[sflag:s6] =	ssyncset.done $0x0  }
0xde: {  	[sflag:s6] =	ssyncadd.s32 $0xFFFFE000  }
0xdf: {  	_ =	swait.ge [sflag:s10], $0x2000  }
0xe0: {  	[sflag:s10] =	ssyncset.done $0x0  }
0xe1: {  	[sflag:s10] =	ssyncadd.s32 $0xFFFFE000  }
0xe2: {  	[spmem:s2] =	stream.indirect.scatter.add.f32 [tilespmem:s8], [sflag:$0x3], $0x10, s13, s7, $0xb8;
	[tilespmem:$0xB800] =	vst v63  }
0xe3: {  	_ =	swait.ge [sflag:s6], $0x2000  }
0xe4: {  	[sflag:s6] =	ssyncset.done $0x0  }
0xe5: {  	[sflag:s6] =	ssyncadd.s32 $0xFFFFE000  }
0xe6: {  	[bflag:$0x0] =	sbarrier.arrive $0xFFFF  }
0xe7: {  	[hbm:s11], [sflag:s4] =	dma.local [spmem:s5], $0x500  }
0xe8: {  	s1 =	rddreg [dreg:$0x1e]  }
0xe9: {  	p1 =	sne.s32 s1, $0x1  }
.Ltmp1:
0xea: {  	_ = 	snop;
	(pc) =	sbr.rel @!p1 .LBB2_3-.Ltmp1, $3  }
0xeb: {  	_ =	sdelay $0x1  }
0xec: {  	p0 =	por $0x1, $0x1;
	_ =	swait.ge [sflag:s6], $0x500  }
0xed: {  	s1 =	sadd.s32 $0xFFFFFFFF, s1;
	s0 =	rddreg [dreg:$0x4];
	[sflag:s6] =	ssyncset.done $0x0  }
.LBB2_2:
0xee: {  	[sflag:s6] =	ssyncadd.s32 $0xFFFFFB00  }
0xef: {  	[spmem:s5], [sflag:s4] =	dma.local [hbm:s0], $0x500  }
0xf0: {  	_ =	swait.ge [sflag:s6], $0x500  }
0xf1: {  	[sflag:s6] =	ssyncset.done $0x0  }
0xf2: {  	[sflag:s6] =	ssyncadd.s32 $0xFFFFFB00  }
0xf3: {  	[tilespmem:s30], [sflag:$0x3] =	stream.linear.gather [hbm4b:s28+s25], $0x1400, $0x38;
	[tilespmem:$0xB800] =	vst v63  }
0xf4: {  	_ =	swait.ge [sflag:s6], $0x1400  }
0xf5: {  	[sflag:s6] =	ssyncset.done $0x0  }
0xf6: {  	s13 =	rddreg [dreg:$0x5];
	[sflag:s6] =	ssyncadd.s32 $0xFFFFEC00  }
0xf7: {  	[tilespmem:s29], [sflag:$0x3] =	stream.linear.gather [hbm4b:s13+s25], $0x1400, $0x38;
	[tilespmem:$0xB800] =	vst v63  }
0xf8: {  	_ =	swait.ge [sflag:s6], $0x1400  }
0xf9: {  	[sflag:s6] =	ssyncset.done $0x0  }
0xfa: {  	[sflag:s6] =	ssyncadd.s32 $0xFFFFEC00  }
0xfb: {  	[tilespmem:s25], [sflag:$0x3] =	stream.linear.gather [hbm4b:s26+s25], $0x1400, $0x38;
	[tilespmem:$0xB800] =	vst v63  }
0xfc: {  	_ =	swait.ge [sflag:s6], $0x1400  }
0xfd: {  	[sflag:s6] =	ssyncset.done $0x0  }
0xfe: {  	s13 =	rddreg [dreg:$0x6];
	[sflag:s6] =	ssyncadd.s32 $0xFFFFEC00  }
0xff: {  	[tilespmem:s31], [sflag:$0x3] =	stream.linear.gather [hbm4b:s13+s25], $0x1400, $0x38;
	[tilespmem:$0xB800] =	vst v63  }
0x100: {  	_ =	swait.ge [sflag:s6], $0x1400  }
0x101: {  	[sflag:s6] =	ssyncset.done $0x0  }
0x102: {  	[sflag:s6] =	ssyncadd.s32 $0xFFFFEC00  }
0x103: {  	[bflag:$0x0] =	sbarrier.arrive $0xFFFF  }
0x104: {  	[tilespmem:s9], [sflag:$0x1] =	stream.indirect.gather [hbm4b:s3+s7], $0x10, s25, s7, $0xb8;
	[tilespmem:$0xB800] =	vst v63  }
0x105: {  	_ = 	snop  }
0x106: {  	[tilespmem:s8], [sflag:$0x2] =	stream.indirect.gather [hbm4b:s3+s7], $0x10, s31, s7, $0xb8;
	[tilespmem:$0xB800] =	vst v63  }
0x107: {  	_ =	swait.ge [sflag:s12], $0x2000  }
0x108: {  	[sflag:s12] =	ssyncset.done $0x0  }
0x109: {  	[sflag:s12] =	ssyncadd.s32 $0xFFFFE000  }
0x10a: {  	[spmem:s2] =	stream.indirect.scatter.add.f32 [tilespmem:s9], [sflag:$0x3], $0x10, s30, s7, $0xb8;
	[tilespmem:$0xB800] =	vst v63  }
0x10b: {  	_ =	swait.ge [sflag:s6], $0x2000  }
0x10c: {  	[sflag:s6] =	ssyncset.done $0x0  }
0x10d: {  	[sflag:s6] =	ssyncadd.s32 $0xFFFFE000  }
0x10e: {  	_ =	swait.ge [sflag:s10], $0x2000  }
0x10f: {  	[sflag:s10] =	ssyncset.done $0x0  }
0x110: {  	[sflag:s10] =	ssyncadd.s32 $0xFFFFE000  }
0x111: {  	[spmem:s2] =	stream.indirect.scatter.add.f32 [tilespmem:s8], [sflag:$0x3], $0x10, s29, s7, $0xb8;
	[tilespmem:$0xB800] =	vst v63  }
0x112: {  	_ =	swait.ge [sflag:s6], $0x2000  }
0x113: {  	[sflag:s6] =	ssyncset.done $0x0  }
0x114: {  	[sflag:s6] =	ssyncadd.s32 $0xFFFFE000  }
0x115: {  	[tilespmem:s9], [sflag:$0x1] =	stream.indirect.gather [hbm4b:s3+s7], $0x10, s7, s7, $0xb8;
	[tilespmem:$0xB800] =	vst v63  }
0x116: {  	s13 =	rddreg [dreg:$0x7]  }
0x117: {  	[tilespmem:s8], [sflag:$0x2] =	stream.indirect.gather [hbm4b:s3+s7], $0x10, s13, s7, $0xb8;
	[tilespmem:$0xB800] =	vst v63  }
0x118: {  	_ =	swait.ge [sflag:s12], $0x2000  }
0x119: {  	[sflag:s12] =	ssyncset.done $0x0  }
0x11a: {  	s13 =	rddreg [dreg:$0x8];
	[sflag:s12] =	ssyncadd.s32 $0xFFFFE000  }
0x11b: {  	[spmem:s2] =	stream.indirect.scatter.add.f32 [tilespmem:s9], [sflag:$0x3], $0x10, s13, s7, $0xb8;
	[tilespmem:$0xB800] =	vst v63  }
0x11c: {  	_ =	swait.ge [sflag:s6], $0x2000  }
0x11d: {  	[sflag:s6] =	ssyncset.done $0x0  }
0x11e: {  	[sflag:s6] =	ssyncadd.s32 $0xFFFFE000  }
0x11f: {  	_ =	swait.ge [sflag:s10], $0x2000  }
0x120: {  	[sflag:s10] =	ssyncset.done $0x0  }
0x121: {  	s13 =	rddreg [dreg:$0x9];
	[sflag:s10] =	ssyncadd.s32 $0xFFFFE000  }
0x122: {  	[spmem:s2] =	stream.indirect.scatter.add.f32 [tilespmem:s8], [sflag:$0x3], $0x10, s13, s7, $0xb8;
	[tilespmem:$0xB800] =	vst v63  }
0x123: {  	_ =	swait.ge [sflag:s6], $0x2000  }
0x124: {  	[sflag:s6] =	ssyncset.done $0x0  }
0x125: {  	s0 =	rddreg [dreg:$0xa];
	[sflag:s6] =	ssyncadd.s32 $0xFFFFE000  }
0x126: {  	[tilespmem:s9], [sflag:$0x1] =	stream.indirect.gather [hbm4b:s3+s7], $0x10, s0, s7, $0xb8;
	[tilespmem:$0xB800] =	vst v63  }
0x127: {  	s13 =	rddreg [dreg:$0xb]  }
0x128: {  	[tilespmem:s8], [sflag:$0x2] =	stream.indirect.gather [hbm4b:s3+s7], $0x10, s13, s7, $0xb8;
	[tilespmem:$0xB800] =	vst v63  }
0x129: {  	_ =	swait.ge [sflag:s12], $0x2000  }
0x12a: {  	[sflag:s12] =	ssyncset.done $0x0  }
0x12b: {  	s13 =	rddreg [dreg:$0xc];
	[sflag:s12] =	ssyncadd.s32 $0xFFFFE000  }
0x12c: {  	[spmem:s2] =	stream.indirect.scatter.add.f32 [tilespmem:s9], [sflag:$0x3], $0x10, s13, s7, $0xb8;
	[tilespmem:$0xB800] =	vst v63  }
0x12d: {  	_ =	swait.ge [sflag:s6], $0x2000  }
0x12e: {  	[sflag:s6] =	ssyncset.done $0x0  }
0x12f: {  	[sflag:s6] =	ssyncadd.s32 $0xFFFFE000  }
0x130: {  	_ =	swait.ge [sflag:s10], $0x2000  }
0x131: {  	[sflag:s10] =	ssyncset.done $0x0  }
0x132: {  	s13 =	rddreg [dreg:$0xd];
	[sflag:s10] =	ssyncadd.s32 $0xFFFFE000  }
0x133: {  	[spmem:s2] =	stream.indirect.scatter.add.f32 [tilespmem:s8], [sflag:$0x3], $0x10, s13, s7, $0xb8;
	[tilespmem:$0xB800] =	vst v63  }
0x134: {  	_ =	swait.ge [sflag:s6], $0x2000  }
0x135: {  	[sflag:s6] =	ssyncset.done $0x0  }
0x136: {  	s0 =	rddreg [dreg:$0xe];
	[sflag:s6] =	ssyncadd.s32 $0xFFFFE000  }
0x137: {  	[tilespmem:s9], [sflag:$0x1] =	stream.indirect.gather [hbm4b:s3+s7], $0x10, s0, s7, $0xb8;
	[tilespmem:$0xB800] =	vst v63  }
0x138: {  	s13 =	rddreg [dreg:$0xf]  }
0x139: {  	[tilespmem:s8], [sflag:$0x2] =	stream.indirect.gather [hbm4b:s3+s7], $0x10, s13, s7, $0xb8;
	[tilespmem:$0xB800] =	vst v63  }
0x13a: {  	_ =	swait.ge [sflag:s12], $0x2000  }
0x13b: {  	[sflag:s12] =	ssyncset.done $0x0  }
0x13c: {  	s13 =	rddreg [dreg:$0x10];
	[sflag:s12] =	ssyncadd.s32 $0xFFFFE000  }
0x13d: {  	[spmem:s2] =	stream.indirect.scatter.add.f32 [tilespmem:s9], [sflag:$0x3], $0x10, s13, s7, $0xb8;
	[tilespmem:$0xB800] =	vst v63  }
0x13e: {  	_ =	swait.ge [sflag:s6], $0x2000  }
0x13f: {  	[sflag:s6] =	ssyncset.done $0x0  }
0x140: {  	[sflag:s6] =	ssyncadd.s32 $0xFFFFE000  }
0x141: {  	_ =	swait.ge [sflag:s10], $0x2000  }
0x142: {  	[sflag:s10] =	ssyncset.done $0x0  }
0x143: {  	s13 =	rddreg [dreg:$0x11];
	[sflag:s10] =	ssyncadd.s32 $0xFFFFE000  }
0x144: {  	[spmem:s2] =	stream.indirect.scatter.add.f32 [tilespmem:s8], [sflag:$0x3], $0x10, s13, s7, $0xb8;
	[tilespmem:$0xB800] =	vst v63  }
0x145: {  	_ =	swait.ge [sflag:s6], $0x2000  }
0x146: {  	[sflag:s6] =	ssyncset.done $0x0  }
0x147: {  	s0 =	rddreg [dreg:$0x12];
	[sflag:s6] =	ssyncadd.s32 $0xFFFFE000  }
0x148: {  	[tilespmem:s9], [sflag:$0x1] =	stream.indirect.gather [hbm4b:s3+s7], $0x10, s0, s7, $0xb8;
	[tilespmem:$0xB800] =	vst v63  }
0x149: {  	s13 =	rddreg [dreg:$0x13]  }
0x14a: {  	[tilespmem:s8], [sflag:$0x2] =	stream.indirect.gather [hbm4b:s3+s7], $0x10, s13, s7, $0xb8;
	[tilespmem:$0xB800] =	vst v63  }
0x14b: {  	_ =	swait.ge [sflag:s12], $0x2000  }
0x14c: {  	[sflag:s12] =	ssyncset.done $0x0  }
0x14d: {  	s13 =	rddreg [dreg:$0x14];
	[sflag:s12] =	ssyncadd.s32 $0xFFFFE000  }
0x14e: {  	[spmem:s2] =	stream.indirect.scatter.add.f32 [tilespmem:s9], [sflag:$0x3], $0x10, s13, s7, $0xb8;
	[tilespmem:$0xB800] =	vst v63  }
0x14f: {  	_ =	swait.ge [sflag:s6], $0x2000  }
0x150: {  	[sflag:s6] =	ssyncset.done $0x0  }
0x151: {  	[sflag:s6] =	ssyncadd.s32 $0xFFFFE000  }
0x152: {  	_ =	swait.ge [sflag:s10], $0x2000  }
0x153: {  	[sflag:s10] =	ssyncset.done $0x0  }
0x154: {  	s13 =	rddreg [dreg:$0x15];
	[sflag:s10] =	ssyncadd.s32 $0xFFFFE000  }
0x155: {  	[spmem:s2] =	stream.indirect.scatter.add.f32 [tilespmem:s8], [sflag:$0x3], $0x10, s13, s7, $0xb8;
	[tilespmem:$0xB800] =	vst v63  }
0x156: {  	_ =	swait.ge [sflag:s6], $0x2000  }
0x157: {  	[sflag:s6] =	ssyncset.done $0x0  }
0x158: {  	s0 =	rddreg [dreg:$0x16];
	[sflag:s6] =	ssyncadd.s32 $0xFFFFE000  }
0x159: {  	[tilespmem:s9], [sflag:$0x1] =	stream.indirect.gather [hbm4b:s3+s7], $0x10, s0, s7, $0xb8;
	[tilespmem:$0xB800] =	vst v63  }
0x15a: {  	s13 =	rddreg [dreg:$0x17]  }
0x15b: {  	[tilespmem:s8], [sflag:$0x2] =	stream.indirect.gather [hbm4b:s3+s7], $0x10, s13, s7, $0xb8;
	[tilespmem:$0xB800] =	vst v63  }
0x15c: {  	_ =	swait.ge [sflag:s12], $0x2000  }
0x15d: {  	[sflag:s12] =	ssyncset.done $0x0  }
0x15e: {  	s13 =	rddreg [dreg:$0x18];
	[sflag:s12] =	ssyncadd.s32 $0xFFFFE000  }
0x15f: {  	[spmem:s2] =	stream.indirect.scatter.add.f32 [tilespmem:s9], [sflag:$0x3], $0x10, s13, s7, $0xb8;
	[tilespmem:$0xB800] =	vst v63  }
0x160: {  	_ =	swait.ge [sflag:s6], $0x2000  }
0x161: {  	[sflag:s6] =	ssyncset.done $0x0  }
0x162: {  	[sflag:s6] =	ssyncadd.s32 $0xFFFFE000  }
0x163: {  	_ =	swait.ge [sflag:s10], $0x2000  }
0x164: {  	[sflag:s10] =	ssyncset.done $0x0  }
0x165: {  	s13 =	rddreg [dreg:$0x19];
	[sflag:s10] =	ssyncadd.s32 $0xFFFFE000  }
0x166: {  	[spmem:s2] =	stream.indirect.scatter.add.f32 [tilespmem:s8], [sflag:$0x3], $0x10, s13, s7, $0xb8;
	[tilespmem:$0xB800] =	vst v63  }
0x167: {  	_ =	swait.ge [sflag:s6], $0x2000  }
0x168: {  	[sflag:s6] =	ssyncset.done $0x0  }
0x169: {  	s0 =	rddreg [dreg:$0x1a];
	[sflag:s6] =	ssyncadd.s32 $0xFFFFE000  }
0x16a: {  	[tilespmem:s9], [sflag:$0x1] =	stream.indirect.gather [hbm4b:s3+s7], $0x10, s0, s7, $0xb8;
	[tilespmem:$0xB800] =	vst v63  }
0x16b: {  	s13 =	rddreg [dreg:$0x1b]  }
0x16c: {  	[tilespmem:s8], [sflag:$0x2] =	stream.indirect.gather [hbm4b:s3+s7], $0x10, s13, s7, $0xb8;
	[tilespmem:$0xB800] =	vst v63  }
0x16d: {  	_ =	swait.ge [sflag:s12], $0x2000  }
0x16e: {  	[sflag:s12] =	ssyncset.done $0x0  }
0x16f: {  	s0 =	rddreg [dreg:$0x1c];
	[sflag:s12] =	ssyncadd.s32 $0xFFFFE000  }
0x170: {  	[spmem:s2] =	stream.indirect.scatter.add.f32 [tilespmem:s9], [sflag:$0x3], $0x10, s0, s7, $0xb8;
	[tilespmem:$0xB800] =	vst v63  }
0x171: {  	_ =	swait.ge [sflag:s6], $0x2000  }
0x172: {  	[sflag:s6] =	ssyncset.done $0x0  }
0x173: {  	[sflag:s6] =	ssyncadd.s32 $0xFFFFE000  }
0x174: {  	_ =	swait.ge [sflag:s10], $0x2000  }
0x175: {  	[sflag:s10] =	ssyncset.done $0x0  }
0x176: {  	s0 =	rddreg [dreg:$0x1d];
	[sflag:s10] =	ssyncadd.s32 $0xFFFFE000  }
0x177: {  	[spmem:s2] =	stream.indirect.scatter.add.f32 [tilespmem:s8], [sflag:$0x3], $0x10, s0, s7, $0xb8;
	[tilespmem:$0xB800] =	vst v63  }
0x178: {  	_ =	swait.ge [sflag:s6], $0x2000  }
0x179: {  	[sflag:s6] =	ssyncset.done $0x0  }
0x17a: {  	[sflag:s6] =	ssyncadd.s32 $0xFFFFE000  }
0x17b: {  	[tilespmem:s9], [sflag:$0x1] =	stream.indirect.gather [hbm4b:s3+s7], $0x10, s23, s7, $0xb8;
	[tilespmem:$0xB800] =	vst v63  }
0x17c: {  	_ = 	snop  }
0x17d: {  	[tilespmem:s8], [sflag:$0x2] =	stream.indirect.gather [hbm4b:s3+s7], $0x10, s24, s7, $0xb8;
	[tilespmem:$0xB800] =	vst v63  }
0x17e: {  	_ =	swait.ge [sflag:s12], $0x2000  }
0x17f: {  	[sflag:s12] =	ssyncset.done $0x0  }
0x180: {  	[sflag:s12] =	ssyncadd.s32 $0xFFFFE000  }
0x181: {  	[spmem:s2] =	stream.indirect.scatter.add.f32 [tilespmem:s9], [sflag:$0x3], $0x10, s22, s7, $0xb8;
	[tilespmem:$0xB800] =	vst v63  }
0x182: {  	_ =	swait.ge [sflag:s6], $0x2000  }
0x183: {  	[sflag:s6] =	ssyncset.done $0x0  }
0x184: {  	[sflag:s6] =	ssyncadd.s32 $0xFFFFE000  }
0x185: {  	_ =	swait.ge [sflag:s10], $0x2000  }
0x186: {  	[sflag:s10] =	ssyncset.done $0x0  }
0x187: {  	[sflag:s10] =	ssyncadd.s32 $0xFFFFE000  }
0x188: {  	[spmem:s2] =	stream.indirect.scatter.add.f32 [tilespmem:s8], [sflag:$0x3], $0x10, s21, s7, $0xb8;
	[tilespmem:$0xB800] =	vst v63  }
0x189: {  	_ =	swait.ge [sflag:s6], $0x2000  }
0x18a: {  	[sflag:s6] =	ssyncset.done $0x0  }
0x18b: {  	[sflag:s6] =	ssyncadd.s32 $0xFFFFE000  }
0x18c: {  	[tilespmem:s9], [sflag:$0x1] =	stream.indirect.gather [hbm4b:s3+s7], $0x10, s18, s7, $0xb8;
	[tilespmem:$0xB800] =	vst v63  }
0x18d: {  	_ = 	snop  }
0x18e: {  	[tilespmem:s8], [sflag:$0x2] =	stream.indirect.gather [hbm4b:s3+s7], $0x10, s19, s7, $0xb8;
	[tilespmem:$0xB800] =	vst v63  }
0x18f: {  	_ =	swait.ge [sflag:s12], $0x2000  }
0x190: {  	[sflag:s12] =	ssyncset.done $0x0  }
0x191: {  	[sflag:s12] =	ssyncadd.s32 $0xFFFFE000  }
0x192: {  	[spmem:s2] =	stream.indirect.scatter.add.f32 [tilespmem:s9], [sflag:$0x3], $0x10, s20, s7, $0xb8;
	[tilespmem:$0xB800] =	vst v63  }
0x193: {  	_ =	swait.ge [sflag:s6], $0x2000  }
0x194: {  	[sflag:s6] =	ssyncset.done $0x0  }
0x195: {  	[sflag:s6] =	ssyncadd.s32 $0xFFFFE000  }
0x196: {  	_ =	swait.ge [sflag:s10], $0x2000  }
0x197: {  	[sflag:s10] =	ssyncset.done $0x0  }
0x198: {  	[sflag:s10] =	ssyncadd.s32 $0xFFFFE000  }
0x199: {  	[spmem:s2] =	stream.indirect.scatter.add.f32 [tilespmem:s8], [sflag:$0x3], $0x10, s17, s7, $0xb8;
	[tilespmem:$0xB800] =	vst v63  }
0x19a: {  	_ =	swait.ge [sflag:s6], $0x2000  }
0x19b: {  	[sflag:s6] =	ssyncset.done $0x0  }
0x19c: {  	[sflag:s6] =	ssyncadd.s32 $0xFFFFE000  }
0x19d: {  	[tilespmem:s9], [sflag:$0x1] =	stream.indirect.gather [hbm4b:s3+s7], $0x10, s15, s7, $0xb8;
	[tilespmem:$0xB800] =	vst v63  }
0x19e: {  	_ = 	snop  }
0x19f: {  	[tilespmem:s8], [sflag:$0x2] =	stream.indirect.gather [hbm4b:s3+s7], $0x10, s16, s7, $0xb8;
	[tilespmem:$0xB800] =	vst v63  }
0x1a0: {  	_ =	swait.ge [sflag:s12], $0x2000  }
0x1a1: {  	[sflag:s12] =	ssyncset.done $0x0  }
0x1a2: {  	[sflag:s12] =	ssyncadd.s32 $0xFFFFE000  }
0x1a3: {  	[spmem:s2] =	stream.indirect.scatter.add.f32 [tilespmem:s9], [sflag:$0x3], $0x10, s14, s7, $0xb8;
	[tilespmem:$0xB800] =	vst v63  }
0x1a4: {  	_ =	swait.ge [sflag:s6], $0x2000  }
0x1a5: {  	[sflag:s6] =	ssyncset.done $0x0  }
0x1a6: {  	[sflag:s6] =	ssyncadd.s32 $0xFFFFE000  }
0x1a7: {  	_ =	swait.ge [sflag:s10], $0x2000  }
0x1a8: {  	[sflag:s10] =	ssyncset.done $0x0  }
0x1a9: {  	s13 =	simm.s32 $0x4E00;
	[sflag:s10] =	ssyncadd.s32 $0xFFFFE000  }
0x1aa: {  	[spmem:s2] =	stream.indirect.scatter.add.f32 [tilespmem:s8], [sflag:$0x3], $0x10, s13, s7, $0xb8;
	[tilespmem:$0xB800] =	vst v63  }
0x1ab: {  	_ =	swait.ge [sflag:s6], $0x2000  }
0x1ac: {  	p1 =	sne.s32 s1, $0x1;
	[sflag:s6] =	ssyncset.done $0x0  }
.Ltmp2:
0x1ad: {  	[sflag:s6] =	ssyncadd.s32 $0xFFFFE000;
	(pc) =	sbr.rel @p1 .LBB2_2-.Ltmp2, $4  }
0x1ae: {  	[bflag:$0x0] =	sbarrier.arrive $0xFFFF  }
0x1af: {  	[hbm:s11], [sflag:s4] =	dma.local [spmem:s5], $0x500  }
0x1b0: {  	_ =	swait.ge [sflag:s6], $0x500  }
0x1b1: {  	s1 =	sadd.s32 $0xFFFFFFFF, s1;
	s0 =	rddreg [dreg:$0x4];
	[sflag:s6] =	ssyncset.done $0x0  }
.LBB2_3:
0x1b2: {  	[sflag:s6] =	ssyncadd.s32 @p0 $0xFFFFFB00  }
0x1b3: {  	[spmem:s5], [sflag:s4] =	dma.local [hbm:s0], $0x500  }
0x1b4: {  	_ =	swait.ge [sflag:s6], $0x500  }
0x1b5: {  	[sflag:s6] =	ssyncset.done $0x0  }
0x1b6: {  	[sflag:s6] =	ssyncadd.s32 $0xFFFFFB00  }
0x1b7: {  	[tilespmem:s30], [sflag:$0x3] =	stream.linear.gather [hbm4b:s28+s25], $0x1400, $0x38;
	[tilespmem:$0xB800] =	vst v63  }
0x1b8: {  	_ =	swait.ge [sflag:s6], $0x1400  }
0x1b9: {  	[sflag:s6] =	ssyncset.done $0x0  }
0x1ba: {  	s1 =	rddreg [dreg:$0x5];
	[sflag:s6] =	ssyncadd.s32 $0xFFFFEC00  }
0x1bb: {  	[tilespmem:s29], [sflag:$0x3] =	stream.linear.gather [hbm4b:s1+s25], $0x1400, $0x38;
	[tilespmem:$0xB800] =	vst v63  }
0x1bc: {  	_ =	swait.ge [sflag:s6], $0x1400  }
0x1bd: {  	[sflag:s6] =	ssyncset.done $0x0  }
0x1be: {  	[sflag:s6] =	ssyncadd.s32 $0xFFFFEC00  }
0x1bf: {  	[tilespmem:s25], [sflag:$0x3] =	stream.linear.gather [hbm4b:s26+s25], $0x1400, $0x38;
	[tilespmem:$0xB800] =	vst v63  }
0x1c0: {  	_ =	swait.ge [sflag:s6], $0x1400  }
0x1c1: {  	[sflag:s6] =	ssyncset.done $0x0  }
0x1c2: {  	s28 =	rddreg [dreg:$0x6];
	[sflag:s6] =	ssyncadd.s32 $0xFFFFEC00  }
0x1c3: {  	[tilespmem:s31], [sflag:$0x3] =	stream.linear.gather [hbm4b:s28+s25], $0x1400, $0x38;
	[tilespmem:$0xB800] =	vst v63  }
0x1c4: {  	_ =	swait.ge [sflag:s6], $0x1400  }
0x1c5: {  	[sflag:s6] =	ssyncset.done $0x0  }
0x1c6: {  	[sflag:s6] =	ssyncadd.s32 $0xFFFFEC00  }
0x1c7: {  	[bflag:$0x0] =	sbarrier.arrive $0xFFFF  }
0x1c8: {  	[tilespmem:s9], [sflag:$0x1] =	stream.indirect.gather [hbm4b:s3+s7], $0x10, s25, s7, $0xb8;
	[tilespmem:$0xB800] =	vst v63  }
0x1c9: {  	_ = 	snop  }
0x1ca: {  	[tilespmem:s8], [sflag:$0x2] =	stream.indirect.gather [hbm4b:s3+s7], $0x10, s31, s7, $0xb8;
	[tilespmem:$0xB800] =	vst v63  }
0x1cb: {  	_ =	swait.ge [sflag:s12], $0x2000  }
0x1cc: {  	[sflag:s12] =	ssyncset.done $0x0  }
0x1cd: {  	[sflag:s12] =	ssyncadd.s32 $0xFFFFE000  }
0x1ce: {  	[spmem:s2] =	stream.indirect.scatter.add.f32 [tilespmem:s9], [sflag:$0x3], $0x10, s30, s7, $0xb8;
	[tilespmem:$0xB800] =	vst v63  }
0x1cf: {  	_ =	swait.ge [sflag:s6], $0x2000  }
0x1d0: {  	[sflag:s6] =	ssyncset.done $0x0  }
0x1d1: {  	[sflag:s6] =	ssyncadd.s32 $0xFFFFE000  }
0x1d2: {  	_ =	swait.ge [sflag:s10], $0x2000  }
0x1d3: {  	[sflag:s10] =	ssyncset.done $0x0  }
0x1d4: {  	[sflag:s10] =	ssyncadd.s32 $0xFFFFE000  }
0x1d5: {  	[spmem:s2] =	stream.indirect.scatter.add.f32 [tilespmem:s8], [sflag:$0x3], $0x10, s29, s7, $0xb8;
	[tilespmem:$0xB800] =	vst v63  }
0x1d6: {  	_ =	swait.ge [sflag:s6], $0x2000  }
0x1d7: {  	[sflag:s6] =	ssyncset.done $0x0  }
0x1d8: {  	[sflag:s6] =	ssyncadd.s32 $0xFFFFE000  }
0x1d9: {  	[tilespmem:s9], [sflag:$0x1] =	stream.indirect.gather [hbm4b:s3+s7], $0x10, s7, s7, $0xb8;
	[tilespmem:$0xB800] =	vst v63  }
0x1da: {  	s30 =	rddreg [dreg:$0x7]  }
0x1db: {  	[tilespmem:s8], [sflag:$0x2] =	stream.indirect.gather [hbm4b:s3+s7], $0x10, s30, s7, $0xb8;
	[tilespmem:$0xB800] =	vst v63  }
0x1dc: {  	_ =	swait.ge [sflag:s12], $0x2000  }
0x1dd: {  	[sflag:s12] =	ssyncset.done $0x0  }
0x1de: {  	s31 =	rddreg [dreg:$0x8];
	[sflag:s12] =	ssyncadd.s32 $0xFFFFE000  }
0x1df: {  	[spmem:s2] =	stream.indirect.scatter.add.f32 [tilespmem:s9], [sflag:$0x3], $0x10, s31, s7, $0xb8;
	[tilespmem:$0xB800] =	vst v63  }
0x1e0: {  	_ =	swait.ge [sflag:s6], $0x2000  }
0x1e1: {  	[sflag:s6] =	ssyncset.done $0x0  }
0x1e2: {  	[sflag:s6] =	ssyncadd.s32 $0xFFFFE000  }
0x1e3: {  	_ =	swait.ge [sflag:s10], $0x2000  }
0x1e4: {  	[sflag:s10] =	ssyncset.done $0x0  }
0x1e5: {  	s1 =	rddreg [dreg:$0x9];
	[sflag:s10] =	ssyncadd.s32 $0xFFFFE000  }
0x1e6: {  	[spmem:s2] =	stream.indirect.scatter.add.f32 [tilespmem:s8], [sflag:$0x3], $0x10, s1, s7, $0xb8;
	[tilespmem:$0xB800] =	vst v63  }
0x1e7: {  	_ =	swait.ge [sflag:s6], $0x2000  }
0x1e8: {  	[sflag:s6] =	ssyncset.done $0x0  }
0x1e9: {  	s25 =	rddreg [dreg:$0xa];
	[sflag:s6] =	ssyncadd.s32 $0xFFFFE000  }
0x1ea: {  	[tilespmem:s9], [sflag:$0x1] =	stream.indirect.gather [hbm4b:s3+s7], $0x10, s25, s7, $0xb8;
	[tilespmem:$0xB800] =	vst v63  }
0x1eb: {  	s1 =	rddreg [dreg:$0xb]  }
0x1ec: {  	[tilespmem:s8], [sflag:$0x2] =	stream.indirect.gather [hbm4b:s3+s7], $0x10, s1, s7, $0xb8;
	[tilespmem:$0xB800] =	vst v63  }
0x1ed: {  	_ =	swait.ge [sflag:s12], $0x2000  }
0x1ee: {  	[sflag:s12] =	ssyncset.done $0x0  }
0x1ef: {  	s26 =	rddreg [dreg:$0xc];
	[sflag:s12] =	ssyncadd.s32 $0xFFFFE000  }
0x1f0: {  	[spmem:s2] =	stream.indirect.scatter.add.f32 [tilespmem:s9], [sflag:$0x3], $0x10, s26, s7, $0xb8;
	[tilespmem:$0xB800] =	vst v63  }
0x1f1: {  	_ =	swait.ge [sflag:s6], $0x2000  }
0x1f2: {  	[sflag:s6] =	ssyncset.done $0x0  }
0x1f3: {  	[sflag:s6] =	ssyncadd.s32 $0xFFFFE000  }
0x1f4: {  	_ =	swait.ge [sflag:s10], $0x2000  }
0x1f5: {  	[sflag:s10] =	ssyncset.done $0x0  }
0x1f6: {  	s28 =	rddreg [dreg:$0xd];
	[sflag:s10] =	ssyncadd.s32 $0xFFFFE000  }
0x1f7: {  	[spmem:s2] =	stream.indirect.scatter.add.f32 [tilespmem:s8], [sflag:$0x3], $0x10, s28, s7, $0xb8;
	[tilespmem:$0xB800] =	vst v63  }
0x1f8: {  	_ =	swait.ge [sflag:s6], $0x2000  }
0x1f9: {  	[sflag:s6] =	ssyncset.done $0x0  }
0x1fa: {  	s29 =	rddreg [dreg:$0xe];
	[sflag:s6] =	ssyncadd.s32 $0xFFFFE000  }
0x1fb: {  	[tilespmem:s9], [sflag:$0x1] =	stream.indirect.gather [hbm4b:s3+s7], $0x10, s29, s7, $0xb8;
	[tilespmem:$0xB800] =	vst v63  }
0x1fc: {  	s30 =	rddreg [dreg:$0xf]  }
0x1fd: {  	[tilespmem:s8], [sflag:$0x2] =	stream.indirect.gather [hbm4b:s3+s7], $0x10, s30, s7, $0xb8;
	[tilespmem:$0xB800] =	vst v63  }
0x1fe: {  	_ =	swait.ge [sflag:s12], $0x2000  }
0x1ff: {  	[sflag:s12] =	ssyncset.done $0x0  }
0x200: {  	s31 =	rddreg [dreg:$0x10];
	[sflag:s12] =	ssyncadd.s32 $0xFFFFE000  }
0x201: {  	[spmem:s2] =	stream.indirect.scatter.add.f32 [tilespmem:s9], [sflag:$0x3], $0x10, s31, s7, $0xb8;
	[tilespmem:$0xB800] =	vst v63  }
0x202: {  	_ =	swait.ge [sflag:s6], $0x2000  }
0x203: {  	[sflag:s6] =	ssyncset.done $0x0  }
0x204: {  	[sflag:s6] =	ssyncadd.s32 $0xFFFFE000  }
0x205: {  	_ =	swait.ge [sflag:s10], $0x2000  }
0x206: {  	[sflag:s10] =	ssyncset.done $0x0  }
0x207: {  	s1 =	rddreg [dreg:$0x11];
	[sflag:s10] =	ssyncadd.s32 $0xFFFFE000  }
0x208: {  	[spmem:s2] =	stream.indirect.scatter.add.f32 [tilespmem:s8], [sflag:$0x3], $0x10, s1, s7, $0xb8;
	[tilespmem:$0xB800] =	vst v63  }
0x209: {  	_ =	swait.ge [sflag:s6], $0x2000  }
0x20a: {  	[sflag:s6] =	ssyncset.done $0x0  }
0x20b: {  	s25 =	rddreg [dreg:$0x12];
	[sflag:s6] =	ssyncadd.s32 $0xFFFFE000  }
0x20c: {  	[tilespmem:s9], [sflag:$0x1] =	stream.indirect.gather [hbm4b:s3+s7], $0x10, s25, s7, $0xb8;
	[tilespmem:$0xB800] =	vst v63  }
0x20d: {  	s26 =	rddreg [dreg:$0x13]  }
0x20e: {  	[tilespmem:s8], [sflag:$0x2] =	stream.indirect.gather [hbm4b:s3+s7], $0x10, s26, s7, $0xb8;
	[tilespmem:$0xB800] =	vst v63  }
0x20f: {  	_ =	swait.ge [sflag:s12], $0x2000  }
0x210: {  	[sflag:s12] =	ssyncset.done $0x0  }
0x211: {  	s28 =	rddreg [dreg:$0x14];
	[sflag:s12] =	ssyncadd.s32 $0xFFFFE000  }
0x212: {  	[spmem:s2] =	stream.indirect.scatter.add.f32 [tilespmem:s9], [sflag:$0x3], $0x10, s28, s7, $0xb8;
	[tilespmem:$0xB800] =	vst v63  }
0x213: {  	_ =	swait.ge [sflag:s6], $0x2000  }
0x214: {  	[sflag:s6] =	ssyncset.done $0x0  }
0x215: {  	[sflag:s6] =	ssyncadd.s32 $0xFFFFE000  }
0x216: {  	_ =	swait.ge [sflag:s10], $0x2000  }
0x217: {  	[sflag:s10] =	ssyncset.done $0x0  }
0x218: {  	s29 =	rddreg [dreg:$0x15];
	[sflag:s10] =	ssyncadd.s32 $0xFFFFE000  }
0x219: {  	[spmem:s2] =	stream.indirect.scatter.add.f32 [tilespmem:s8], [sflag:$0x3], $0x10, s29, s7, $0xb8;
	[tilespmem:$0xB800] =	vst v63  }
0x21a: {  	_ =	swait.ge [sflag:s6], $0x2000  }
0x21b: {  	[sflag:s6] =	ssyncset.done $0x0  }
0x21c: {  	s30 =	rddreg [dreg:$0x16];
	[sflag:s6] =	ssyncadd.s32 $0xFFFFE000  }
0x21d: {  	[tilespmem:s9], [sflag:$0x1] =	stream.indirect.gather [hbm4b:s3+s7], $0x10, s30, s7, $0xb8;
	[tilespmem:$0xB800] =	vst v63  }
0x21e: {  	s31 =	rddreg [dreg:$0x17]  }
0x21f: {  	[tilespmem:s8], [sflag:$0x2] =	stream.indirect.gather [hbm4b:s3+s7], $0x10, s31, s7, $0xb8;
	[tilespmem:$0xB800] =	vst v63  }
0x220: {  	_ =	swait.ge [sflag:s12], $0x2000  }
0x221: {  	[sflag:s12] =	ssyncset.done $0x0  }
0x222: {  	s1 =	rddreg [dreg:$0x18];
	[sflag:s12] =	ssyncadd.s32 $0xFFFFE000  }
0x223: {  	[spmem:s2] =	stream.indirect.scatter.add.f32 [tilespmem:s9], [sflag:$0x3], $0x10, s1, s7, $0xb8;
	[tilespmem:$0xB800] =	vst v63  }
0x224: {  	_ =	swait.ge [sflag:s6], $0x2000  }
0x225: {  	[sflag:s6] =	ssyncset.done $0x0  }
0x226: {  	[sflag:s6] =	ssyncadd.s32 $0xFFFFE000  }
0x227: {  	_ =	swait.ge [sflag:s10], $0x2000  }
0x228: {  	[sflag:s10] =	ssyncset.done $0x0  }
0x229: {  	s25 =	rddreg [dreg:$0x19];
	[sflag:s10] =	ssyncadd.s32 $0xFFFFE000  }
0x22a: {  	[spmem:s2] =	stream.indirect.scatter.add.f32 [tilespmem:s8], [sflag:$0x3], $0x10, s25, s7, $0xb8;
	[tilespmem:$0xB800] =	vst v63  }
0x22b: {  	_ =	swait.ge [sflag:s6], $0x2000  }
0x22c: {  	[sflag:s6] =	ssyncset.done $0x0  }
0x22d: {  	s26 =	rddreg [dreg:$0x1a];
	[sflag:s6] =	ssyncadd.s32 $0xFFFFE000  }
0x22e: {  	[tilespmem:s9], [sflag:$0x1] =	stream.indirect.gather [hbm4b:s3+s7], $0x10, s26, s7, $0xb8;
	[tilespmem:$0xB800] =	vst v63  }
0x22f: {  	s28 =	rddreg [dreg:$0x1b]  }
0x230: {  	[tilespmem:s8], [sflag:$0x2] =	stream.indirect.gather [hbm4b:s3+s7], $0x10, s28, s7, $0xb8;
	[tilespmem:$0xB800] =	vst v63  }
0x231: {  	_ =	swait.ge [sflag:s12], $0x2000  }
0x232: {  	[sflag:s12] =	ssyncset.done $0x0  }
0x233: {  	s29 =	rddreg [dreg:$0x1c];
	[sflag:s12] =	ssyncadd.s32 $0xFFFFE000  }
0x234: {  	[spmem:s2] =	stream.indirect.scatter.add.f32 [tilespmem:s9], [sflag:$0x3], $0x10, s29, s7, $0xb8;
	[tilespmem:$0xB800] =	vst v63  }
0x235: {  	_ =	swait.ge [sflag:s6], $0x2000  }
0x236: {  	[sflag:s6] =	ssyncset.done $0x0  }
0x237: {  	[sflag:s6] =	ssyncadd.s32 $0xFFFFE000  }
0x238: {  	_ =	swait.ge [sflag:s10], $0x2000  }
0x239: {  	[sflag:s10] =	ssyncset.done $0x0  }
0x23a: {  	s30 =	rddreg [dreg:$0x1d];
	[sflag:s10] =	ssyncadd.s32 $0xFFFFE000  }
0x23b: {  	[spmem:s2] =	stream.indirect.scatter.add.f32 [tilespmem:s8], [sflag:$0x3], $0x10, s30, s7, $0xb8;
	[tilespmem:$0xB800] =	vst v63  }
0x23c: {  	_ =	swait.ge [sflag:s6], $0x2000  }
0x23d: {  	[sflag:s6] =	ssyncset.done $0x0  }
0x23e: {  	[sflag:s6] =	ssyncadd.s32 $0xFFFFE000  }
0x23f: {  	[tilespmem:s9], [sflag:$0x1] =	stream.indirect.gather [hbm4b:s3+s7], $0x10, s23, s7, $0xb8;
	[tilespmem:$0xB800] =	vst v63  }
0x240: {  	_ = 	snop  }
0x241: {  	[tilespmem:s8], [sflag:$0x2] =	stream.indirect.gather [hbm4b:s3+s7], $0x10, s24, s7, $0xb8;
	[tilespmem:$0xB800] =	vst v63  }
0x242: {  	_ =	swait.ge [sflag:s12], $0x2000  }
0x243: {  	[sflag:s12] =	ssyncset.done $0x0  }
0x244: {  	[sflag:s12] =	ssyncadd.s32 $0xFFFFE000  }
0x245: {  	[spmem:s2] =	stream.indirect.scatter.add.f32 [tilespmem:s9], [sflag:$0x3], $0x10, s22, s7, $0xb8;
	[tilespmem:$0xB800] =	vst v63  }
0x246: {  	_ =	swait.ge [sflag:s6], $0x2000  }
0x247: {  	[sflag:s6] =	ssyncset.done $0x0  }
0x248: {  	[sflag:s6] =	ssyncadd.s32 $0xFFFFE000  }
0x249: {  	_ =	swait.ge [sflag:s10], $0x2000  }
0x24a: {  	[sflag:s10] =	ssyncset.done $0x0  }
0x24b: {  	[sflag:s10] =	ssyncadd.s32 $0xFFFFE000  }
0x24c: {  	[spmem:s2] =	stream.indirect.scatter.add.f32 [tilespmem:s8], [sflag:$0x3], $0x10, s21, s7, $0xb8;
	[tilespmem:$0xB800] =	vst v63  }
0x24d: {  	_ =	swait.ge [sflag:s6], $0x2000  }
0x24e: {  	[sflag:s6] =	ssyncset.done $0x0  }
0x24f: {  	[sflag:s6] =	ssyncadd.s32 $0xFFFFE000  }
0x250: {  	[tilespmem:s9], [sflag:$0x1] =	stream.indirect.gather [hbm4b:s3+s7], $0x10, s18, s7, $0xb8;
	[tilespmem:$0xB800] =	vst v63  }
0x251: {  	_ = 	snop  }
0x252: {  	[tilespmem:s8], [sflag:$0x2] =	stream.indirect.gather [hbm4b:s3+s7], $0x10, s19, s7, $0xb8;
	[tilespmem:$0xB800] =	vst v63  }
0x253: {  	_ =	swait.ge [sflag:s12], $0x2000  }
0x254: {  	[sflag:s12] =	ssyncset.done $0x0  }
0x255: {  	[sflag:s12] =	ssyncadd.s32 $0xFFFFE000  }
0x256: {  	[spmem:s2] =	stream.indirect.scatter.add.f32 [tilespmem:s9], [sflag:$0x3], $0x10, s20, s7, $0xb8;
	[tilespmem:$0xB800] =	vst v63  }
0x257: {  	_ =	swait.ge [sflag:s6], $0x2000  }
0x258: {  	[sflag:s6] =	ssyncset.done $0x0  }
0x259: {  	[sflag:s6] =	ssyncadd.s32 $0xFFFFE000  }
0x25a: {  	_ =	swait.ge [sflag:s10], $0x2000  }
0x25b: {  	[sflag:s10] =	ssyncset.done $0x0  }
0x25c: {  	[sflag:s10] =	ssyncadd.s32 $0xFFFFE000  }
0x25d: {  	[spmem:s2] =	stream.indirect.scatter.add.f32 [tilespmem:s8], [sflag:$0x3], $0x10, s17, s7, $0xb8;
	[tilespmem:$0xB800] =	vst v63  }
0x25e: {  	_ =	swait.ge [sflag:s6], $0x2000  }
0x25f: {  	[sflag:s6] =	ssyncset.done $0x0  }
0x260: {  	[sflag:s6] =	ssyncadd.s32 $0xFFFFE000  }
0x261: {  	[tilespmem:s9], [sflag:$0x1] =	stream.indirect.gather [hbm4b:s3+s7], $0x10, s15, s7, $0xb8;
	[tilespmem:$0xB800] =	vst v63  }
0x262: {  	_ = 	snop  }
0x263: {  	[tilespmem:s8], [sflag:$0x2] =	stream.indirect.gather [hbm4b:s3+s7], $0x10, s16, s7, $0xb8;
	[tilespmem:$0xB800] =	vst v63  }
0x264: {  	_ =	swait.ge [sflag:s12], $0x2000  }
0x265: {  	[sflag:s12] =	ssyncset.done $0x0  }
0x266: {  	[sflag:s12] =	ssyncadd.s32 $0xFFFFE000  }
0x267: {  	[spmem:s2] =	stream.indirect.scatter.add.f32 [tilespmem:s9], [sflag:$0x3], $0x10, s14, s7, $0xb8;
	[tilespmem:$0xB800] =	vst v63  }
0x268: {  	_ =	swait.ge [sflag:s6], $0x2000  }
0x269: {  	[sflag:s6] =	ssyncset.done $0x0  }
0x26a: {  	[sflag:s6] =	ssyncadd.s32 $0xFFFFE000  }
0x26b: {  	_ =	swait.ge [sflag:s10], $0x2000  }
0x26c: {  	[sflag:s10] =	ssyncset.done $0x0  }
0x26d: {  	[sflag:s10] =	ssyncadd.s32 $0xFFFFE000  }
0x26e: {  	[spmem:s2] =	stream.indirect.scatter.add.f32 [tilespmem:s8], [sflag:$0x3], $0x10, s13, s7, $0xb8;
	[tilespmem:$0xB800] =	vst v63  }
0x26f: {  	_ =	swait.ge [sflag:s6], $0x2000  }
0x270: {  	[sflag:s6] =	ssyncset.done $0x0  }
0x271: {  	[sflag:s6] =	ssyncadd.s32 $0xFFFFE000  }
0x272: {  	[bflag:$0x0] =	sbarrier.arrive $0xFFFF  }
0x273: {  	[hbm:s11], [sflag:s4] =	dma.local [spmem:s5], $0x500  }
0x274: {  	_ =	swait.ge [sflag:s6], $0x500  }
0x275: {  	[sflag:s6] =	ssyncset.done $0x0  }
0x276: {  	[sflag:s6] =	ssyncadd.s32 $0xFFFFFB00  }
0x277: {  	_ =	sfence.sel $0x180000  }
0x278: {  	[bflag:$0x0] =	sbarrier.arrive $0xFFFF  }
0x279: {  	_ =	strace $0x9000004A  }
0x27a: {  	s31 =	stileid.u32;
	[bflag:$0x2] =	sbarrier.arrive $0xFFFF  }
0x27b: {  	p0 =	sne.s32 s31, $0x0;
	s0 =	rddreg [dreg:$0x3]  }
0x27c: {  	s0 =	sadd.s32 @!p0 $0x100000, s0  }
0x27d: {  	[sflag:s0] =	ssyncadd.tile.s32 @!p0 $0x1;
	_ =	shalt  }
.Lfunc_end2:
_tile_overlayer_lowered:
.L_overlay_start_2:
0x27e: {  	(tag) =	ssettag $0x2  }
0x27f: {  	s0 =	rddreg [dreg:$0x0];
	s2 =	stileid.u32  }
0x280: {  	s1 =	rddreg [dreg:$0x1];
	p0 =	sne.s32 s2, $0x0  }
0x281: {  	s3 =	rddreg [dreg:$0x2];
	[bflag:$0x3] =	sbarrier.arrive $0xFFFF;
	s2 =	simm.s32 @!p0 $0x1C03  }
0x282: {  	[timem:s3], [sflag:s2] =	dma.local @!p0 [hbm:s0], s1  }
0x283: {  	s0 =	simm.s32 @!p0 $0x3  }
0x284: {  	_ =	swait.ge @!p0 [sflag:s0], s1  }
0x285: {  	s1 =	ssub.s32 @!p0 $0x0, s1;
	[sflag:s0] =	ssyncset.done @!p0 $0x0  }
0x286: {  	[sflag:s0] =	ssyncadd.s32 @!p0 s1  }
0x287: {  	[bflag:$0x3] =	sbarrier.arrive $0xFFFF  }
0x288: {  	_ =	shalt  }

// kernel: _run.14.cloned.1.call-start
scs
__scs_entry_jumppad:
0x0: {  	(pc) =	sbr.rel $0x88, $3  }
0x1: {  	(tag) =	ssettag $0x0;
	lr =	simm.s32 $0x1  }
0x2: {  	[smem:$0x3F99] =	sst lr;
	_ =	strace $0xD0000000  }
0x3: {  	_ = 	snop  }
0x4: {  	_ = 	snop  }
0x5: {  	_ = 	snop  }
0x6: {  	_ = 	snop  }
0x7: {  	_ = 	snop  }
__scs_overlays_trampoline_lowered:
0x8: {  	[smem:$0x3FA8] =	sst s0  }
0x9: {  	[smem:$0x3FA9] =	sst s1  }
0xa: {  	[smem:$0x3FAA] =	sst s2  }
0xb: {  	[smem:$0x3FAB] =	sst s3  }
0xc: {  	[smem:$0x3FAC] =	sst s4  }
0xd: {  	[smem:$0x3FAD] =	sst s5  }
0xe: {  	[smem:$0x3FAE] =	sst s6  }
0xf: {  	[smem:$0x3FAF] =	sst s7  }
0x10: {  	[smem:$0x3FB0] =	sst s8  }
0x11: {  	[smem:$0x3FB1] =	sst s9;
	s0 =	simm.s32 @!p0 $0x0  }
0x12: {  	s1 =	sld [smem:$0x3F97];
	s0 =	simm.s32 @p0 $0x1  }
0x13: {  	[smem:$0x3FB2] =	sst s0;
	s0 =	simm.s32 @!p1 $0x0  }
0x14: {  	s2 =	sld [smem:$0x3F96];
	s0 =	simm.s32 @p1 $0x1  }
0x15: {  	[smem:$0x3FB3] =	sst s0;
	s0 =	simm.s32 @!p2 $0x0  }
0x16: {  	s3 =	sld [smem:$0x3FDB];
	s0 =	simm.s32 @p2 $0x1  }
0x17: {  	s4 =	simm.s32 $0x1BF5;
	[smem:$0x3FB5] =	sst s0  }
0x18: {  	s0 =	sld [smem:$0x3F98];
	_ =	swait.ge [sflag:s4], $0x0  }
0x19: {  	s7 =	sld [smem:$0x3F99]  }
0x1a: {  	s8 =	sadd.s32 $0xFFFFE003, lr  }
0x1b: {  	s9 =	sadd.s32 $0xFFFFFEF7, lr;
	s5 =	simm.s32 $0xFFFFFFFF;
	p2 =	slt.u32 s8, $0xFFFFF086  }
0x1c: {  	p1 =	slt.u32 s9, $0xF7A;
	s5 =	simm.s32 @!p2 $0x0  }
0x1d: {  	s5 =	simm.s32 @p1 $0x1;
	p0 =	seq.s32 s7, s2  }
0x1e: {  	s7 =	smul.u32 @!p0 $0xF7A, s2;
	p2 =	seq.s32 @!p0 s5, $0x0  }
0x1f: {  	s9 =	smul.u32 $0xF7A, s1;
	s8 =	simm.s32 @!p0 $0x1BF5;
	p2 =	por !p2, p0  }
0x20: {  	[sflag:s8] =	ssyncset.s32 @!p0 $0xFFFFF086;
	s6 =	sadd.s32 @!p0 s3, s7;
	s7 =	simm.s32 @!p0 $0x108  }
0x21: {  	s3 =	sadd.s32 s3, s9;
	s6 =	sadd.s32 @!p0 $0x88, s6;
	s7 =	simm.s32 @p2 $0x1082  }
0x22: {  	[simem:s7], [sflag:s8] =	dma.local @!p0 [hbm:s6], $0xF7A  }
0x23: {  	s9 =	sor.u32 $0xD0000000, s2;
	s6 =	simm.s32 $0x108;
	_ =	swait.ge @!p0 [sflag:s8], $0x0  }
0x24: {  	s3 =	sadd.s32 $0x88, s3;
	s6 =	simm.s32 @!p1 $0x1082;
	[sflag:s4] =	ssyncset.s32 $0xFFFFF086  }
0x25: {  	[simem:s6], [sflag:s4] =	dma.local [hbm:s3], $0xF7A  }
0x26: {  	[smem:$0x3F99] =	sst s1;
	(tag) =	ssettag s2;
	_ =	strace s9  }
0x27: {  	s1 =	sld [smem:$0x3FA9]  }
0x28: {  	s2 =	sld [smem:$0x3FAA]  }
0x29: {  	s4 =	sld [smem:$0x3FAC]  }
0x2a: {  	p0 =	seq.s32 s5, $0x0;
	s5 =	sld [smem:$0x3FAD]  }
0x2b: {  	s6 =	sld [smem:$0x3FAE]  }
0x2c: {  	s7 =	sld [smem:$0x3FAF]  }
0x2d: {  	s3 =	simm.s32 $0x108;
	s8 =	sld [smem:$0x3FB0]  }
0x2e: {  	s3 =	simm.s32 @!p0 $0x1082;
	s9 =	sld [smem:$0x3FB1]  }
0x2f: {  	lr =	sadd.s32 s0, s3;
	s0 =	sld [smem:$0x3FA8]  }
0x30: {  	s3 =	sld [smem:$0x3FAB]  }
0x31: {  	[smem:$0x3FB4] =	sst s10  }
0x32: {  	s10 =	sld [smem:$0x3FB2];
	_ =	sdelay $0x3  }
0x33: {  	p0 =	seq.s32 s10, $0x1;
	s10 =	sld [smem:$0x3FB4];
	_ =	sdelay $0x3  }
0x34: {  	[smem:$0x3FB4] =	sst s10  }
0x35: {  	s10 =	sld [smem:$0x3FB3];
	_ =	sdelay $0x3  }
0x36: {  	p1 =	seq.s32 s10, $0x1;
	s10 =	sld [smem:$0x3FB4];
	_ =	sdelay $0x3  }
0x37: {  	[smem:$0x3FB4] =	sst s10  }
0x38: {  	s10 =	sld [smem:$0x3FB5]  }
0x39: {  	_ = 	snop;
	(pc) =	sbr.ind lr, $3  }
0x3a: {  	_ = 	snop  }
0x3b: {  	_ = 	snop  }
0x3c: {  	p2 =	seq.s32 s10, $0x1;
	s10 =	sld [smem:$0x3FB4]  }
0x3d: {  	_ =	shalt  }
0x3e: {  	_ =	shalt  }
0x3f: {  	_ =	shalt  }
0x40: {  	_ =	shalt  }
0x41: {  	_ =	shalt  }
0x42: {  	_ =	shalt  }
0x43: {  	_ =	shalt  }
0x44: {  	_ =	shalt  }
0x45: {  	_ =	shalt  }
0x46: {  	_ =	shalt  }
0x47: {  	_ =	shalt  }
0x48: {  	_ =	shalt  }
0x49: {  	_ =	shalt  }
0x4a: {  	_ =	shalt  }
0x4b: {  	_ =	shalt  }
0x4c: {  	_ =	shalt  }
0x4d: {  	_ =	shalt  }
0x4e: {  	_ =	shalt  }
0x4f: {  	_ =	shalt  }
0x50: {  	_ =	shalt  }
0x51: {  	_ =	shalt  }
0x52: {  	_ =	shalt  }
0x53: {  	_ =	shalt  }
0x54: {  	_ =	shalt  }
0x55: {  	_ =	shalt  }
0x56: {  	_ =	shalt  }
0x57: {  	_ =	shalt  }
0x58: {  	_ =	shalt  }
0x59: {  	_ =	shalt  }
0x5a: {  	_ =	shalt  }
0x5b: {  	_ =	shalt  }
0x5c: {  	_ =	shalt  }
0x5d: {  	_ =	shalt  }
0x5e: {  	_ =	shalt  }
0x5f: {  	_ =	shalt  }
0x60: {  	_ =	shalt  }
0x61: {  	_ =	shalt  }
0x62: {  	_ =	shalt  }
0x63: {  	_ =	shalt  }
0x64: {  	_ =	shalt  }
0x65: {  	_ =	shalt  }
0x66: {  	_ =	shalt  }
0x67: {  	_ =	shalt  }
0x68: {  	_ =	shalt  }
0x69: {  	_ =	shalt  }
0x6a: {  	_ =	shalt  }
0x6b: {  	_ =	shalt  }
0x6c: {  	_ =	shalt  }
0x6d: {  	_ =	shalt  }
0x6e: {  	_ =	shalt  }
0x6f: {  	_ =	shalt  }
0x70: {  	_ =	shalt  }
0x71: {  	_ =	shalt  }
0x72: {  	_ =	shalt  }
0x73: {  	_ =	shalt  }
0x74: {  	_ =	shalt  }
0x75: {  	_ =	shalt  }
0x76: {  	_ =	shalt  }
0x77: {  	_ =	shalt  }
0x78: {  	_ =	shalt  }
0x79: {  	_ =	shalt  }
0x7a: {  	_ =	shalt  }
0x7b: {  	_ =	shalt  }
0x7c: {  	_ =	shalt  }
0x7d: {  	_ =	shalt  }
0x7e: {  	_ =	shalt  }
0x7f: {  	_ =	shalt  }
0x80: {  	_ =	shalt  }
0x81: {  	_ =	shalt  }
0x82: {  	_ =	shalt  }
0x83: {  	_ =	shalt  }
0x84: {  	_ =	shalt  }
0x85: {  	_ =	shalt  }
0x86: {  	_ =	shalt  }
0x87: {  	_ =	shalt  }
.Lfunc_end0:
.L_simem_size_0:
called_computation.2_lowered:
.L_overlay_start_0:
0x88: {  	s2 =	sld [smem:$0x3FD9]  }
0x89: {  	s3 =	sld [smem:$0x3FFE];
	_ =	sdelay $0x1  }
0x8a: {  	s1 =	srdreg.scid  }
0x8b: {  	s0 =	sand.u32 $0x1, s1  }
0x8c: {  	s17 =	sshll.u32 s0, $0xA;
	s2 =	sadd.s32 s3, s2  }
0x8d: {  	s2 =	sadd.s32 s2, s17  }
0x8e: {  	[smem:$0x3FC0] =	sst s2  }
0x8f: {  	_ = 	snop  }
0x90: {  	s2 =	sld [smem:$0x3FD0];
	(tm) =	ssettm $0x1  }
0x91: {  	s18 =	sld [smem:$0x3FFB];
	_ =	sdelay $0x3  }
0x92: {  	_ =	strace s18  }
0x93: {  	s3 =	sld [smem:$0x3FFC];
	_ =	sdelay $0x3  }
0x94: {  	_ =	strace s3  }
0x95: {  	s3 =	sld [smem:$0x3FFD];
	_ =	sdelay $0x3  }
0x96: {  	_ =	strace s3  }
0x97: {  	_ =	strace $0x8FFFFFFF  }
0x98: {  	s19 =	sld [smem:$0x3FDB];
	_ =	sdelay $0x1  }
0x99: {  	s4 =	simm.s32 $_scs_section_size  }
0x9a: {  	s5 =	simm.s32 $_size__tile_overlayer_lowered;
	s6 =	simm.s32 $_tile_overlayer_lowered  }
0x9b: {  	s22 =	simm.s32 $0x1BFF;
	s21 =	sshll.u32 s6, $0x1;
	s3 =	sadd.s32 s4, s19  }
0x9c: {  	s7 =	simm.s32 $0x0;
	s20 =	sshll.u32 s5, $0x1;
	s5 =	sadd.s32 s21, s3  }
0x9d: {  	[timem:s7], [sflag:s22] =	dma.local [hbm:s5], s20  }
0x9e: {  	_ =	swait.ge [sflag:s22], s20  }
0x9f: {  	s4 =	ssub.s32 $0x0, s20;
	[sflag:s22] =	ssyncset.done $0x0  }
0xa0: {  	[sflag:s22] =	ssyncadd.s32 s4;
	_ =	sdelay $0x1  }
0xa1: {  	s23 =	simm.s32 $0x1B8B  }
0xa2: {  	_ =	swait.ge [sflag:s23], $0x1  }
0xa3: {  	[sflag:s23] =	ssyncset.done $0x0  }
0xa4: {  	s25 =	simm.s32 $0x1B8E;
	s24 =	sld [smem:$0x3FFE];
	[sflag:s23] =	ssyncadd.s32 $0xFFFFFFFF  }
0xa5: {  	s26 =	simm.s32 $execute0_lowered;
	[smem:$0x3FD2] =	sst s25  }
0xa6: {  	s5 =	sshll.u32 s26, $0x1;
	_ =	strace $0x8000004C;
	[dreg:$0x1] =	wrdreg $0xFFFFFFFF  }
0xa7: {  	s28 =	simm.s32 $_size_execute0_lowered;
	s3 =	sadd.s32 s3, s5;
	[dreg:$0x0] =	wrdreg $0x0  }
0xa8: {  	s5 =	sshll.u32 s28, $0x1;
	[dreg:$0x2] =	wrdreg s3  }
0xa9: {  	[dreg:$0x3] =	wrdreg s5  }
0xaa: {  	[dreg:$0x4] =	wrdreg $0xC0  }
0xab: {  	_ =	task [dreg:s7], $0x5FFFF  }
0xac: {  	[dreg:$0x1] =	wrdreg $0xFFFFFFFF  }
0xad: {  	[dreg:$0x0] =	wrdreg $0x60  }
0xae: {  	[dreg:$0x2] =	wrdreg s2  }
0xaf: {  	[dreg:$0x3] =	wrdreg s24  }
0xb0: {  	[dreg:$0x4] =	wrdreg $0x110000  }
0xb1: {  	[dreg:$0x5] =	wrdreg $0x9  }
0xb2: {  	_ =	task.clear_ibuf [dreg:s7], $0x6FFFF;
	_ =	strace $0x9000004C  }
0xb3: {  	s29 =	simm.s32 $0x9;
	_ =	strace $0x8000004E  }
0xb4: {  	_ =	swait.ge [sflag:s29], $0x1  }
0xb5: {  	[sflag:s29] =	ssyncadd.s32 $0xFFFFFFFF  }
0xb6: {  	_ =	strace $0x9000004E  }
0xb7: {  	_ =	sfence  }
0xb8: {  	s30 =	sld [smem:$0x0];
	_ =	sdelay $0x2  }
0xb9: {  	s31 =	sshll.u32 s1, $0xD;
	s1 =	sshrl.u32 s1, $0x2  }
0xba: {  	s3 =	sand.u32 $0x4000, s31;
	s1 =	sadd.s32 s1, s30  }
0xbb: {  	s0 =	sor.u32 s3, s0;
	s1 =	sshll.u32 s1, $0x11  }
0xbc: {  	s0 =	sor.u32 s1, s0  }
0xbd: {  	s0 =	sadd.s32 $0x8F2B, s0  }
0xbe: {  	[sflag:s0] =	ssyncadd.remote.s32 $0x1  }
0xbf: {  	_ =	sfence.sel $0xFFFF  }
0xc0: {  	[dreg:$0x0] =	wrdreg $0xFFFFFFFF;
	(pc) =	sbr.abs _section_cstart, $3  }
0xc1: {  	[dreg:$0x1] =	wrdreg $0xFFFFFFFF  }
0xc2: {  	_ =	task.clear_ibuf [dreg:s7], $0x2FFFF;
	_ =	strace $0x9FFFFFFF  }
0xc3: {  	(tm) =	ssettm $0x7FFFFFFF  }
tec
execute0_lowered:
.L_overlay_start_1:
0x0: {  	(tag) =	ssettag $0x1  }
0x1: {  	s3 =	rddreg [dreg:$0x0]  }
0x2: {  	s4 =	rddreg [dreg:$0x1]  }
0x3: {  	s2 =	rddreg [dreg:$0x2];
	s25 =	simm.s32 $0x0  }
0x4: {  	s0 =	srdreg.scid;
	s17 =	simm.s32 $0x1600;
	[smem:$0x7FF] =	sst s25  }
0x5: {  	s18 =	simm.s32 $0x2A00;
	_ =	strace $0x8000004D;
	[dreg:$0x7] =	wrdreg s17  }
0x6: {  	s9 =	stileid.u32;
	s20 =	simm.s32 $0x3E00;
	[dreg:$0x8] =	wrdreg s18  }
0x7: {  	s21 =	simm.s32 $0x400;
	s22 =	simm.s32 $0x1800;
	[dreg:$0x9] =	wrdreg s20  }
0x8: {  	s23 =	simm.s32 $0x2C00;
	s10 =	simm.s32 $0x600;
	[dreg:$0xa] =	wrdreg s21  }
0x9: {  	s11 =	simm.s32 $0x1A00;
	s13 =	simm.s32 $0x2E00;
	[dreg:$0xb] =	wrdreg s22  }
0xa: {  	s14 =	simm.s32 $0x4200;
	s30 =	simm.s32 $0x2800;
	[dreg:$0xc] =	wrdreg s23  }
0xb: {  	s29 =	simm.s32 $0x3C00;
	s31 =	simm.s32 $0x1400;
	[dreg:$0xe] =	wrdreg s10  }
0xc: {  	p0 =	por $0x0, $0x0;
	s0 =	sand.u32 $0x1, s0;
	[dreg:$0xf] =	wrdreg s11  }
0xd: {  	s5 =	smul.u32 $0x7800, s9;
	s12 =	sshll.u32 s9, $0x6;
	[dreg:$0x10] =	wrdreg s13  }
0xe: {  	s1 =	sshll.u32 s0, $0x4;
	[dreg:$0x11] =	wrdreg s14;
	s17 =	simm.s32 $0x3000  }
0xf: {  	s19 =	smul.u32 $0xF000, s0;
	s18 =	simm.s32 $0x4400;
	[dreg:$0x14] =	wrdreg s17  }
0x10: {  	s0 =	ssub.s32 $0x2, s0;
	s20 =	simm.s32 $0x1E00;
	[dreg:$0x15] =	wrdreg s18  }
0x11: {  	s21 =	simm.s32 $0x3200;
	s22 =	simm.s32 $0x4600;
	[dreg:$0x17] =	wrdreg s20  }
0x12: {  	s10 =	simm.s32 $0xC00;
	s23 =	simm.s32 $0x2000;
	[dreg:$0x18] =	wrdreg s21  }
0x13: {  	s13 =	simm.s32 $0x3400;
	s14 =	simm.s32 $0x3A00;
	[dreg:$0x19] =	wrdreg s22  }
0x14: {  	s1 =	sor.u32 s9, s1;
	s24 =	sshrl.u32 s0, $0x1;
	[dreg:$0x1a] =	wrdreg s10  }
0x15: {  	s9 =	simm.s32 $0x5000;
	[dreg:$0x1b] =	wrdreg s23;
	s10 =	simm.s32 $0x2  }
0x16: {  	[dreg:$0x1c] =	wrdreg s13;
	s23 =	simm.s32 $0xE00;
	s22 =	simm.s32 $0x3600  }
0x17: {  	s21 =	simm.s32 $0x4A00;
	s18 =	simm.s32 $0x1000;
	s20 =	simm.s32 $0x3800  }
0x18: {  	s17 =	simm.s32 $0x4C00;
	s13 =	simm.s32 $0x4E00;
	s6 =	smul.u32 $0x500, s1  }
0x19: {  	s1 =	sshrl.u32 s5, $0x3;
	s0 =	ssub.s32 s0, s24;
	s5 =	sadd.s32 s5, s2  }
0x1a: {  	s24 =	simm.s32 $0x4800;
	s8 =	sadd.s32 s1, s4;
	s0 =	smax.u32 s0, $0x1  }
0x1b: {  	s5 =	sshrl.u32 s5, $0x3;
	[dreg:$0x1d] =	wrdreg s24;
	s24 =	simm.s32 $0x2200  }
0x1c: {  	s7 =	sadd.s32 s6, s4;
	s8 =	sadd.s32 $0x1A800, s8;
	s26 =	sadd.s32 s3, s6  }
0x1d: {  	s3 =	sadd.s32 $0xB800, s4;
	s6 =	sadd.s32 s19, s4;
	s4 =	sor.u32 $0x1C03, s12  }
0x1e: {  	s19 =	simm.s32 $0xA00;
	s12 =	simm.s32 $0x1;
	p1 =	sne.s32 s0, $0x1  }
0x1f: {  	s28 =	sadd.s32 $0x1800, s7;
	[dreg:$0x4] =	wrdreg s8;
	s16 =	sadd.s32 $0x280, s26  }
0x20: {  	s8 =	simm.s32 $0x4000;
	s11 =	sadd.s32 $0x29800, s6;
	[dreg:$0x16] =	wrdreg s19  }
0x21: {  	s6 =	simm.s32 $0x3;
	s7 =	simm.s32 $0x200;
	[dreg:$0x6] =	wrdreg s16  }
.Ltmp0:
0x22: {  	s15 =	sadd.s32 $0x280, s28;
	[dreg:$0xd] =	wrdreg s8;
	(pc) =	sbr.rel @!p1 .LBB2_3-.Ltmp0, $4  }
0x23: {  	s11 =	sadd.s32 s1, s11;
	s1 =	sadd.s32 $0xFFFFFFFF, s0;
	s0 =	rddreg [dreg:$0x4]  }
0x24: {  	s19 =	simm.s32 $0x2400;
	s16 =	simm.s32 $0x1C00;
	[dreg:$0x5] =	wrdreg s15  }
0x25: {  	s8 =	simm.s32 $0xB000;
	s15 =	simm.s32 $0x800;
	[dreg:$0x13] =	wrdreg s16  }
0x26: {  	s16 =	simm.s32 $0x2600;
	[dreg:$0x12] =	wrdreg s15;
	s15 =	simm.s32 $0x1200  }
0x27: {  	[spmem:s5], [sflag:s4] =	dma.local [hbm:s0], $0xF00  }
0x28: {  	_ =	swait.ge [sflag:s6], $0xF00  }
0x29: {  	[sflag:s6] =	ssyncset.done $0x0  }
0x2a: {  	[sflag:s6] =	ssyncadd.s32 $0xFFFFF100  }
0x2b: {  	[tilespmem:s30], [sflag:$0x3] =	stream.linear.gather [hbm4b:s28+s25], $0x1400, $0x38;
	[tilespmem:$0x18800] =	vst v63  }
0x2c: {  	_ =	swait.ge [sflag:s6], $0x1400  }
0x2d: {  	[sflag:s6] =	ssyncset.done $0x0  }
0x2e: {  	s0 =	rddreg [dreg:$0x5];
	[sflag:s6] =	ssyncadd.s32 $0xFFFFEC00  }
0x2f: {  	[tilespmem:s29], [sflag:$0x3] =	stream.linear.gather [hbm4b:s0+s25], $0x1400, $0x38;
	[tilespmem:$0x18800] =	vst v63  }
0x30: {  	_ =	swait.ge [sflag:s6], $0x1400  }
0x31: {  	[sflag:s6] =	ssyncset.done $0x0  }
0x32: {  	[sflag:s6] =	ssyncadd.s32 $0xFFFFEC00  }
0x33: {  	[tilespmem:s25], [sflag:$0x3] =	stream.linear.gather [hbm4b:s26+s25], $0x1400, $0x38;
	[tilespmem:$0x18800] =	vst v63  }
0x34: {  	_ =	swait.ge [sflag:s6], $0x1400  }
0x35: {  	[sflag:s6] =	ssyncset.done $0x0  }
0x36: {  	s0 =	rddreg [dreg:$0x6];
	[sflag:s6] =	ssyncadd.s32 $0xFFFFEC00  }
0x37: {  	[tilespmem:s31], [sflag:$0x3] =	stream.linear.gather [hbm4b:s0+s25], $0x1400, $0x38;
	[tilespmem:$0x18800] =	vst v63  }
0x38: {  	_ =	swait.ge [sflag:s6], $0x1400  }
0x39: {  	[sflag:s6] =	ssyncset.done $0x0  }
0x3a: {  	[sflag:s6] =	ssyncadd.s32 $0xFFFFEC00  }
0x3b: {  	[bflag:$0x0] =	sbarrier.arrive $0xFFFF  }
0x3c: {  	[tilespmem:s9], [sflag:$0x1] =	stream.indirect.gather [hbm4b:s3+s7], $0x30, s25, s7, $0xb8;
	[tilespmem:$0x18800] =	vst v63  }
0x3d: {  	_ = 	snop  }
0x3e: {  	[tilespmem:s8], [sflag:$0x2] =	stream.indirect.gather [hbm4b:s3+s7], $0x30, s31, s7, $0xb8;
	[tilespmem:$0x18800] =	vst v63  }
0x3f: {  	_ =	swait.ge [sflag:s12], $0x6000  }
0x40: {  	[sflag:s12] =	ssyncset.done $0x0  }
0x41: {  	[sflag:s12] =	ssyncadd.s32 $0xFFFFA000  }
0x42: {  	[spmem:s2] =	stream.indirect.scatter.add.f32 [tilespmem:s9], [sflag:$0x3], $0x30, s30, s7, $0xb8;
	[tilespmem:$0x18800] =	vst v63  }
0x43: {  	_ =	swait.ge [sflag:s6], $0x6000  }
0x44: {  	[sflag:s6] =	ssyncset.done $0x0  }
0x45: {  	[sflag:s6] =	ssyncadd.s32 $0xFFFFA000  }
0x46: {  	_ =	swait.ge [sflag:s10], $0x6000  }
0x47: {  	[sflag:s10] =	ssyncset.done $0x0  }
0x48: {  	[sflag:s10] =	ssyncadd.s32 $0xFFFFA000  }
0x49: {  	[spmem:s2] =	stream.indirect.scatter.add.f32 [tilespmem:s8], [sflag:$0x3], $0x30, s29, s7, $0xb8;
	[tilespmem:$0x18800] =	vst v63  }
0x4a: {  	_ =	swait.ge [sflag:s6], $0x6000  }
0x4b: {  	[sflag:s6] =	ssyncset.done $0x0  }
0x4c: {  	[sflag:s6] =	ssyncadd.s32 $0xFFFFA000  }
0x4d: {  	[tilespmem:s9], [sflag:$0x1] =	stream.indirect.gather [hbm4b:s3+s7], $0x30, s7, s7, $0xb8;
	[tilespmem:$0x18800] =	vst v63  }
0x4e: {  	s0 =	rddreg [dreg:$0x7]  }
0x4f: {  	[tilespmem:s8], [sflag:$0x2] =	stream.indirect.gather [hbm4b:s3+s7], $0x30, s0, s7, $0xb8;
	[tilespmem:$0x18800] =	vst v63  }
0x50: {  	_ =	swait.ge [sflag:s12], $0x6000  }
0x51: {  	[sflag:s12] =	ssyncset.done $0x0  }
0x52: {  	s0 =	rddreg [dreg:$0x8];
	[sflag:s12] =	ssyncadd.s32 $0xFFFFA000  }
0x53: {  	[spmem:s2] =	stream.indirect.scatter.add.f32 [tilespmem:s9], [sflag:$0x3], $0x30, s0, s7, $0xb8;
	[tilespmem:$0x18800] =	vst v63  }
0x54: {  	_ =	swait.ge [sflag:s6], $0x6000  }
0x55: {  	[sflag:s6] =	ssyncset.done $0x0  }
0x56: {  	[sflag:s6] =	ssyncadd.s32 $0xFFFFA000  }
0x57: {  	_ =	swait.ge [sflag:s10], $0x6000  }
0x58: {  	[sflag:s10] =	ssyncset.done $0x0  }
0x59: {  	s0 =	rddreg [dreg:$0x9];
	[sflag:s10] =	ssyncadd.s32 $0xFFFFA000  }
0x5a: {  	[spmem:s2] =	stream.indirect.scatter.add.f32 [tilespmem:s8], [sflag:$0x3], $0x30, s0, s7, $0xb8;
	[tilespmem:$0x18800] =	vst v63  }
0x5b: {  	_ =	swait.ge [sflag:s6], $0x6000  }
0x5c: {  	[dreg:$0x1e] =	wrdreg s1;
	[sflag:s6] =	ssyncset.done $0x0  }
0x5d: {  	s0 =	rddreg [dreg:$0xa];
	[sflag:s6] =	ssyncadd.s32 $0xFFFFA000  }
0x5e: {  	[tilespmem:s9], [sflag:$0x1] =	stream.indirect.gather [hbm4b:s3+s7], $0x30, s0, s7, $0xb8;
	[tilespmem:$0x18800] =	vst v63  }
0x5f: {  	s1 =	rddreg [dreg:$0xb]  }
0x60: {  	[tilespmem:s8], [sflag:$0x2] =	stream.indirect.gather [hbm4b:s3+s7], $0x30, s1, s7, $0xb8;
	[tilespmem:$0x18800] =	vst v63  }
0x61: {  	_ =	swait.ge [sflag:s12], $0x6000  }
0x62: {  	[sflag:s12] =	ssyncset.done $0x0  }
0x63: {  	s1 =	rddreg [dreg:$0xc];
	[sflag:s12] =	ssyncadd.s32 $0xFFFFA000  }
0x64: {  	[spmem:s2] =	stream.indirect.scatter.add.f32 [tilespmem:s9], [sflag:$0x3], $0x30, s1, s7, $0xb8;
	[tilespmem:$0x18800] =	vst v63  }
0x65: {  	_ =	swait.ge [sflag:s6], $0x6000  }
0x66: {  	[sflag:s6] =	ssyncset.done $0x0  }
0x67: {  	[sflag:s6] =	ssyncadd.s32 $0xFFFFA000  }
0x68: {  	_ =	swait.ge [sflag:s10], $0x6000  }
0x69: {  	[sflag:s10] =	ssyncset.done $0x0  }
0x6a: {  	s1 =	rddreg [dreg:$0xd];
	[sflag:s10] =	ssyncadd.s32 $0xFFFFA000  }
0x6b: {  	[spmem:s2] =	stream.indirect.scatter.add.f32 [tilespmem:s8], [sflag:$0x3], $0x30, s1, s7, $0xb8;
	[tilespmem:$0x18800] =	vst v63  }
0x6c: {  	_ =	swait.ge [sflag:s6], $0x6000  }
0x6d: {  	[sflag:s6] =	ssyncset.done $0x0  }
0x6e: {  	s0 =	rddreg [dreg:$0xe];
	[sflag:s6] =	ssyncadd.s32 $0xFFFFA000  }
0x6f: {  	[tilespmem:s9], [sflag:$0x1] =	stream.indirect.gather [hbm4b:s3+s7], $0x30, s0, s7, $0xb8;
	[tilespmem:$0x18800] =	vst v63  }
0x70: {  	s1 =	rddreg [dreg:$0xf]  }
0x71: {  	[tilespmem:s8], [sflag:$0x2] =	stream.indirect.gather [hbm4b:s3+s7], $0x30, s1, s7, $0xb8;
	[tilespmem:$0x18800] =	vst v63  }
0x72: {  	_ =	swait.ge [sflag:s12], $0x6000  }
0x73: {  	[sflag:s12] =	ssyncset.done $0x0  }
0x74: {  	s1 =	rddreg [dreg:$0x10];
	[sflag:s12] =	ssyncadd.s32 $0xFFFFA000  }
0x75: {  	[spmem:s2] =	stream.indirect.scatter.add.f32 [tilespmem:s9], [sflag:$0x3], $0x30, s1, s7, $0xb8;
	[tilespmem:$0x18800] =	vst v63  }
0x76: {  	_ =	swait.ge [sflag:s6], $0x6000  }
0x77: {  	[sflag:s6] =	ssyncset.done $0x0  }
0x78: {  	[sflag:s6] =	ssyncadd.s32 $0xFFFFA000  }
0x79: {  	_ =	swait.ge [sflag:s10], $0x6000  }
0x7a: {  	[sflag:s10] =	ssyncset.done $0x0  }
0x7b: {  	s1 =	rddreg [dreg:$0x11];
	[sflag:s10] =	ssyncadd.s32 $0xFFFFA000  }
0x7c: {  	[spmem:s2] =	stream.indirect.scatter.add.f32 [tilespmem:s8], [sflag:$0x3], $0x30, s1, s7, $0xb8;
	[tilespmem:$0x18800] =	vst v63  }
0x7d: {  	_ =	swait.ge [sflag:s6], $0x6000  }
0x7e: {  	[sflag:s6] =	ssyncset.done $0x0  }
0x7f: {  	s0 =	rddreg [dreg:$0x12];
	[sflag:s6] =	ssyncadd.s32 $0xFFFFA000  }
0x80: {  	[tilespmem:s9], [sflag:$0x1] =	stream.indirect.gather [hbm4b:s3+s7], $0x30, s0, s7, $0xb8;
	[tilespmem:$0x18800] =	vst v63  }
0x81: {  	s1 =	rddreg [dreg:$0x13]  }
0x82: {  	[tilespmem:s8], [sflag:$0x2] =	stream.indirect.gather [hbm4b:s3+s7], $0x30, s1, s7, $0xb8;
	[tilespmem:$0x18800] =	vst v63  }
0x83: {  	_ =	swait.ge [sflag:s12], $0x6000  }
0x84: {  	[sflag:s12] =	ssyncset.done $0x0  }
0x85: {  	s1 =	rddreg [dreg:$0x14];
	[sflag:s12] =	ssyncadd.s32 $0xFFFFA000  }
0x86: {  	[spmem:s2] =	stream.indirect.scatter.add.f32 [tilespmem:s9], [sflag:$0x3], $0x30, s1, s7, $0xb8;
	[tilespmem:$0x18800] =	vst v63  }
0x87: {  	_ =	swait.ge [sflag:s6], $0x6000  }
0x88: {  	[sflag:s6] =	ssyncset.done $0x0  }
0x89: {  	[sflag:s6] =	ssyncadd.s32 $0xFFFFA000  }
0x8a: {  	_ =	swait.ge [sflag:s10], $0x6000  }
0x8b: {  	[sflag:s10] =	ssyncset.done $0x0  }
0x8c: {  	s1 =	rddreg [dreg:$0x15];
	[sflag:s10] =	ssyncadd.s32 $0xFFFFA000  }
0x8d: {  	[spmem:s2] =	stream.indirect.scatter.add.f32 [tilespmem:s8], [sflag:$0x3], $0x30, s1, s7, $0xb8;
	[tilespmem:$0x18800] =	vst v63  }
0x8e: {  	_ =	swait.ge [sflag:s6], $0x6000  }
0x8f: {  	[sflag:s6] =	ssyncset.done $0x0  }
0x90: {  	s0 =	rddreg [dreg:$0x16];
	[sflag:s6] =	ssyncadd.s32 $0xFFFFA000  }
0x91: {  	[tilespmem:s9], [sflag:$0x1] =	stream.indirect.gather [hbm4b:s3+s7], $0x30, s0, s7, $0xb8;
	[tilespmem:$0x18800] =	vst v63  }
0x92: {  	s1 =	rddreg [dreg:$0x17]  }
0x93: {  	[tilespmem:s8], [sflag:$0x2] =	stream.indirect.gather [hbm4b:s3+s7], $0x30, s1, s7, $0xb8;
	[tilespmem:$0x18800] =	vst v63  }
0x94: {  	_ =	swait.ge [sflag:s12], $0x6000  }
0x95: {  	[sflag:s12] =	ssyncset.done $0x0  }
0x96: {  	s1 =	rddreg [dreg:$0x18];
	[sflag:s12] =	ssyncadd.s32 $0xFFFFA000  }
0x97: {  	[spmem:s2] =	stream.indirect.scatter.add.f32 [tilespmem:s9], [sflag:$0x3], $0x30, s1, s7, $0xb8;
	[tilespmem:$0x18800] =	vst v63  }
0x98: {  	_ =	swait.ge [sflag:s6], $0x6000  }
0x99: {  	[sflag:s6] =	ssyncset.done $0x0  }
0x9a: {  	[sflag:s6] =	ssyncadd.s32 $0xFFFFA000  }
0x9b: {  	_ =	swait.ge [sflag:s10], $0x6000  }
0x9c: {  	[sflag:s10] =	ssyncset.done $0x0  }
0x9d: {  	s1 =	rddreg [dreg:$0x19];
	[sflag:s10] =	ssyncadd.s32 $0xFFFFA000  }
0x9e: {  	[spmem:s2] =	stream.indirect.scatter.add.f32 [tilespmem:s8], [sflag:$0x3], $0x30, s1, s7, $0xb8;
	[tilespmem:$0x18800] =	vst v63  }
0x9f: {  	_ =	swait.ge [sflag:s6], $0x6000  }
0xa0: {  	[sflag:s6] =	ssyncset.done $0x0  }
0xa1: {  	s0 =	rddreg [dreg:$0x1a];
	[sflag:s6] =	ssyncadd.s32 $0xFFFFA000  }
0xa2: {  	[tilespmem:s9], [sflag:$0x1] =	stream.indirect.gather [hbm4b:s3+s7], $0x30, s0, s7, $0xb8;
	[tilespmem:$0x18800] =	vst v63  }
0xa3: {  	s1 =	rddreg [dreg:$0x1b]  }
0xa4: {  	[tilespmem:s8], [sflag:$0x2] =	stream.indirect.gather [hbm4b:s3+s7], $0x30, s1, s7, $0xb8;
	[tilespmem:$0x18800] =	vst v63  }
0xa5: {  	_ =	swait.ge [sflag:s12], $0x6000  }
0xa6: {  	[sflag:s12] =	ssyncset.done $0x0  }
0xa7: {  	s1 =	rddreg [dreg:$0x1c];
	[sflag:s12] =	ssyncadd.s32 $0xFFFFA000  }
0xa8: {  	[spmem:s2] =	stream.indirect.scatter.add.f32 [tilespmem:s9], [sflag:$0x3], $0x30, s1, s7, $0xb8;
	[tilespmem:$0x18800] =	vst v63  }
0xa9: {  	_ =	swait.ge [sflag:s6], $0x6000  }
0xaa: {  	[sflag:s6] =	ssyncset.done $0x0  }
0xab: {  	[sflag:s6] =	ssyncadd.s32 $0xFFFFA000  }
0xac: {  	_ =	swait.ge [sflag:s10], $0x6000  }
0xad: {  	[sflag:s10] =	ssyncset.done $0x0  }
0xae: {  	s1 =	rddreg [dreg:$0x1d];
	[sflag:s10] =	ssyncadd.s32 $0xFFFFA000  }
0xaf: {  	[spmem:s2] =	stream.indirect.scatter.add.f32 [tilespmem:s8], [sflag:$0x3], $0x30, s1, s7, $0xb8;
	[tilespmem:$0x18800] =	vst v63  }
0xb0: {  	_ =	swait.ge [sflag:s6], $0x6000  }
0xb1: {  	[sflag:s6] =	ssyncset.done $0x0  }
0xb2: {  	[sflag:s6] =	ssyncadd.s32 $0xFFFFA000  }
0xb3: {  	[tilespmem:s9], [sflag:$0x1] =	stream.indirect.gather [hbm4b:s3+s7], $0x30, s23, s7, $0xb8;
	[tilespmem:$0x18800] =	vst v63  }
0xb4: {  	_ = 	snop  }
0xb5: {  	[tilespmem:s8], [sflag:$0x2] =	stream.indirect.gather [hbm4b:s3+s7], $0x30, s24, s7, $0xb8;
	[tilespmem:$0x18800] =	vst v63  }
0xb6: {  	_ =	swait.ge [sflag:s12], $0x6000  }
0xb7: {  	[sflag:s12] =	ssyncset.done $0x0  }
0xb8: {  	[sflag:s12] =	ssyncadd.s32 $0xFFFFA000  }
0xb9: {  	[spmem:s2] =	stream.indirect.scatter.add.f32 [tilespmem:s9], [sflag:$0x3], $0x30, s22, s7, $0xb8;
	[tilespmem:$0x18800] =	vst v63  }
0xba: {  	_ =	swait.ge [sflag:s6], $0x6000  }
0xbb: {  	[sflag:s6] =	ssyncset.done $0x0  }
0xbc: {  	[sflag:s6] =	ssyncadd.s32 $0xFFFFA000  }
0xbd: {  	_ =	swait.ge [sflag:s10], $0x6000  }
0xbe: {  	[sflag:s10] =	ssyncset.done $0x0  }
0xbf: {  	[sflag:s10] =	ssyncadd.s32 $0xFFFFA000  }
0xc0: {  	[spmem:s2] =	stream.indirect.scatter.add.f32 [tilespmem:s8], [sflag:$0x3], $0x30, s21, s7, $0xb8;
	[tilespmem:$0x18800] =	vst v63  }
0xc1: {  	_ =	swait.ge [sflag:s6], $0x6000  }
0xc2: {  	[sflag:s6] =	ssyncset.done $0x0  }
0xc3: {  	[sflag:s6] =	ssyncadd.s32 $0xFFFFA000  }
0xc4: {  	[tilespmem:s9], [sflag:$0x1] =	stream.indirect.gather [hbm4b:s3+s7], $0x30, s18, s7, $0xb8;
	[tilespmem:$0x18800] =	vst v63  }
0xc5: {  	_ = 	snop  }
0xc6: {  	[tilespmem:s8], [sflag:$0x2] =	stream.indirect.gather [hbm4b:s3+s7], $0x30, s19, s7, $0xb8;
	[tilespmem:$0x18800] =	vst v63  }
0xc7: {  	_ =	swait.ge [sflag:s12], $0x6000  }
0xc8: {  	[sflag:s12] =	ssyncset.done $0x0  }
0xc9: {  	[sflag:s12] =	ssyncadd.s32 $0xFFFFA000  }
0xca: {  	[spmem:s2] =	stream.indirect.scatter.add.f32 [tilespmem:s9], [sflag:$0x3], $0x30, s20, s7, $0xb8;
	[tilespmem:$0x18800] =	vst v63  }
0xcb: {  	_ =	swait.ge [sflag:s6], $0x6000  }
0xcc: {  	[sflag:s6] =	ssyncset.done $0x0  }
0xcd: {  	[sflag:s6] =	ssyncadd.s32 $0xFFFFA000  }
0xce: {  	_ =	swait.ge [sflag:s10], $0x6000  }
0xcf: {  	[sflag:s10] =	ssyncset.done $0x0  }
0xd0: {  	[sflag:s10] =	ssyncadd.s32 $0xFFFFA000  }
0xd1: {  	[spmem:s2] =	stream.indirect.scatter.add.f32 [tilespmem:s8], [sflag:$0x3], $0x30, s17, s7, $0xb8;
	[tilespmem:$0x18800] =	vst v63  }
0xd2: {  	_ =	swait.ge [sflag:s6], $0x6000  }
0xd3: {  	[sflag:s6] =	ssyncset.done $0x0  }
0xd4: {  	[sflag:s6] =	ssyncadd.s32 $0xFFFFA000  }
0xd5: {  	[tilespmem:s9], [sflag:$0x1] =	stream.indirect.gather [hbm4b:s3+s7], $0x30, s15, s7, $0xb8;
	[tilespmem:$0x18800] =	vst v63  }
0xd6: {  	_ = 	snop  }
0xd7: {  	[tilespmem:s8], [sflag:$0x2] =	stream.indirect.gather [hbm4b:s3+s7], $0x30, s16, s7, $0xb8;
	[tilespmem:$0x18800] =	vst v63  }
0xd8: {  	_ =	swait.ge [sflag:s12], $0x6000  }
0xd9: {  	[sflag:s12] =	ssyncset.done $0x0  }
0xda: {  	[sflag:s12] =	ssyncadd.s32 $0xFFFFA000  }
0xdb: {  	[spmem:s2] =	stream.indirect.scatter.add.f32 [tilespmem:s9], [sflag:$0x3], $0x30, s14, s7, $0xb8;
	[tilespmem:$0x18800] =	vst v63  }
0xdc: {  	_ =	swait.ge [sflag:s6], $0x6000  }
0xdd: {  	[sflag:s6] =	ssyncset.done $0x0  }
0xde: {  	[sflag:s6] =	ssyncadd.s32 $0xFFFFA000  }
0xdf: {  	_ =	swait.ge [sflag:s10], $0x6000  }
0xe0: {  	[sflag:s10] =	ssyncset.done $0x0  }
0xe1: {  	[sflag:s10] =	ssyncadd.s32 $0xFFFFA000  }
0xe2: {  	[spmem:s2] =	stream.indirect.scatter.add.f32 [tilespmem:s8], [sflag:$0x3], $0x30, s13, s7, $0xb8;
	[tilespmem:$0x18800] =	vst v63  }
0xe3: {  	_ =	swait.ge [sflag:s6], $0x6000  }
0xe4: {  	[sflag:s6] =	ssyncset.done $0x0  }
0xe5: {  	[sflag:s6] =	ssyncadd.s32 $0xFFFFA000  }
0xe6: {  	[bflag:$0x0] =	sbarrier.arrive $0xFFFF  }
0xe7: {  	[hbm:s11], [sflag:s4] =	dma.local [spmem:s5], $0xF00  }
0xe8: {  	s1 =	rddreg [dreg:$0x1e]  }
0xe9: {  	p1 =	sne.s32 s1, $0x1  }
.Ltmp1:
0xea: {  	_ = 	snop;
	(pc) =	sbr.rel @!p1 .LBB2_3-.Ltmp1, $3  }
0xeb: {  	_ =	sdelay $0x1  }
0xec: {  	p0 =	por $0x1, $0x1;
	_ =	swait.ge [sflag:s6], $0xF00  }
0xed: {  	s1 =	sadd.s32 $0xFFFFFFFF, s1;
	s0 =	rddreg [dreg:$0x4];
	[sflag:s6] =	ssyncset.done $0x0  }
.LBB2_2:
0xee: {  	[sflag:s6] =	ssyncadd.s32 $0xFFFFF100  }
0xef: {  	[spmem:s5], [sflag:s4] =	dma.local [hbm:s0], $0xF00  }
0xf0: {  	_ =	swait.ge [sflag:s6], $0xF00  }
0xf1: {  	[sflag:s6] =	ssyncset.done $0x0  }
0xf2: {  	[sflag:s6] =	ssyncadd.s32 $0xFFFFF100  }
0xf3: {  	[tilespmem:s30], [sflag:$0x3] =	stream.linear.gather [hbm4b:s28+s25], $0x1400, $0x38;
	[tilespmem:$0x18800] =	vst v63  }
0xf4: {  	_ =	swait.ge [sflag:s6], $0x1400  }
0xf5: {  	[sflag:s6] =	ssyncset.done $0x0  }
0xf6: {  	s13 =	rddreg [dreg:$0x5];
	[sflag:s6] =	ssyncadd.s32 $0xFFFFEC00  }
0xf7: {  	[tilespmem:s29], [sflag:$0x3] =	stream.linear.gather [hbm4b:s13+s25], $0x1400, $0x38;
	[tilespmem:$0x18800] =	vst v63  }
0xf8: {  	_ =	swait.ge [sflag:s6], $0x1400  }
0xf9: {  	[sflag:s6] =	ssyncset.done $0x0  }
0xfa: {  	[sflag:s6] =	ssyncadd.s32 $0xFFFFEC00  }
0xfb: {  	[tilespmem:s25], [sflag:$0x3] =	stream.linear.gather [hbm4b:s26+s25], $0x1400, $0x38;
	[tilespmem:$0x18800] =	vst v63  }
0xfc: {  	_ =	swait.ge [sflag:s6], $0x1400  }
0xfd: {  	[sflag:s6] =	ssyncset.done $0x0  }
0xfe: {  	s13 =	rddreg [dreg:$0x6];
	[sflag:s6] =	ssyncadd.s32 $0xFFFFEC00  }
0xff: {  	[tilespmem:s31], [sflag:$0x3] =	stream.linear.gather [hbm4b:s13+s25], $0x1400, $0x38;
	[tilespmem:$0x18800] =	vst v63  }
0x100: {  	_ =	swait.ge [sflag:s6], $0x1400  }
0x101: {  	[sflag:s6] =	ssyncset.done $0x0  }
0x102: {  	[sflag:s6] =	ssyncadd.s32 $0xFFFFEC00  }
0x103: {  	[bflag:$0x0] =	sbarrier.arrive $0xFFFF  }
0x104: {  	[tilespmem:s9], [sflag:$0x1] =	stream.indirect.gather [hbm4b:s3+s7], $0x30, s25, s7, $0xb8;
	[tilespmem:$0x18800] =	vst v63  }
0x105: {  	_ = 	snop  }
0x106: {  	[tilespmem:s8], [sflag:$0x2] =	stream.indirect.gather [hbm4b:s3+s7], $0x30, s31, s7, $0xb8;
	[tilespmem:$0x18800] =	vst v63  }
0x107: {  	_ =	swait.ge [sflag:s12], $0x6000  }
0x108: {  	[sflag:s12] =	ssyncset.done $0x0  }
0x109: {  	[sflag:s12] =	ssyncadd.s32 $0xFFFFA000  }
0x10a: {  	[spmem:s2] =	stream.indirect.scatter.add.f32 [tilespmem:s9], [sflag:$0x3], $0x30, s30, s7, $0xb8;
	[tilespmem:$0x18800] =	vst v63  }
0x10b: {  	_ =	swait.ge [sflag:s6], $0x6000  }
0x10c: {  	[sflag:s6] =	ssyncset.done $0x0  }
0x10d: {  	[sflag:s6] =	ssyncadd.s32 $0xFFFFA000  }
0x10e: {  	_ =	swait.ge [sflag:s10], $0x6000  }
0x10f: {  	[sflag:s10] =	ssyncset.done $0x0  }
0x110: {  	[sflag:s10] =	ssyncadd.s32 $0xFFFFA000  }
0x111: {  	[spmem:s2] =	stream.indirect.scatter.add.f32 [tilespmem:s8], [sflag:$0x3], $0x30, s29, s7, $0xb8;
	[tilespmem:$0x18800] =	vst v63  }
0x112: {  	_ =	swait.ge [sflag:s6], $0x6000  }
0x113: {  	[sflag:s6] =	ssyncset.done $0x0  }
0x114: {  	[sflag:s6] =	ssyncadd.s32 $0xFFFFA000  }
0x115: {  	[tilespmem:s9], [sflag:$0x1] =	stream.indirect.gather [hbm4b:s3+s7], $0x30, s7, s7, $0xb8;
	[tilespmem:$0x18800] =	vst v63  }
0x116: {  	s13 =	rddreg [dreg:$0x7]  }
0x117: {  	[tilespmem:s8], [sflag:$0x2] =	stream.indirect.gather [hbm4b:s3+s7], $0x30, s13, s7, $0xb8;
	[tilespmem:$0x18800] =	vst v63  }
0x118: {  	_ =	swait.ge [sflag:s12], $0x6000  }
0x119: {  	[sflag:s12] =	ssyncset.done $0x0  }
0x11a: {  	s13 =	rddreg [dreg:$0x8];
	[sflag:s12] =	ssyncadd.s32 $0xFFFFA000  }
0x11b: {  	[spmem:s2] =	stream.indirect.scatter.add.f32 [tilespmem:s9], [sflag:$0x3], $0x30, s13, s7, $0xb8;
	[tilespmem:$0x18800] =	vst v63  }
0x11c: {  	_ =	swait.ge [sflag:s6], $0x6000  }
0x11d: {  	[sflag:s6] =	ssyncset.done $0x0  }
0x11e: {  	[sflag:s6] =	ssyncadd.s32 $0xFFFFA000  }
0x11f: {  	_ =	swait.ge [sflag:s10], $0x6000  }
0x120: {  	[sflag:s10] =	ssyncset.done $0x0  }
0x121: {  	s13 =	rddreg [dreg:$0x9];
	[sflag:s10] =	ssyncadd.s32 $0xFFFFA000  }
0x122: {  	[spmem:s2] =	stream.indirect.scatter.add.f32 [tilespmem:s8], [sflag:$0x3], $0x30, s13, s7, $0xb8;
	[tilespmem:$0x18800] =	vst v63  }
0x123: {  	_ =	swait.ge [sflag:s6], $0x6000  }
0x124: {  	[sflag:s6] =	ssyncset.done $0x0  }
0x125: {  	s0 =	rddreg [dreg:$0xa];
	[sflag:s6] =	ssyncadd.s32 $0xFFFFA000  }
0x126: {  	[tilespmem:s9], [sflag:$0x1] =	stream.indirect.gather [hbm4b:s3+s7], $0x30, s0, s7, $0xb8;
	[tilespmem:$0x18800] =	vst v63  }
0x127: {  	s13 =	rddreg [dreg:$0xb]  }
0x128: {  	[tilespmem:s8], [sflag:$0x2] =	stream.indirect.gather [hbm4b:s3+s7], $0x30, s13, s7, $0xb8;
	[tilespmem:$0x18800] =	vst v63  }
0x129: {  	_ =	swait.ge [sflag:s12], $0x6000  }
0x12a: {  	[sflag:s12] =	ssyncset.done $0x0  }
0x12b: {  	s13 =	rddreg [dreg:$0xc];
	[sflag:s12] =	ssyncadd.s32 $0xFFFFA000  }
0x12c: {  	[spmem:s2] =	stream.indirect.scatter.add.f32 [tilespmem:s9], [sflag:$0x3], $0x30, s13, s7, $0xb8;
	[tilespmem:$0x18800] =	vst v63  }
0x12d: {  	_ =	swait.ge [sflag:s6], $0x6000  }
0x12e: {  	[sflag:s6] =	ssyncset.done $0x0  }
0x12f: {  	[sflag:s6] =	ssyncadd.s32 $0xFFFFA000  }
0x130: {  	_ =	swait.ge [sflag:s10], $0x6000  }
0x131: {  	[sflag:s10] =	ssyncset.done $0x0  }
0x132: {  	s13 =	rddreg [dreg:$0xd];
	[sflag:s10] =	ssyncadd.s32 $0xFFFFA000  }
0x133: {  	[spmem:s2] =	stream.indirect.scatter.add.f32 [tilespmem:s8], [sflag:$0x3], $0x30, s13, s7, $0xb8;
	[tilespmem:$0x18800] =	vst v63  }
0x134: {  	_ =	swait.ge [sflag:s6], $0x6000  }
0x135: {  	[sflag:s6] =	ssyncset.done $0x0  }
0x136: {  	s0 =	rddreg [dreg:$0xe];
	[sflag:s6] =	ssyncadd.s32 $0xFFFFA000  }
0x137: {  	[tilespmem:s9], [sflag:$0x1] =	stream.indirect.gather [hbm4b:s3+s7], $0x30, s0, s7, $0xb8;
	[tilespmem:$0x18800] =	vst v63  }
0x138: {  	s13 =	rddreg [dreg:$0xf]  }
0x139: {  	[tilespmem:s8], [sflag:$0x2] =	stream.indirect.gather [hbm4b:s3+s7], $0x30, s13, s7, $0xb8;
	[tilespmem:$0x18800] =	vst v63  }
0x13a: {  	_ =	swait.ge [sflag:s12], $0x6000  }
0x13b: {  	[sflag:s12] =	ssyncset.done $0x0  }
0x13c: {  	s13 =	rddreg [dreg:$0x10];
	[sflag:s12] =	ssyncadd.s32 $0xFFFFA000  }
0x13d: {  	[spmem:s2] =	stream.indirect.scatter.add.f32 [tilespmem:s9], [sflag:$0x3], $0x30, s13, s7, $0xb8;
	[tilespmem:$0x18800] =	vst v63  }
0x13e: {  	_ =	swait.ge [sflag:s6], $0x6000  }
0x13f: {  	[sflag:s6] =	ssyncset.done $0x0  }
0x140: {  	[sflag:s6] =	ssyncadd.s32 $0xFFFFA000  }
0x141: {  	_ =	swait.ge [sflag:s10], $0x6000  }
0x142: {  	[sflag:s10] =	ssyncset.done $0x0  }
0x143: {  	s13 =	rddreg [dreg:$0x11];
	[sflag:s10] =	ssyncadd.s32 $0xFFFFA000  }
0x144: {  	[spmem:s2] =	stream.indirect.scatter.add.f32 [tilespmem:s8], [sflag:$0x3], $0x30, s13, s7, $0xb8;
	[tilespmem:$0x18800] =	vst v63  }
0x145: {  	_ =	swait.ge [sflag:s6], $0x6000  }
0x146: {  	[sflag:s6] =	ssyncset.done $0x0  }
0x147: {  	s0 =	rddreg [dreg:$0x12];
	[sflag:s6] =	ssyncadd.s32 $0xFFFFA000  }
0x148: {  	[tilespmem:s9], [sflag:$0x1] =	stream.indirect.gather [hbm4b:s3+s7], $0x30, s0, s7, $0xb8;
	[tilespmem:$0x18800] =	vst v63  }
0x149: {  	s13 =	rddreg [dreg:$0x13]  }
0x14a: {  	[tilespmem:s8], [sflag:$0x2] =	stream.indirect.gather [hbm4b:s3+s7], $0x30, s13, s7, $0xb8;
	[tilespmem:$0x18800] =	vst v63  }
0x14b: {  	_ =	swait.ge [sflag:s12], $0x6000  }
0x14c: {  	[sflag:s12] =	ssyncset.done $0x0  }
0x14d: {  	s13 =	rddreg [dreg:$0x14];
	[sflag:s12] =	ssyncadd.s32 $0xFFFFA000  }
0x14e: {  	[spmem:s2] =	stream.indirect.scatter.add.f32 [tilespmem:s9], [sflag:$0x3], $0x30, s13, s7, $0xb8;
	[tilespmem:$0x18800] =	vst v63  }
0x14f: {  	_ =	swait.ge [sflag:s6], $0x6000  }
0x150: {  	[sflag:s6] =	ssyncset.done $0x0  }
0x151: {  	[sflag:s6] =	ssyncadd.s32 $0xFFFFA000  }
0x152: {  	_ =	swait.ge [sflag:s10], $0x6000  }
0x153: {  	[sflag:s10] =	ssyncset.done $0x0  }
0x154: {  	s13 =	rddreg [dreg:$0x15];
	[sflag:s10] =	ssyncadd.s32 $0xFFFFA000  }
0x155: {  	[spmem:s2] =	stream.indirect.scatter.add.f32 [tilespmem:s8], [sflag:$0x3], $0x30, s13, s7, $0xb8;
	[tilespmem:$0x18800] =	vst v63  }
0x156: {  	_ =	swait.ge [sflag:s6], $0x6000  }
0x157: {  	[sflag:s6] =	ssyncset.done $0x0  }
0x158: {  	s0 =	rddreg [dreg:$0x16];
	[sflag:s6] =	ssyncadd.s32 $0xFFFFA000  }
0x159: {  	[tilespmem:s9], [sflag:$0x1] =	stream.indirect.gather [hbm4b:s3+s7], $0x30, s0, s7, $0xb8;
	[tilespmem:$0x18800] =	vst v63  }
0x15a: {  	s13 =	rddreg [dreg:$0x17]  }
0x15b: {  	[tilespmem:s8], [sflag:$0x2] =	stream.indirect.gather [hbm4b:s3+s7], $0x30, s13, s7, $0xb8;
	[tilespmem:$0x18800] =	vst v63  }
0x15c: {  	_ =	swait.ge [sflag:s12], $0x6000  }
0x15d: {  	[sflag:s12] =	ssyncset.done $0x0  }
0x15e: {  	s13 =	rddreg [dreg:$0x18];
	[sflag:s12] =	ssyncadd.s32 $0xFFFFA000  }
0x15f: {  	[spmem:s2] =	stream.indirect.scatter.add.f32 [tilespmem:s9], [sflag:$0x3], $0x30, s13, s7, $0xb8;
	[tilespmem:$0x18800] =	vst v63  }
0x160: {  	_ =	swait.ge [sflag:s6], $0x6000  }
0x161: {  	[sflag:s6] =	ssyncset.done $0x0  }
0x162: {  	[sflag:s6] =	ssyncadd.s32 $0xFFFFA000  }
0x163: {  	_ =	swait.ge [sflag:s10], $0x6000  }
0x164: {  	[sflag:s10] =	ssyncset.done $0x0  }
0x165: {  	s13 =	rddreg [dreg:$0x19];
	[sflag:s10] =	ssyncadd.s32 $0xFFFFA000  }
0x166: {  	[spmem:s2] =	stream.indirect.scatter.add.f32 [tilespmem:s8], [sflag:$0x3], $0x30, s13, s7, $0xb8;
	[tilespmem:$0x18800] =	vst v63  }
0x167: {  	_ =	swait.ge [sflag:s6], $0x6000  }
0x168: {  	[sflag:s6] =	ssyncset.done $0x0  }
0x169: {  	s0 =	rddreg [dreg:$0x1a];
	[sflag:s6] =	ssyncadd.s32 $0xFFFFA000  }
0x16a: {  	[tilespmem:s9], [sflag:$0x1] =	stream.indirect.gather [hbm4b:s3+s7], $0x30, s0, s7, $0xb8;
	[tilespmem:$0x18800] =	vst v63  }
0x16b: {  	s13 =	rddreg [dreg:$0x1b]  }
0x16c: {  	[tilespmem:s8], [sflag:$0x2] =	stream.indirect.gather [hbm4b:s3+s7], $0x30, s13, s7, $0xb8;
	[tilespmem:$0x18800] =	vst v63  }
0x16d: {  	_ =	swait.ge [sflag:s12], $0x6000  }
0x16e: {  	[sflag:s12] =	ssyncset.done $0x0  }
0x16f: {  	s0 =	rddreg [dreg:$0x1c];
	[sflag:s12] =	ssyncadd.s32 $0xFFFFA000  }
0x170: {  	[spmem:s2] =	stream.indirect.scatter.add.f32 [tilespmem:s9], [sflag:$0x3], $0x30, s0, s7, $0xb8;
	[tilespmem:$0x18800] =	vst v63  }
0x171: {  	_ =	swait.ge [sflag:s6], $0x6000  }
0x172: {  	[sflag:s6] =	ssyncset.done $0x0  }
0x173: {  	[sflag:s6] =	ssyncadd.s32 $0xFFFFA000  }
0x174: {  	_ =	swait.ge [sflag:s10], $0x6000  }
0x175: {  	[sflag:s10] =	ssyncset.done $0x0  }
0x176: {  	s0 =	rddreg [dreg:$0x1d];
	[sflag:s10] =	ssyncadd.s32 $0xFFFFA000  }
0x177: {  	[spmem:s2] =	stream.indirect.scatter.add.f32 [tilespmem:s8], [sflag:$0x3], $0x30, s0, s7, $0xb8;
	[tilespmem:$0x18800] =	vst v63  }
0x178: {  	_ =	swait.ge [sflag:s6], $0x6000  }
0x179: {  	[sflag:s6] =	ssyncset.done $0x0  }
0x17a: {  	[sflag:s6] =	ssyncadd.s32 $0xFFFFA000  }
0x17b: {  	[tilespmem:s9], [sflag:$0x1] =	stream.indirect.gather [hbm4b:s3+s7], $0x30, s23, s7, $0xb8;
	[tilespmem:$0x18800] =	vst v63  }
0x17c: {  	_ = 	snop  }
0x17d: {  	[tilespmem:s8], [sflag:$0x2] =	stream.indirect.gather [hbm4b:s3+s7], $0x30, s24, s7, $0xb8;
	[tilespmem:$0x18800] =	vst v63  }
0x17e: {  	_ =	swait.ge [sflag:s12], $0x6000  }
0x17f: {  	[sflag:s12] =	ssyncset.done $0x0  }
0x180: {  	[sflag:s12] =	ssyncadd.s32 $0xFFFFA000  }
0x181: {  	[spmem:s2] =	stream.indirect.scatter.add.f32 [tilespmem:s9], [sflag:$0x3], $0x30, s22, s7, $0xb8;
	[tilespmem:$0x18800] =	vst v63  }
0x182: {  	_ =	swait.ge [sflag:s6], $0x6000  }
0x183: {  	[sflag:s6] =	ssyncset.done $0x0  }
0x184: {  	[sflag:s6] =	ssyncadd.s32 $0xFFFFA000  }
0x185: {  	_ =	swait.ge [sflag:s10], $0x6000  }
0x186: {  	[sflag:s10] =	ssyncset.done $0x0  }
0x187: {  	[sflag:s10] =	ssyncadd.s32 $0xFFFFA000  }
0x188: {  	[spmem:s2] =	stream.indirect.scatter.add.f32 [tilespmem:s8], [sflag:$0x3], $0x30, s21, s7, $0xb8;
	[tilespmem:$0x18800] =	vst v63  }
0x189: {  	_ =	swait.ge [sflag:s6], $0x6000  }
0x18a: {  	[sflag:s6] =	ssyncset.done $0x0  }
0x18b: {  	[sflag:s6] =	ssyncadd.s32 $0xFFFFA000  }
0x18c: {  	[tilespmem:s9], [sflag:$0x1] =	stream.indirect.gather [hbm4b:s3+s7], $0x30, s18, s7, $0xb8;
	[tilespmem:$0x18800] =	vst v63  }
0x18d: {  	_ = 	snop  }
0x18e: {  	[tilespmem:s8], [sflag:$0x2] =	stream.indirect.gather [hbm4b:s3+s7], $0x30, s19, s7, $0xb8;
	[tilespmem:$0x18800] =	vst v63  }
0x18f: {  	_ =	swait.ge [sflag:s12], $0x6000  }
0x190: {  	[sflag:s12] =	ssyncset.done $0x0  }
0x191: {  	[sflag:s12] =	ssyncadd.s32 $0xFFFFA000  }
0x192: {  	[spmem:s2] =	stream.indirect.scatter.add.f32 [tilespmem:s9], [sflag:$0x3], $0x30, s20, s7, $0xb8;
	[tilespmem:$0x18800] =	vst v63  }
0x193: {  	_ =	swait.ge [sflag:s6], $0x6000  }
0x194: {  	[sflag:s6] =	ssyncset.done $0x0  }
0x195: {  	[sflag:s6] =	ssyncadd.s32 $0xFFFFA000  }
0x196: {  	_ =	swait.ge [sflag:s10], $0x6000  }
0x197: {  	[sflag:s10] =	ssyncset.done $0x0  }
0x198: {  	[sflag:s10] =	ssyncadd.s32 $0xFFFFA000  }
0x199: {  	[spmem:s2] =	stream.indirect.scatter.add.f32 [tilespmem:s8], [sflag:$0x3], $0x30, s17, s7, $0xb8;
	[tilespmem:$0x18800] =	vst v63  }
0x19a: {  	_ =	swait.ge [sflag:s6], $0x6000  }
0x19b: {  	[sflag:s6] =	ssyncset.done $0x0  }
0x19c: {  	[sflag:s6] =	ssyncadd.s32 $0xFFFFA000  }
0x19d: {  	[tilespmem:s9], [sflag:$0x1] =	stream.indirect.gather [hbm4b:s3+s7], $0x30, s15, s7, $0xb8;
	[tilespmem:$0x18800] =	vst v63  }
0x19e: {  	_ = 	snop  }
0x19f: {  	[tilespmem:s8], [sflag:$0x2] =	stream.indirect.gather [hbm4b:s3+s7], $0x30, s16, s7, $0xb8;
	[tilespmem:$0x18800] =	vst v63  }
0x1a0: {  	_ =	swait.ge [sflag:s12], $0x6000  }
0x1a1: {  	[sflag:s12] =	ssyncset.done $0x0  }
0x1a2: {  	[sflag:s12] =	ssyncadd.s32 $0xFFFFA000  }
0x1a3: {  	[spmem:s2] =	stream.indirect.scatter.add.f32 [tilespmem:s9], [sflag:$0x3], $0x30, s14, s7, $0xb8;
	[tilespmem:$0x18800] =	vst v63  }
0x1a4: {  	_ =	swait.ge [sflag:s6], $0x6000  }
0x1a5: {  	[sflag:s6] =	ssyncset.done $0x0  }
0x1a6: {  	[sflag:s6] =	ssyncadd.s32 $0xFFFFA000  }
0x1a7: {  	_ =	swait.ge [sflag:s10], $0x6000  }
0x1a8: {  	[sflag:s10] =	ssyncset.done $0x0  }
0x1a9: {  	s13 =	simm.s32 $0x4E00;
	[sflag:s10] =	ssyncadd.s32 $0xFFFFA000  }
0x1aa: {  	[spmem:s2] =	stream.indirect.scatter.add.f32 [tilespmem:s8], [sflag:$0x3], $0x30, s13, s7, $0xb8;
	[tilespmem:$0x18800] =	vst v63  }
0x1ab: {  	_ =	swait.ge [sflag:s6], $0x6000  }
0x1ac: {  	p1 =	sne.s32 s1, $0x1;
	[sflag:s6] =	ssyncset.done $0x0  }
.Ltmp2:
0x1ad: {  	[sflag:s6] =	ssyncadd.s32 $0xFFFFA000;
	(pc) =	sbr.rel @p1 .LBB2_2-.Ltmp2, $4  }
0x1ae: {  	[bflag:$0x0] =	sbarrier.arrive $0xFFFF  }
0x1af: {  	[hbm:s11], [sflag:s4] =	dma.local [spmem:s5], $0xF00  }
0x1b0: {  	_ =	swait.ge [sflag:s6], $0xF00  }
0x1b1: {  	s1 =	sadd.s32 $0xFFFFFFFF, s1;
	s0 =	rddreg [dreg:$0x4];
	[sflag:s6] =	ssyncset.done $0x0  }
.LBB2_3:
0x1b2: {  	[sflag:s6] =	ssyncadd.s32 @p0 $0xFFFFF100  }
0x1b3: {  	[spmem:s5], [sflag:s4] =	dma.local [hbm:s0], $0xF00  }
0x1b4: {  	_ =	swait.ge [sflag:s6], $0xF00  }
0x1b5: {  	[sflag:s6] =	ssyncset.done $0x0  }
0x1b6: {  	[sflag:s6] =	ssyncadd.s32 $0xFFFFF100  }
0x1b7: {  	[tilespmem:s30], [sflag:$0x3] =	stream.linear.gather [hbm4b:s28+s25], $0x1400, $0x38;
	[tilespmem:$0x18800] =	vst v63  }
0x1b8: {  	_ =	swait.ge [sflag:s6], $0x1400  }
0x1b9: {  	[sflag:s6] =	ssyncset.done $0x0  }
0x1ba: {  	s1 =	rddreg [dreg:$0x5];
	[sflag:s6] =	ssyncadd.s32 $0xFFFFEC00  }
0x1bb: {  	[tilespmem:s29], [sflag:$0x3] =	stream.linear.gather [hbm4b:s1+s25], $0x1400, $0x38;
	[tilespmem:$0x18800] =	vst v63  }
0x1bc: {  	_ =	swait.ge [sflag:s6], $0x1400  }
0x1bd: {  	[sflag:s6] =	ssyncset.done $0x0  }
0x1be: {  	[sflag:s6] =	ssyncadd.s32 $0xFFFFEC00  }
0x1bf: {  	[tilespmem:s25], [sflag:$0x3] =	stream.linear.gather [hbm4b:s26+s25], $0x1400, $0x38;
	[tilespmem:$0x18800] =	vst v63  }
0x1c0: {  	_ =	swait.ge [sflag:s6], $0x1400  }
0x1c1: {  	[sflag:s6] =	ssyncset.done $0x0  }
0x1c2: {  	s28 =	rddreg [dreg:$0x6];
	[sflag:s6] =	ssyncadd.s32 $0xFFFFEC00  }
0x1c3: {  	[tilespmem:s31], [sflag:$0x3] =	stream.linear.gather [hbm4b:s28+s25], $0x1400, $0x38;
	[tilespmem:$0x18800] =	vst v63  }
0x1c4: {  	_ =	swait.ge [sflag:s6], $0x1400  }
0x1c5: {  	[sflag:s6] =	ssyncset.done $0x0  }
0x1c6: {  	[sflag:s6] =	ssyncadd.s32 $0xFFFFEC00  }
0x1c7: {  	[bflag:$0x0] =	sbarrier.arrive $0xFFFF  }
0x1c8: {  	[tilespmem:s9], [sflag:$0x1] =	stream.indirect.gather [hbm4b:s3+s7], $0x30, s25, s7, $0xb8;
	[tilespmem:$0x18800] =	vst v63  }
0x1c9: {  	_ = 	snop  }
0x1ca: {  	[tilespmem:s8], [sflag:$0x2] =	stream.indirect.gather [hbm4b:s3+s7], $0x30, s31, s7, $0xb8;
	[tilespmem:$0x18800] =	vst v63  }
0x1cb: {  	_ =	swait.ge [sflag:s12], $0x6000  }
0x1cc: {  	[sflag:s12] =	ssyncset.done $0x0  }
0x1cd: {  	[sflag:s12] =	ssyncadd.s32 $0xFFFFA000  }
0x1ce: {  	[spmem:s2] =	stream.indirect.scatter.add.f32 [tilespmem:s9], [sflag:$0x3], $0x30, s30, s7, $0xb8;
	[tilespmem:$0x18800] =	vst v63  }
0x1cf: {  	_ =	swait.ge [sflag:s6], $0x6000  }
0x1d0: {  	[sflag:s6] =	ssyncset.done $0x0  }
0x1d1: {  	[sflag:s6] =	ssyncadd.s32 $0xFFFFA000  }
0x1d2: {  	_ =	swait.ge [sflag:s10], $0x6000  }
0x1d3: {  	[sflag:s10] =	ssyncset.done $0x0  }
0x1d4: {  	[sflag:s10] =	ssyncadd.s32 $0xFFFFA000  }
0x1d5: {  	[spmem:s2] =	stream.indirect.scatter.add.f32 [tilespmem:s8], [sflag:$0x3], $0x30, s29, s7, $0xb8;
	[tilespmem:$0x18800] =	vst v63  }
0x1d6: {  	_ =	swait.ge [sflag:s6], $0x6000  }
0x1d7: {  	[sflag:s6] =	ssyncset.done $0x0  }
0x1d8: {  	[sflag:s6] =	ssyncadd.s32 $0xFFFFA000  }
0x1d9: {  	[tilespmem:s9], [sflag:$0x1] =	stream.indirect.gather [hbm4b:s3+s7], $0x30, s7, s7, $0xb8;
	[tilespmem:$0x18800] =	vst v63  }
0x1da: {  	s30 =	rddreg [dreg:$0x7]  }
0x1db: {  	[tilespmem:s8], [sflag:$0x2] =	stream.indirect.gather [hbm4b:s3+s7], $0x30, s30, s7, $0xb8;
	[tilespmem:$0x18800] =	vst v63  }
0x1dc: {  	_ =	swait.ge [sflag:s12], $0x6000  }
0x1dd: {  	[sflag:s12] =	ssyncset.done $0x0  }
0x1de: {  	s31 =	rddreg [dreg:$0x8];
	[sflag:s12] =	ssyncadd.s32 $0xFFFFA000  }
0x1df: {  	[spmem:s2] =	stream.indirect.scatter.add.f32 [tilespmem:s9], [sflag:$0x3], $0x30, s31, s7, $0xb8;
	[tilespmem:$0x18800] =	vst v63  }
0x1e0: {  	_ =	swait.ge [sflag:s6], $0x6000  }
0x1e1: {  	[sflag:s6] =	ssyncset.done $0x0  }
0x1e2: {  	[sflag:s6] =	ssyncadd.s32 $0xFFFFA000  }
0x1e3: {  	_ =	swait.ge [sflag:s10], $0x6000  }
0x1e4: {  	[sflag:s10] =	ssyncset.done $0x0  }
0x1e5: {  	s1 =	rddreg [dreg:$0x9];
	[sflag:s10] =	ssyncadd.s32 $0xFFFFA000  }
0x1e6: {  	[spmem:s2] =	stream.indirect.scatter.add.f32 [tilespmem:s8], [sflag:$0x3], $0x30, s1, s7, $0xb8;
	[tilespmem:$0x18800] =	vst v63  }
0x1e7: {  	_ =	swait.ge [sflag:s6], $0x6000  }
0x1e8: {  	[sflag:s6] =	ssyncset.done $0x0  }
0x1e9: {  	s25 =	rddreg [dreg:$0xa];
	[sflag:s6] =	ssyncadd.s32 $0xFFFFA000  }
0x1ea: {  	[tilespmem:s9], [sflag:$0x1] =	stream.indirect.gather [hbm4b:s3+s7], $0x30, s25, s7, $0xb8;
	[tilespmem:$0x18800] =	vst v63  }
0x1eb: {  	s1 =	rddreg [dreg:$0xb]  }
0x1ec: {  	[tilespmem:s8], [sflag:$0x2] =	stream.indirect.gather [hbm4b:s3+s7], $0x30, s1, s7, $0xb8;
	[tilespmem:$0x18800] =	vst v63  }
0x1ed: {  	_ =	swait.ge [sflag:s12], $0x6000  }
0x1ee: {  	[sflag:s12] =	ssyncset.done $0x0  }
0x1ef: {  	s26 =	rddreg [dreg:$0xc];
	[sflag:s12] =	ssyncadd.s32 $0xFFFFA000  }
0x1f0: {  	[spmem:s2] =	stream.indirect.scatter.add.f32 [tilespmem:s9], [sflag:$0x3], $0x30, s26, s7, $0xb8;
	[tilespmem:$0x18800] =	vst v63  }
0x1f1: {  	_ =	swait.ge [sflag:s6], $0x6000  }
0x1f2: {  	[sflag:s6] =	ssyncset.done $0x0  }
0x1f3: {  	[sflag:s6] =	ssyncadd.s32 $0xFFFFA000  }
0x1f4: {  	_ =	swait.ge [sflag:s10], $0x6000  }
0x1f5: {  	[sflag:s10] =	ssyncset.done $0x0  }
0x1f6: {  	s28 =	rddreg [dreg:$0xd];
	[sflag:s10] =	ssyncadd.s32 $0xFFFFA000  }
0x1f7: {  	[spmem:s2] =	stream.indirect.scatter.add.f32 [tilespmem:s8], [sflag:$0x3], $0x30, s28, s7, $0xb8;
	[tilespmem:$0x18800] =	vst v63  }
0x1f8: {  	_ =	swait.ge [sflag:s6], $0x6000  }
0x1f9: {  	[sflag:s6] =	ssyncset.done $0x0  }
0x1fa: {  	s29 =	rddreg [dreg:$0xe];
	[sflag:s6] =	ssyncadd.s32 $0xFFFFA000  }
0x1fb: {  	[tilespmem:s9], [sflag:$0x1] =	stream.indirect.gather [hbm4b:s3+s7], $0x30, s29, s7, $0xb8;
	[tilespmem:$0x18800] =	vst v63  }
0x1fc: {  	s30 =	rddreg [dreg:$0xf]  }
0x1fd: {  	[tilespmem:s8], [sflag:$0x2] =	stream.indirect.gather [hbm4b:s3+s7], $0x30, s30, s7, $0xb8;
	[tilespmem:$0x18800] =	vst v63  }
0x1fe: {  	_ =	swait.ge [sflag:s12], $0x6000  }
0x1ff: {  	[sflag:s12] =	ssyncset.done $0x0  }
0x200: {  	s31 =	rddreg [dreg:$0x10];
	[sflag:s12] =	ssyncadd.s32 $0xFFFFA000  }
0x201: {  	[spmem:s2] =	stream.indirect.scatter.add.f32 [tilespmem:s9], [sflag:$0x3], $0x30, s31, s7, $0xb8;
	[tilespmem:$0x18800] =	vst v63  }
0x202: {  	_ =	swait.ge [sflag:s6], $0x6000  }
0x203: {  	[sflag:s6] =	ssyncset.done $0x0  }
0x204: {  	[sflag:s6] =	ssyncadd.s32 $0xFFFFA000  }
0x205: {  	_ =	swait.ge [sflag:s10], $0x6000  }
0x206: {  	[sflag:s10] =	ssyncset.done $0x0  }
0x207: {  	s1 =	rddreg [dreg:$0x11];
	[sflag:s10] =	ssyncadd.s32 $0xFFFFA000  }
0x208: {  	[spmem:s2] =	stream.indirect.scatter.add.f32 [tilespmem:s8], [sflag:$0x3], $0x30, s1, s7, $0xb8;
	[tilespmem:$0x18800] =	vst v63  }
0x209: {  	_ =	swait.ge [sflag:s6], $0x6000  }
0x20a: {  	[sflag:s6] =	ssyncset.done $0x0  }
0x20b: {  	s25 =	rddreg [dreg:$0x12];
	[sflag:s6] =	ssyncadd.s32 $0xFFFFA000  }
0x20c: {  	[tilespmem:s9], [sflag:$0x1] =	stream.indirect.gather [hbm4b:s3+s7], $0x30, s25, s7, $0xb8;
	[tilespmem:$0x18800] =	vst v63  }
0x20d: {  	s26 =	rddreg [dreg:$0x13]  }
0x20e: {  	[tilespmem:s8], [sflag:$0x2] =	stream.indirect.gather [hbm4b:s3+s7], $0x30, s26, s7, $0xb8;
	[tilespmem:$0x18800] =	vst v63  }
0x20f: {  	_ =	swait.ge [sflag:s12], $0x6000  }
0x210: {  	[sflag:s12] =	ssyncset.done $0x0  }
0x211: {  	s28 =	rddreg [dreg:$0x14];
	[sflag:s12] =	ssyncadd.s32 $0xFFFFA000  }
0x212: {  	[spmem:s2] =	stream.indirect.scatter.add.f32 [tilespmem:s9], [sflag:$0x3], $0x30, s28, s7, $0xb8;
	[tilespmem:$0x18800] =	vst v63  }
0x213: {  	_ =	swait.ge [sflag:s6], $0x6000  }
0x214: {  	[sflag:s6] =	ssyncset.done $0x0  }
0x215: {  	[sflag:s6] =	ssyncadd.s32 $0xFFFFA000  }
0x216: {  	_ =	swait.ge [sflag:s10], $0x6000  }
0x217: {  	[sflag:s10] =	ssyncset.done $0x0  }
0x218: {  	s29 =	rddreg [dreg:$0x15];
	[sflag:s10] =	ssyncadd.s32 $0xFFFFA000  }
0x219: {  	[spmem:s2] =	stream.indirect.scatter.add.f32 [tilespmem:s8], [sflag:$0x3], $0x30, s29, s7, $0xb8;
	[tilespmem:$0x18800] =	vst v63  }
0x21a: {  	_ =	swait.ge [sflag:s6], $0x6000  }
0x21b: {  	[sflag:s6] =	ssyncset.done $0x0  }
0x21c: {  	s30 =	rddreg [dreg:$0x16];
	[sflag:s6] =	ssyncadd.s32 $0xFFFFA000  }
0x21d: {  	[tilespmem:s9], [sflag:$0x1] =	stream.indirect.gather [hbm4b:s3+s7], $0x30, s30, s7, $0xb8;
	[tilespmem:$0x18800] =	vst v63  }
0x21e: {  	s31 =	rddreg [dreg:$0x17]  }
0x21f: {  	[tilespmem:s8], [sflag:$0x2] =	stream.indirect.gather [hbm4b:s3+s7], $0x30, s31, s7, $0xb8;
	[tilespmem:$0x18800] =	vst v63  }
0x220: {  	_ =	swait.ge [sflag:s12], $0x6000  }
0x221: {  	[sflag:s12] =	ssyncset.done $0x0  }
0x222: {  	s1 =	rddreg [dreg:$0x18];
	[sflag:s12] =	ssyncadd.s32 $0xFFFFA000  }
0x223: {  	[spmem:s2] =	stream.indirect.scatter.add.f32 [tilespmem:s9], [sflag:$0x3], $0x30, s1, s7, $0xb8;
	[tilespmem:$0x18800] =	vst v63  }
0x224: {  	_ =	swait.ge [sflag:s6], $0x6000  }
0x225: {  	[sflag:s6] =	ssyncset.done $0x0  }
0x226: {  	[sflag:s6] =	ssyncadd.s32 $0xFFFFA000  }
0x227: {  	_ =	swait.ge [sflag:s10], $0x6000  }
0x228: {  	[sflag:s10] =	ssyncset.done $0x0  }
0x229: {  	s25 =	rddreg [dreg:$0x19];
	[sflag:s10] =	ssyncadd.s32 $0xFFFFA000  }
0x22a: {  	[spmem:s2] =	stream.indirect.scatter.add.f32 [tilespmem:s8], [sflag:$0x3], $0x30, s25, s7, $0xb8;
	[tilespmem:$0x18800] =	vst v63  }
0x22b: {  	_ =	swait.ge [sflag:s6], $0x6000  }
0x22c: {  	[sflag:s6] =	ssyncset.done $0x0  }
0x22d: {  	s26 =	rddreg [dreg:$0x1a];
	[sflag:s6] =	ssyncadd.s32 $0xFFFFA000  }
0x22e: {  	[tilespmem:s9], [sflag:$0x1] =	stream.indirect.gather [hbm4b:s3+s7], $0x30, s26, s7, $0xb8;
	[tilespmem:$0x18800] =	vst v63  }
0x22f: {  	s28 =	rddreg [dreg:$0x1b]  }
0x230: {  	[tilespmem:s8], [sflag:$0x2] =	stream.indirect.gather [hbm4b:s3+s7], $0x30, s28, s7, $0xb8;
	[tilespmem:$0x18800] =	vst v63  }
0x231: {  	_ =	swait.ge [sflag:s12], $0x6000  }
0x232: {  	[sflag:s12] =	ssyncset.done $0x0  }
0x233: {  	s29 =	rddreg [dreg:$0x1c];
	[sflag:s12] =	ssyncadd.s32 $0xFFFFA000  }
0x234: {  	[spmem:s2] =	stream.indirect.scatter.add.f32 [tilespmem:s9], [sflag:$0x3], $0x30, s29, s7, $0xb8;
	[tilespmem:$0x18800] =	vst v63  }
0x235: {  	_ =	swait.ge [sflag:s6], $0x6000  }
0x236: {  	[sflag:s6] =	ssyncset.done $0x0  }
0x237: {  	[sflag:s6] =	ssyncadd.s32 $0xFFFFA000  }
0x238: {  	_ =	swait.ge [sflag:s10], $0x6000  }
0x239: {  	[sflag:s10] =	ssyncset.done $0x0  }
0x23a: {  	s30 =	rddreg [dreg:$0x1d];
	[sflag:s10] =	ssyncadd.s32 $0xFFFFA000  }
0x23b: {  	[spmem:s2] =	stream.indirect.scatter.add.f32 [tilespmem:s8], [sflag:$0x3], $0x30, s30, s7, $0xb8;
	[tilespmem:$0x18800] =	vst v63  }
0x23c: {  	_ =	swait.ge [sflag:s6], $0x6000  }
0x23d: {  	[sflag:s6] =	ssyncset.done $0x0  }
0x23e: {  	[sflag:s6] =	ssyncadd.s32 $0xFFFFA000  }
0x23f: {  	[tilespmem:s9], [sflag:$0x1] =	stream.indirect.gather [hbm4b:s3+s7], $0x30, s23, s7, $0xb8;
	[tilespmem:$0x18800] =	vst v63  }
0x240: {  	_ = 	snop  }
0x241: {  	[tilespmem:s8], [sflag:$0x2] =	stream.indirect.gather [hbm4b:s3+s7], $0x30, s24, s7, $0xb8;
	[tilespmem:$0x18800] =	vst v63  }
0x242: {  	_ =	swait.ge [sflag:s12], $0x6000  }
0x243: {  	[sflag:s12] =	ssyncset.done $0x0  }
0x244: {  	[sflag:s12] =	ssyncadd.s32 $0xFFFFA000  }
0x245: {  	[spmem:s2] =	stream.indirect.scatter.add.f32 [tilespmem:s9], [sflag:$0x3], $0x30, s22, s7, $0xb8;
	[tilespmem:$0x18800] =	vst v63  }
0x246: {  	_ =	swait.ge [sflag:s6], $0x6000  }
0x247: {  	[sflag:s6] =	ssyncset.done $0x0  }
0x248: {  	[sflag:s6] =	ssyncadd.s32 $0xFFFFA000  }
0x249: {  	_ =	swait.ge [sflag:s10], $0x6000  }
0x24a: {  	[sflag:s10] =	ssyncset.done $0x0  }
0x24b: {  	[sflag:s10] =	ssyncadd.s32 $0xFFFFA000  }
0x24c: {  	[spmem:s2] =	stream.indirect.scatter.add.f32 [tilespmem:s8], [sflag:$0x3], $0x30, s21, s7, $0xb8;
	[tilespmem:$0x18800] =	vst v63  }
0x24d: {  	_ =	swait.ge [sflag:s6], $0x6000  }
0x24e: {  	[sflag:s6] =	ssyncset.done $0x0  }
0x24f: {  	[sflag:s6] =	ssyncadd.s32 $0xFFFFA000  }
0x250: {  	[tilespmem:s9], [sflag:$0x1] =	stream.indirect.gather [hbm4b:s3+s7], $0x30, s18, s7, $0xb8;
	[tilespmem:$0x18800] =	vst v63  }
0x251: {  	_ = 	snop  }
0x252: {  	[tilespmem:s8], [sflag:$0x2] =	stream.indirect.gather [hbm4b:s3+s7], $0x30, s19, s7, $0xb8;
	[tilespmem:$0x18800] =	vst v63  }
0x253: {  	_ =	swait.ge [sflag:s12], $0x6000  }
0x254: {  	[sflag:s12] =	ssyncset.done $0x0  }
0x255: {  	[sflag:s12] =	ssyncadd.s32 $0xFFFFA000  }
0x256: {  	[spmem:s2] =	stream.indirect.scatter.add.f32 [tilespmem:s9], [sflag:$0x3], $0x30, s20, s7, $0xb8;
	[tilespmem:$0x18800] =	vst v63  }
0x257: {  	_ =	swait.ge [sflag:s6], $0x6000  }
0x258: {  	[sflag:s6] =	ssyncset.done $0x0  }
0x259: {  	[sflag:s6] =	ssyncadd.s32 $0xFFFFA000  }
0x25a: {  	_ =	swait.ge [sflag:s10], $0x6000  }
0x25b: {  	[sflag:s10] =	ssyncset.done $0x0  }
0x25c: {  	[sflag:s10] =	ssyncadd.s32 $0xFFFFA000  }
0x25d: {  	[spmem:s2] =	stream.indirect.scatter.add.f32 [tilespmem:s8], [sflag:$0x3], $0x30, s17, s7, $0xb8;
	[tilespmem:$0x18800] =	vst v63  }
0x25e: {  	_ =	swait.ge [sflag:s6], $0x6000  }
0x25f: {  	[sflag:s6] =	ssyncset.done $0x0  }
0x260: {  	[sflag:s6] =	ssyncadd.s32 $0xFFFFA000  }
0x261: {  	[tilespmem:s9], [sflag:$0x1] =	stream.indirect.gather [hbm4b:s3+s7], $0x30, s15, s7, $0xb8;
	[tilespmem:$0x18800] =	vst v63  }
0x262: {  	_ = 	snop  }
0x263: {  	[tilespmem:s8], [sflag:$0x2] =	stream.indirect.gather [hbm4b:s3+s7], $0x30, s16, s7, $0xb8;
	[tilespmem:$0x18800] =	vst v63  }
0x264: {  	_ =	swait.ge [sflag:s12], $0x6000  }
0x265: {  	[sflag:s12] =	ssyncset.done $0x0  }
0x266: {  	[sflag:s12] =	ssyncadd.s32 $0xFFFFA000  }
0x267: {  	[spmem:s2] =	stream.indirect.scatter.add.f32 [tilespmem:s9], [sflag:$0x3], $0x30, s14, s7, $0xb8;
	[tilespmem:$0x18800] =	vst v63  }
0x268: {  	_ =	swait.ge [sflag:s6], $0x6000  }
0x269: {  	[sflag:s6] =	ssyncset.done $0x0  }
0x26a: {  	[sflag:s6] =	ssyncadd.s32 $0xFFFFA000  }
0x26b: {  	_ =	swait.ge [sflag:s10], $0x6000  }
0x26c: {  	[sflag:s10] =	ssyncset.done $0x0  }
0x26d: {  	[sflag:s10] =	ssyncadd.s32 $0xFFFFA000  }
0x26e: {  	[spmem:s2] =	stream.indirect.scatter.add.f32 [tilespmem:s8], [sflag:$0x3], $0x30, s13, s7, $0xb8;
	[tilespmem:$0x18800] =	vst v63  }
0x26f: {  	_ =	swait.ge [sflag:s6], $0x6000  }
0x270: {  	[sflag:s6] =	ssyncset.done $0x0  }
0x271: {  	[sflag:s6] =	ssyncadd.s32 $0xFFFFA000  }
0x272: {  	[bflag:$0x0] =	sbarrier.arrive $0xFFFF  }
0x273: {  	[hbm:s11], [sflag:s4] =	dma.local [spmem:s5], $0xF00  }
0x274: {  	_ =	swait.ge [sflag:s6], $0xF00  }
0x275: {  	[sflag:s6] =	ssyncset.done $0x0  }
0x276: {  	[sflag:s6] =	ssyncadd.s32 $0xFFFFF100  }
0x277: {  	_ =	sfence.sel $0x180000  }
0x278: {  	[bflag:$0x0] =	sbarrier.arrive $0xFFFF  }
0x279: {  	_ =	strace $0x9000004D  }
0x27a: {  	s31 =	stileid.u32;
	[bflag:$0x2] =	sbarrier.arrive $0xFFFF  }
0x27b: {  	p0 =	sne.s32 s31, $0x0;
	s0 =	rddreg [dreg:$0x3]  }
0x27c: {  	s0 =	sadd.s32 @!p0 $0x100000, s0  }
0x27d: {  	[sflag:s0] =	ssyncadd.tile.s32 @!p0 $0x1;
	_ =	shalt  }
.Lfunc_end2:
_tile_overlayer_lowered:
.L_overlay_start_2:
0x27e: {  	(tag) =	ssettag $0x2  }
0x27f: {  	s0 =	rddreg [dreg:$0x0];
	s2 =	stileid.u32  }
0x280: {  	s1 =	rddreg [dreg:$0x1];
	p0 =	sne.s32 s2, $0x0  }
0x281: {  	s3 =	rddreg [dreg:$0x2];
	[bflag:$0x3] =	sbarrier.arrive $0xFFFF;
	s2 =	simm.s32 @!p0 $0x1C03  }
0x282: {  	[timem:s3], [sflag:s2] =	dma.local @!p0 [hbm:s0], s1  }
0x283: {  	s0 =	simm.s32 @!p0 $0x3  }
0x284: {  	_ =	swait.ge @!p0 [sflag:s0], s1  }
0x285: {  	s1 =	ssub.s32 @!p0 $0x0, s1;
	[sflag:s0] =	ssyncset.done @!p0 $0x0  }
0x286: {  	[sflag:s0] =	ssyncadd.s32 @!p0 s1  }
0x287: {  	[bflag:$0x3] =	sbarrier.arrive $0xFFFF  }
0x288: {  	_ =	shalt  }

// kernel: _run.8.cloned.1.call-start
scs
__scs_entry_jumppad:
0x0: {  	(pc) =	sbr.rel $0x88, $3  }
0x1: {  	(tag) =	ssettag $0x0;
	lr =	simm.s32 $0x1  }
0x2: {  	[smem:$0x3F99] =	sst lr;
	_ =	strace $0xD0000000  }
0x3: {  	_ = 	snop  }
0x4: {  	_ = 	snop  }
0x5: {  	_ = 	snop  }
0x6: {  	_ = 	snop  }
0x7: {  	_ = 	snop  }
__scs_overlays_trampoline_lowered:
0x8: {  	[smem:$0x3FA8] =	sst s0  }
0x9: {  	[smem:$0x3FA9] =	sst s1  }
0xa: {  	[smem:$0x3FAA] =	sst s2  }
0xb: {  	[smem:$0x3FAB] =	sst s3  }
0xc: {  	[smem:$0x3FAC] =	sst s4  }
0xd: {  	[smem:$0x3FAD] =	sst s5  }
0xe: {  	[smem:$0x3FAE] =	sst s6  }
0xf: {  	[smem:$0x3FAF] =	sst s7  }
0x10: {  	[smem:$0x3FB0] =	sst s8  }
0x11: {  	[smem:$0x3FB1] =	sst s9;
	s0 =	simm.s32 @!p0 $0x0  }
0x12: {  	s1 =	sld [smem:$0x3F97];
	s0 =	simm.s32 @p0 $0x1  }
0x13: {  	[smem:$0x3FB2] =	sst s0;
	s0 =	simm.s32 @!p1 $0x0  }
0x14: {  	s2 =	sld [smem:$0x3F96];
	s0 =	simm.s32 @p1 $0x1  }
0x15: {  	[smem:$0x3FB3] =	sst s0;
	s0 =	simm.s32 @!p2 $0x0  }
0x16: {  	s3 =	sld [smem:$0x3FDB];
	s0 =	simm.s32 @p2 $0x1  }
0x17: {  	s4 =	simm.s32 $0x1BF5;
	[smem:$0x3FB5] =	sst s0  }
0x18: {  	s0 =	sld [smem:$0x3F98];
	_ =	swait.ge [sflag:s4], $0x0  }
0x19: {  	s7 =	sld [smem:$0x3F99]  }
0x1a: {  	s8 =	sadd.s32 $0xFFFFE003, lr  }
0x1b: {  	s9 =	sadd.s32 $0xFFFFFEF7, lr;
	s5 =	simm.s32 $0xFFFFFFFF;
	p2 =	slt.u32 s8, $0xFFFFF086  }
0x1c: {  	p1 =	slt.u32 s9, $0xF7A;
	s5 =	simm.s32 @!p2 $0x0  }
0x1d: {  	s5 =	simm.s32 @p1 $0x1;
	p0 =	seq.s32 s7, s2  }
0x1e: {  	s7 =	smul.u32 @!p0 $0xF7A, s2;
	p2 =	seq.s32 @!p0 s5, $0x0  }
0x1f: {  	s9 =	smul.u32 $0xF7A, s1;
	s8 =	simm.s32 @!p0 $0x1BF5;
	p2 =	por !p2, p0  }
0x20: {  	[sflag:s8] =	ssyncset.s32 @!p0 $0xFFFFF086;
	s6 =	sadd.s32 @!p0 s3, s7;
	s7 =	simm.s32 @!p0 $0x108  }
0x21: {  	s3 =	sadd.s32 s3, s9;
	s6 =	sadd.s32 @!p0 $0x88, s6;
	s7 =	simm.s32 @p2 $0x1082  }
0x22: {  	[simem:s7], [sflag:s8] =	dma.local @!p0 [hbm:s6], $0xF7A  }
0x23: {  	s9 =	sor.u32 $0xD0000000, s2;
	s6 =	simm.s32 $0x108;
	_ =	swait.ge @!p0 [sflag:s8], $0x0  }
0x24: {  	s3 =	sadd.s32 $0x88, s3;
	s6 =	simm.s32 @!p1 $0x1082;
	[sflag:s4] =	ssyncset.s32 $0xFFFFF086  }
0x25: {  	[simem:s6], [sflag:s4] =	dma.local [hbm:s3], $0xF7A  }
0x26: {  	[smem:$0x3F99] =	sst s1;
	(tag) =	ssettag s2;
	_ =	strace s9  }
0x27: {  	s1 =	sld [smem:$0x3FA9]  }
0x28: {  	s2 =	sld [smem:$0x3FAA]  }
0x29: {  	s4 =	sld [smem:$0x3FAC]  }
0x2a: {  	p0 =	seq.s32 s5, $0x0;
	s5 =	sld [smem:$0x3FAD]  }
0x2b: {  	s6 =	sld [smem:$0x3FAE]  }
0x2c: {  	s7 =	sld [smem:$0x3FAF]  }
0x2d: {  	s3 =	simm.s32 $0x108;
	s8 =	sld [smem:$0x3FB0]  }
0x2e: {  	s3 =	simm.s32 @!p0 $0x1082;
	s9 =	sld [smem:$0x3FB1]  }
0x2f: {  	lr =	sadd.s32 s0, s3;
	s0 =	sld [smem:$0x3FA8]  }
0x30: {  	s3 =	sld [smem:$0x3FAB]  }
0x31: {  	[smem:$0x3FB4] =	sst s10  }
0x32: {  	s10 =	sld [smem:$0x3FB2];
	_ =	sdelay $0x3  }
0x33: {  	p0 =	seq.s32 s10, $0x1;
	s10 =	sld [smem:$0x3FB4];
	_ =	sdelay $0x3  }
0x34: {  	[smem:$0x3FB4] =	sst s10  }
0x35: {  	s10 =	sld [smem:$0x3FB3];
	_ =	sdelay $0x3  }
0x36: {  	p1 =	seq.s32 s10, $0x1;
	s10 =	sld [smem:$0x3FB4];
	_ =	sdelay $0x3  }
0x37: {  	[smem:$0x3FB4] =	sst s10  }
0x38: {  	s10 =	sld [smem:$0x3FB5]  }
0x39: {  	_ = 	snop;
	(pc) =	sbr.ind lr, $3  }
0x3a: {  	_ = 	snop  }
0x3b: {  	_ = 	snop  }
0x3c: {  	p2 =	seq.s32 s10, $0x1;
	s10 =	sld [smem:$0x3FB4]  }
0x3d: {  	_ =	shalt  }
0x3e: {  	_ =	shalt  }
0x3f: {  	_ =	shalt  }
0x40: {  	_ =	shalt  }
0x41: {  	_ =	shalt  }
0x42: {  	_ =	shalt  }
0x43: {  	_ =	shalt  }
0x44: {  	_ =	shalt  }
0x45: {  	_ =	shalt  }
0x46: {  	_ =	shalt  }
0x47: {  	_ =	shalt  }
0x48: {  	_ =	shalt  }
0x49: {  	_ =	shalt  }
0x4a: {  	_ =	shalt  }
0x4b: {  	_ =	shalt  }
0x4c: {  	_ =	shalt  }
0x4d: {  	_ =	shalt  }
0x4e: {  	_ =	shalt  }
0x4f: {  	_ =	shalt  }
0x50: {  	_ =	shalt  }
0x51: {  	_ =	shalt  }
0x52: {  	_ =	shalt  }
0x53: {  	_ =	shalt  }
0x54: {  	_ =	shalt  }
0x55: {  	_ =	shalt  }
0x56: {  	_ =	shalt  }
0x57: {  	_ =	shalt  }
0x58: {  	_ =	shalt  }
0x59: {  	_ =	shalt  }
0x5a: {  	_ =	shalt  }
0x5b: {  	_ =	shalt  }
0x5c: {  	_ =	shalt  }
0x5d: {  	_ =	shalt  }
0x5e: {  	_ =	shalt  }
0x5f: {  	_ =	shalt  }
0x60: {  	_ =	shalt  }
0x61: {  	_ =	shalt  }
0x62: {  	_ =	shalt  }
0x63: {  	_ =	shalt  }
0x64: {  	_ =	shalt  }
0x65: {  	_ =	shalt  }
0x66: {  	_ =	shalt  }
0x67: {  	_ =	shalt  }
0x68: {  	_ =	shalt  }
0x69: {  	_ =	shalt  }
0x6a: {  	_ =	shalt  }
0x6b: {  	_ =	shalt  }
0x6c: {  	_ =	shalt  }
0x6d: {  	_ =	shalt  }
0x6e: {  	_ =	shalt  }
0x6f: {  	_ =	shalt  }
0x70: {  	_ =	shalt  }
0x71: {  	_ =	shalt  }
0x72: {  	_ =	shalt  }
0x73: {  	_ =	shalt  }
0x74: {  	_ =	shalt  }
0x75: {  	_ =	shalt  }
0x76: {  	_ =	shalt  }
0x77: {  	_ =	shalt  }
0x78: {  	_ =	shalt  }
0x79: {  	_ =	shalt  }
0x7a: {  	_ =	shalt  }
0x7b: {  	_ =	shalt  }
0x7c: {  	_ =	shalt  }
0x7d: {  	_ =	shalt  }
0x7e: {  	_ =	shalt  }
0x7f: {  	_ =	shalt  }
0x80: {  	_ =	shalt  }
0x81: {  	_ =	shalt  }
0x82: {  	_ =	shalt  }
0x83: {  	_ =	shalt  }
0x84: {  	_ =	shalt  }
0x85: {  	_ =	shalt  }
0x86: {  	_ =	shalt  }
0x87: {  	_ =	shalt  }
.Lfunc_end0:
.L_simem_size_0:
called_computation_lowered:
.L_overlay_start_0:
0x88: {  	s2 =	sld [smem:$0x3FD9]  }
0x89: {  	s3 =	sld [smem:$0x3FFE];
	_ =	sdelay $0x1  }
0x8a: {  	s1 =	srdreg.scid  }
0x8b: {  	s0 =	sand.u32 $0x1, s1  }
0x8c: {  	s16 =	sshll.u32 s0, $0xA;
	s2 =	sadd.s32 s3, s2  }
0x8d: {  	s2 =	sadd.s32 s2, s16  }
0x8e: {  	[smem:$0x3FC0] =	sst s2  }
0x8f: {  	_ = 	snop  }
0x90: {  	(tm) =	ssettm $0x1  }
0x91: {  	s17 =	sld [smem:$0x3FFB];
	_ =	sdelay $0x3  }
0x92: {  	_ =	strace s17  }
0x93: {  	s2 =	sld [smem:$0x3FFC];
	_ =	sdelay $0x3  }
0x94: {  	_ =	strace s2  }
0x95: {  	s2 =	sld [smem:$0x3FFD];
	_ =	sdelay $0x3  }
0x96: {  	_ =	strace s2  }
0x97: {  	_ =	strace $0x8FFFFFFF  }
0x98: {  	s18 =	sld [smem:$0x3FDB];
	_ =	sdelay $0x1  }
0x99: {  	s19 =	simm.s32 $_scs_section_size  }
0x9a: {  	s4 =	simm.s32 $_size__tile_overlayer_lowered;
	s5 =	simm.s32 $_tile_overlayer_lowered  }
0x9b: {  	s22 =	simm.s32 $0x1BFF;
	s21 =	sshll.u32 s5, $0x1;
	s2 =	sadd.s32 s19, s18  }
0x9c: {  	s6 =	simm.s32 $0x0;
	s20 =	sshll.u32 s4, $0x1;
	s4 =	sadd.s32 s21, s2  }
0x9d: {  	[timem:s6], [sflag:s22] =	dma.local [hbm:s4], s20  }
0x9e: {  	_ =	swait.ge [sflag:s22], s20  }
0x9f: {  	s3 =	ssub.s32 $0x0, s20;
	[sflag:s22] =	ssyncset.done $0x0  }
0xa0: {  	[sflag:s22] =	ssyncadd.s32 s3;
	_ =	sdelay $0x1  }
0xa1: {  	s23 =	simm.s32 $0x1B8B  }
0xa2: {  	_ =	swait.ge [sflag:s23], $0x1  }
0xa3: {  	[sflag:s23] =	ssyncset.done $0x0  }
0xa4: {  	s25 =	simm.s32 $0x1B8E;
	s24 =	sld [smem:$0x3FFE];
	[sflag:s23] =	ssyncadd.s32 $0xFFFFFFFF  }
0xa5: {  	s26 =	simm.s32 $execute0_lowered;
	[smem:$0x3FD2] =	sst s25  }
0xa6: {  	s4 =	sshll.u32 s26, $0x1;
	_ =	strace $0x80000046;
	[dreg:$0x1] =	wrdreg $0xFFFFFFFF  }
0xa7: {  	s28 =	simm.s32 $_size_execute0_lowered;
	s2 =	sadd.s32 s2, s4;
	[dreg:$0x0] =	wrdreg $0x0  }
0xa8: {  	s4 =	sshll.u32 s28, $0x1;
	[dreg:$0x2] =	wrdreg s2  }
0xa9: {  	[dreg:$0x3] =	wrdreg s4  }
0xaa: {  	[dreg:$0x4] =	wrdreg $0xC0  }
0xab: {  	_ =	task [dreg:s6], $0x5FFFF  }
0xac: {  	[dreg:$0x1] =	wrdreg $0xFFFFFFFF  }
0xad: {  	[dreg:$0x0] =	wrdreg $0x60  }
0xae: {  	[dreg:$0x2] =	wrdreg s24  }
0xaf: {  	[dreg:$0x3] =	wrdreg $0x48000  }
0xb0: {  	[dreg:$0x4] =	wrdreg $0x9  }
0xb1: {  	_ =	task.clear_ibuf [dreg:s6], $0x5FFFF;
	_ =	strace $0x90000046  }
0xb2: {  	s29 =	simm.s32 $0x9;
	_ =	strace $0x80000048  }
0xb3: {  	_ =	swait.ge [sflag:s29], $0x1  }
0xb4: {  	[sflag:s29] =	ssyncadd.s32 $0xFFFFFFFF  }
0xb5: {  	_ =	strace $0x90000048  }
0xb6: {  	_ =	sfence  }
0xb7: {  	s30 =	sld [smem:$0x0];
	_ =	sdelay $0x2  }
0xb8: {  	s31 =	sshll.u32 s1, $0xD;
	s1 =	sshrl.u32 s1, $0x2  }
0xb9: {  	s3 =	sand.u32 $0x4000, s31;
	s1 =	sadd.s32 s1, s30  }
0xba: {  	s0 =	sor.u32 s3, s0;
	s1 =	sshll.u32 s1, $0x11  }
0xbb: {  	s0 =	sor.u32 s1, s0  }
0xbc: {  	s0 =	sadd.s32 $0x8F2B, s0  }
0xbd: {  	[sflag:s0] =	ssyncadd.remote.s32 $0x1  }
0xbe: {  	_ =	sfence.sel $0xFFFF  }
0xbf: {  	[dreg:$0x0] =	wrdreg $0xFFFFFFFF;
	(pc) =	sbr.abs _section_cstart, $3  }
0xc0: {  	[dreg:$0x1] =	wrdreg $0xFFFFFFFF  }
0xc1: {  	_ =	task.clear_ibuf [dreg:s6], $0x2FFFF;
	_ =	strace $0x9FFFFFFF  }
0xc2: {  	(tm) =	ssettm $0x7FFFFFFF  }
0xc3: {  	_ =	shalt  }
tec
execute0_lowered:
.L_overlay_start_1:
0x0: {  	(tag) =	ssettag $0x1  }
0x1: {  	s30 =	rddreg [dreg:$0x0]  }
0x2: {  	s2 =	rddreg [dreg:$0x1];
	s3 =	simm.s32 $0x0;
	s0 =	srdreg.scid  }
0x3: {  	s1 =	stileid.u32;
	[smem:$0x7FF] =	sst s3;
	s0 =	sand.u32 $0x1, s0  }
0x4: {  	s4 =	smul.u32 $0x2800, s1;
	s6 =	sadd.s32 $0x10800, s30;
	s26 =	sshll.u32 s1, $0x6  }
0x5: {  	_ =	strace $0x80000047;
	s5 =	sshll.u32 s0, $0x4;
	[dreg:$0x3] =	wrdreg s6  }
0x6: {  	s6 =	simm.s32 $0x1;
	s5 =	sor.u32 s1, s5;
	s31 =	sshrl.u32 s4, $0x3  }
0x7: {  	s25 =	sadd.s32 s4, s2;
	s8 =	smul.u32 $0x500, s5;
	s24 =	sadd.s32 s31, s30  }
0x8: {  	s5 =	sor.u32 $0x1C01, s26;
	s7 =	sshrl.u32 s25, $0x3;
	s4 =	sadd.s32 $0xB800, s24  }
0x9: {  	[spmem:s7], [sflag:s5] =	dma.local [hbm:s4], $0x500  }
0xa: {  	_ =	swait.ge [sflag:s6], $0x500  }
0xb: {  	s8 =	sadd.s32 s8, s30;
	[sflag:s6] =	ssyncset.done $0x0  }
0xc: {  	s8 =	sadd.s32 $0x1800, s8;
	[sflag:s6] =	ssyncadd.s32 $0xFFFFFB00  }
0xd: {  	[tilespmem:s3], [sflag:$0x1] =	stream.linear.gather [hbm4b:s8+s3], $0x2800, $0x38;
	[tilespmem:$0x7000] =	vst v63  }
0xe: {  	_ =	swait.ge [sflag:s6], $0x2800  }
0xf: {  	[sflag:s6] =	ssyncset.done $0x0  }
0x10: {  	s9 =	simm.s32 $0x2800;
	s10 =	rddreg [dreg:$0x3];
	[sflag:s6] =	ssyncadd.s32 $0xFFFFD800  }
0x11: {  	[tilespmem:s9], [sflag:$0x1] =	stream.linear.gather [hbm4b:s10+s3], $0x2000, $0x38;
	[tilespmem:$0x7000] =	vst v63  }
0x12: {  	_ =	swait.ge [sflag:s6], $0x2000  }
0x13: {  	[sflag:s6] =	ssyncset.done $0x0  }
0x14: {  	[sflag:s6] =	ssyncadd.s32 $0xFFFFE000  }
0x15: {  	s10 =	simm.s32 $0x200;
	[bflag:$0x0] =	sbarrier.arrive $0xFFFF  }
0x16: {  	[spmem:s2] =	stream.indirect.scatter.add.f32 [tilespmem:s9], [sflag:$0x1], $0x10, s3, s10, $0xb8;
	[tilespmem:$0x7000] =	vst v63  }
0x17: {  	_ =	swait.ge [sflag:s6], $0x2000  }
0x18: {  	[sflag:s6] =	ssyncset.done $0x0  }
0x19: {  	[sflag:s6] =	ssyncadd.s32 $0xFFFFE000  }
0x1a: {  	[spmem:s2] =	stream.indirect.scatter.add.f32 [tilespmem:s9], [sflag:$0x1], $0x10, s10, s10, $0xb8;
	[tilespmem:$0x7000] =	vst v63  }
0x1b: {  	_ =	swait.ge [sflag:s6], $0x2000  }
0x1c: {  	[sflag:s6] =	ssyncset.done $0x0  }
0x1d: {  	s11 =	simm.s32 $0x400;
	[sflag:s6] =	ssyncadd.s32 $0xFFFFE000  }
0x1e: {  	[spmem:s2] =	stream.indirect.scatter.add.f32 [tilespmem:s9], [sflag:$0x1], $0x10, s11, s10, $0xb8;
	[tilespmem:$0x7000] =	vst v63  }
0x1f: {  	_ =	swait.ge [sflag:s6], $0x2000  }
0x20: {  	[sflag:s6] =	ssyncset.done $0x0  }
0x21: {  	s12 =	simm.s32 $0x600;
	[sflag:s6] =	ssyncadd.s32 $0xFFFFE000  }
0x22: {  	[spmem:s2] =	stream.indirect.scatter.add.f32 [tilespmem:s9], [sflag:$0x1], $0x10, s12, s10, $0xb8;
	[tilespmem:$0x7000] =	vst v63  }
0x23: {  	_ =	swait.ge [sflag:s6], $0x2000  }
0x24: {  	[sflag:s6] =	ssyncset.done $0x0  }
0x25: {  	s13 =	simm.s32 $0x800;
	[sflag:s6] =	ssyncadd.s32 $0xFFFFE000  }
0x26: {  	[spmem:s2] =	stream.indirect.scatter.add.f32 [tilespmem:s9], [sflag:$0x1], $0x10, s13, s10, $0xb8;
	[tilespmem:$0x7000] =	vst v63  }
0x27: {  	_ =	swait.ge [sflag:s6], $0x2000  }
0x28: {  	[sflag:s6] =	ssyncset.done $0x0  }
0x29: {  	s14 =	simm.s32 $0xA00;
	[sflag:s6] =	ssyncadd.s32 $0xFFFFE000  }
0x2a: {  	[spmem:s2] =	stream.indirect.scatter.add.f32 [tilespmem:s9], [sflag:$0x1], $0x10, s14, s10, $0xb8;
	[tilespmem:$0x7000] =	vst v63  }
0x2b: {  	_ =	swait.ge [sflag:s6], $0x2000  }
0x2c: {  	[sflag:s6] =	ssyncset.done $0x0  }
0x2d: {  	s15 =	simm.s32 $0xC00;
	[sflag:s6] =	ssyncadd.s32 $0xFFFFE000  }
0x2e: {  	[spmem:s2] =	stream.indirect.scatter.add.f32 [tilespmem:s9], [sflag:$0x1], $0x10, s15, s10, $0xb8;
	[tilespmem:$0x7000] =	vst v63  }
0x2f: {  	_ =	swait.ge [sflag:s6], $0x2000  }
0x30: {  	[sflag:s6] =	ssyncset.done $0x0  }
0x31: {  	s16 =	simm.s32 $0xE00;
	[sflag:s6] =	ssyncadd.s32 $0xFFFFE000  }
0x32: {  	[spmem:s2] =	stream.indirect.scatter.add.f32 [tilespmem:s9], [sflag:$0x1], $0x10, s16, s10, $0xb8;
	[tilespmem:$0x7000] =	vst v63  }
0x33: {  	_ =	swait.ge [sflag:s6], $0x2000  }
0x34: {  	[sflag:s6] =	ssyncset.done $0x0  }
0x35: {  	s17 =	simm.s32 $0x1000;
	[sflag:s6] =	ssyncadd.s32 $0xFFFFE000  }
0x36: {  	[spmem:s2] =	stream.indirect.scatter.add.f32 [tilespmem:s9], [sflag:$0x1], $0x10, s17, s10, $0xb8;
	[tilespmem:$0x7000] =	vst v63  }
0x37: {  	_ =	swait.ge [sflag:s6], $0x2000  }
0x38: {  	[sflag:s6] =	ssyncset.done $0x0  }
0x39: {  	s18 =	simm.s32 $0x1200;
	[sflag:s6] =	ssyncadd.s32 $0xFFFFE000  }
0x3a: {  	[spmem:s2] =	stream.indirect.scatter.add.f32 [tilespmem:s9], [sflag:$0x1], $0x10, s18, s10, $0xb8;
	[tilespmem:$0x7000] =	vst v63  }
0x3b: {  	_ =	swait.ge [sflag:s6], $0x2000  }
0x3c: {  	[sflag:s6] =	ssyncset.done $0x0  }
0x3d: {  	s19 =	simm.s32 $0x1400;
	[sflag:s6] =	ssyncadd.s32 $0xFFFFE000  }
0x3e: {  	[spmem:s2] =	stream.indirect.scatter.add.f32 [tilespmem:s9], [sflag:$0x1], $0x10, s19, s10, $0xb8;
	[tilespmem:$0x7000] =	vst v63  }
0x3f: {  	_ =	swait.ge [sflag:s6], $0x2000  }
0x40: {  	[sflag:s6] =	ssyncset.done $0x0  }
0x41: {  	s20 =	simm.s32 $0x1600;
	[sflag:s6] =	ssyncadd.s32 $0xFFFFE000  }
0x42: {  	[spmem:s2] =	stream.indirect.scatter.add.f32 [tilespmem:s9], [sflag:$0x1], $0x10, s20, s10, $0xb8;
	[tilespmem:$0x7000] =	vst v63  }
0x43: {  	_ =	swait.ge [sflag:s6], $0x2000  }
0x44: {  	[sflag:s6] =	ssyncset.done $0x0  }
0x45: {  	s21 =	simm.s32 $0x1800;
	[sflag:s6] =	ssyncadd.s32 $0xFFFFE000  }
0x46: {  	[spmem:s2] =	stream.indirect.scatter.add.f32 [tilespmem:s9], [sflag:$0x1], $0x10, s21, s10, $0xb8;
	[tilespmem:$0x7000] =	vst v63  }
0x47: {  	_ =	swait.ge [sflag:s6], $0x2000  }
0x48: {  	[sflag:s6] =	ssyncset.done $0x0  }
0x49: {  	s22 =	simm.s32 $0x1A00;
	[sflag:s6] =	ssyncadd.s32 $0xFFFFE000  }
0x4a: {  	[spmem:s2] =	stream.indirect.scatter.add.f32 [tilespmem:s9], [sflag:$0x1], $0x10, s22, s10, $0xb8;
	[tilespmem:$0x7000] =	vst v63  }
0x4b: {  	_ =	swait.ge [sflag:s6], $0x2000  }
0x4c: {  	[sflag:s6] =	ssyncset.done $0x0  }
0x4d: {  	s23 =	simm.s32 $0x1C00;
	[sflag:s6] =	ssyncadd.s32 $0xFFFFE000  }
0x4e: {  	[spmem:s2] =	stream.indirect.scatter.add.f32 [tilespmem:s9], [sflag:$0x1], $0x10, s23, s10, $0xb8;
	[tilespmem:$0x7000] =	vst v63  }
0x4f: {  	_ =	swait.ge [sflag:s6], $0x2000  }
0x50: {  	[sflag:s6] =	ssyncset.done $0x0  }
0x51: {  	s24 =	simm.s32 $0x1E00;
	[sflag:s6] =	ssyncadd.s32 $0xFFFFE000  }
0x52: {  	[spmem:s2] =	stream.indirect.scatter.add.f32 [tilespmem:s9], [sflag:$0x1], $0x10, s24, s10, $0xb8;
	[tilespmem:$0x7000] =	vst v63  }
0x53: {  	_ =	swait.ge [sflag:s6], $0x2000  }
0x54: {  	[sflag:s6] =	ssyncset.done $0x0  }
0x55: {  	s25 =	simm.s32 $0x2000;
	[sflag:s6] =	ssyncadd.s32 $0xFFFFE000  }
0x56: {  	[spmem:s2] =	stream.indirect.scatter.add.f32 [tilespmem:s9], [sflag:$0x1], $0x10, s25, s10, $0xb8;
	[tilespmem:$0x7000] =	vst v63  }
0x57: {  	_ =	swait.ge [sflag:s6], $0x2000  }
0x58: {  	[sflag:s6] =	ssyncset.done $0x0  }
0x59: {  	s26 =	simm.s32 $0x2200;
	[sflag:s6] =	ssyncadd.s32 $0xFFFFE000  }
0x5a: {  	[spmem:s2] =	stream.indirect.scatter.add.f32 [tilespmem:s9], [sflag:$0x1], $0x10, s26, s10, $0xb8;
	[tilespmem:$0x7000] =	vst v63  }
0x5b: {  	_ =	swait.ge [sflag:s6], $0x2000  }
0x5c: {  	[sflag:s6] =	ssyncset.done $0x0  }
0x5d: {  	s28 =	simm.s32 $0x2400;
	s1 =	smul.u32 $0x5000, s0;
	[sflag:s6] =	ssyncadd.s32 $0xFFFFE000  }
0x5e: {  	[spmem:s2] =	stream.indirect.scatter.add.f32 [tilespmem:s9], [sflag:$0x1], $0x10, s28, s10, $0xb8;
	[tilespmem:$0x7000] =	vst v63  }
0x5f: {  	s0 =	ssub.s32 $0x2, s0;
	_ =	swait.ge [sflag:s6], $0x2000  }
0x60: {  	s1 =	sadd.s32 s1, s30;
	s30 =	sshrl.u32 s0, $0x1;
	[sflag:s6] =	ssyncset.done $0x0  }
0x61: {  	s29 =	simm.s32 $0x2600;
	s0 =	ssub.s32 s0, s30;
	[sflag:s6] =	ssyncadd.s32 $0xFFFFE000  }
0x62: {  	[spmem:s2] =	stream.indirect.scatter.add.f32 [tilespmem:s9], [sflag:$0x1], $0x10, s29, s10, $0xb8;
	[tilespmem:$0x7000] =	vst v63  }
0x63: {  	s0 =	smax.u32 s0, $0x1;
	_ =	swait.ge [sflag:s6], $0x2000  }
0x64: {  	p0 =	sne.s32 s0, $0x1;
	[sflag:s6] =	ssyncset.done $0x0  }
.Ltmp0:
0x65: {  	s1 =	sadd.s32 $0x10C00, s1;
	[sflag:s6] =	ssyncadd.s32 $0xFFFFE000;
	(pc) =	sbr.rel @!p0 .LBB2_2-.Ltmp0, $4  }
0x66: {  	s30 =	sadd.s32 s31, s1;
	[bflag:$0x0] =	sbarrier.arrive $0xFFFF  }
0x67: {  	[hbm:s30], [sflag:s5] =	dma.local [spmem:s7], $0x500  }
0x68: {  	_ =	swait.ge [sflag:s6], $0x500  }
0x69: {  	s31 =	sadd.s32 $0xFFFFFFFF, s0;
	[sflag:s6] =	ssyncset.done $0x0  }
.LBB2_1:
0x6a: {  	[sflag:s6] =	ssyncadd.s32 $0xFFFFFB00  }
0x6b: {  	[spmem:s7], [sflag:s5] =	dma.local [hbm:s4], $0x500  }
0x6c: {  	_ =	swait.ge [sflag:s6], $0x500  }
0x6d: {  	[sflag:s6] =	ssyncset.done $0x0  }
0x6e: {  	[sflag:s6] =	ssyncadd.s32 $0xFFFFFB00  }
0x6f: {  	[tilespmem:s3], [sflag:$0x1] =	stream.linear.gather [hbm4b:s8+s3], $0x2800, $0x38;
	[tilespmem:$0x7000] =	vst v63  }
0x70: {  	_ =	swait.ge [sflag:s6], $0x2800  }
0x71: {  	[sflag:s6] =	ssyncset.done $0x0  }
0x72: {  	s0 =	rddreg [dreg:$0x3];
	[sflag:s6] =	ssyncadd.s32 $0xFFFFD800  }
0x73: {  	[tilespmem:s9], [sflag:$0x1] =	stream.linear.gather [hbm4b:s0+s3], $0x2000, $0x38;
	[tilespmem:$0x7000] =	vst v63  }
0x74: {  	_ =	swait.ge [sflag:s6], $0x2000  }
0x75: {  	[sflag:s6] =	ssyncset.done $0x0  }
0x76: {  	[sflag:s6] =	ssyncadd.s32 $0xFFFFE000  }
0x77: {  	[bflag:$0x0] =	sbarrier.arrive $0xFFFF  }
0x78: {  	[spmem:s2] =	stream.indirect.scatter.add.f32 [tilespmem:s9], [sflag:$0x1], $0x10, s3, s10, $0xb8;
	[tilespmem:$0x7000] =	vst v63  }
0x79: {  	_ =	swait.ge [sflag:s6], $0x2000  }
0x7a: {  	[sflag:s6] =	ssyncset.done $0x0  }
0x7b: {  	[sflag:s6] =	ssyncadd.s32 $0xFFFFE000  }
0x7c: {  	[spmem:s2] =	stream.indirect.scatter.add.f32 [tilespmem:s9], [sflag:$0x1], $0x10, s10, s10, $0xb8;
	[tilespmem:$0x7000] =	vst v63  }
0x7d: {  	_ =	swait.ge [sflag:s6], $0x2000  }
0x7e: {  	[sflag:s6] =	ssyncset.done $0x0  }
0x7f: {  	[sflag:s6] =	ssyncadd.s32 $0xFFFFE000  }
0x80: {  	[spmem:s2] =	stream.indirect.scatter.add.f32 [tilespmem:s9], [sflag:$0x1], $0x10, s11, s10, $0xb8;
	[tilespmem:$0x7000] =	vst v63  }
0x81: {  	_ =	swait.ge [sflag:s6], $0x2000  }
0x82: {  	[sflag:s6] =	ssyncset.done $0x0  }
0x83: {  	[sflag:s6] =	ssyncadd.s32 $0xFFFFE000  }
0x84: {  	[spmem:s2] =	stream.indirect.scatter.add.f32 [tilespmem:s9], [sflag:$0x1], $0x10, s12, s10, $0xb8;
	[tilespmem:$0x7000] =	vst v63  }
0x85: {  	_ =	swait.ge [sflag:s6], $0x2000  }
0x86: {  	[sflag:s6] =	ssyncset.done $0x0  }
0x87: {  	[sflag:s6] =	ssyncadd.s32 $0xFFFFE000  }
0x88: {  	[spmem:s2] =	stream.indirect.scatter.add.f32 [tilespmem:s9], [sflag:$0x1], $0x10, s13, s10, $0xb8;
	[tilespmem:$0x7000] =	vst v63  }
0x89: {  	_ =	swait.ge [sflag:s6], $0x2000  }
0x8a: {  	[sflag:s6] =	ssyncset.done $0x0  }
0x8b: {  	[sflag:s6] =	ssyncadd.s32 $0xFFFFE000  }
0x8c: {  	[spmem:s2] =	stream.indirect.scatter.add.f32 [tilespmem:s9], [sflag:$0x1], $0x10, s14, s10, $0xb8;
	[tilespmem:$0x7000] =	vst v63  }
0x8d: {  	_ =	swait.ge [sflag:s6], $0x2000  }
0x8e: {  	[sflag:s6] =	ssyncset.done $0x0  }
0x8f: {  	[sflag:s6] =	ssyncadd.s32 $0xFFFFE000  }
0x90: {  	[spmem:s2] =	stream.indirect.scatter.add.f32 [tilespmem:s9], [sflag:$0x1], $0x10, s15, s10, $0xb8;
	[tilespmem:$0x7000] =	vst v63  }
0x91: {  	_ =	swait.ge [sflag:s6], $0x2000  }
0x92: {  	[sflag:s6] =	ssyncset.done $0x0  }
0x93: {  	[sflag:s6] =	ssyncadd.s32 $0xFFFFE000  }
0x94: {  	[spmem:s2] =	stream.indirect.scatter.add.f32 [tilespmem:s9], [sflag:$0x1], $0x10, s16, s10, $0xb8;
	[tilespmem:$0x7000] =	vst v63  }
0x95: {  	_ =	swait.ge [sflag:s6], $0x2000  }
0x96: {  	[sflag:s6] =	ssyncset.done $0x0  }
0x97: {  	[sflag:s6] =	ssyncadd.s32 $0xFFFFE000  }
0x98: {  	[spmem:s2] =	stream.indirect.scatter.add.f32 [tilespmem:s9], [sflag:$0x1], $0x10, s17, s10, $0xb8;
	[tilespmem:$0x7000] =	vst v63  }
0x99: {  	_ =	swait.ge [sflag:s6], $0x2000  }
0x9a: {  	[sflag:s6] =	ssyncset.done $0x0  }
0x9b: {  	[sflag:s6] =	ssyncadd.s32 $0xFFFFE000  }
0x9c: {  	[spmem:s2] =	stream.indirect.scatter.add.f32 [tilespmem:s9], [sflag:$0x1], $0x10, s18, s10, $0xb8;
	[tilespmem:$0x7000] =	vst v63  }
0x9d: {  	_ =	swait.ge [sflag:s6], $0x2000  }
0x9e: {  	[sflag:s6] =	ssyncset.done $0x0  }
0x9f: {  	[sflag:s6] =	ssyncadd.s32 $0xFFFFE000  }
0xa0: {  	[spmem:s2] =	stream.indirect.scatter.add.f32 [tilespmem:s9], [sflag:$0x1], $0x10, s19, s10, $0xb8;
	[tilespmem:$0x7000] =	vst v63  }
0xa1: {  	_ =	swait.ge [sflag:s6], $0x2000  }
0xa2: {  	[sflag:s6] =	ssyncset.done $0x0  }
0xa3: {  	[sflag:s6] =	ssyncadd.s32 $0xFFFFE000  }
0xa4: {  	[spmem:s2] =	stream.indirect.scatter.add.f32 [tilespmem:s9], [sflag:$0x1], $0x10, s20, s10, $0xb8;
	[tilespmem:$0x7000] =	vst v63  }
0xa5: {  	_ =	swait.ge [sflag:s6], $0x2000  }
0xa6: {  	[sflag:s6] =	ssyncset.done $0x0  }
0xa7: {  	[sflag:s6] =	ssyncadd.s32 $0xFFFFE000  }
0xa8: {  	[spmem:s2] =	stream.indirect.scatter.add.f32 [tilespmem:s9], [sflag:$0x1], $0x10, s21, s10, $0xb8;
	[tilespmem:$0x7000] =	vst v63  }
0xa9: {  	_ =	swait.ge [sflag:s6], $0x2000  }
0xaa: {  	[sflag:s6] =	ssyncset.done $0x0  }
0xab: {  	[sflag:s6] =	ssyncadd.s32 $0xFFFFE000  }
0xac: {  	[spmem:s2] =	stream.indirect.scatter.add.f32 [tilespmem:s9], [sflag:$0x1], $0x10, s22, s10, $0xb8;
	[tilespmem:$0x7000] =	vst v63  }
0xad: {  	_ =	swait.ge [sflag:s6], $0x2000  }
0xae: {  	[sflag:s6] =	ssyncset.done $0x0  }
0xaf: {  	[sflag:s6] =	ssyncadd.s32 $0xFFFFE000  }
0xb0: {  	[spmem:s2] =	stream.indirect.scatter.add.f32 [tilespmem:s9], [sflag:$0x1], $0x10, s23, s10, $0xb8;
	[tilespmem:$0x7000] =	vst v63  }
0xb1: {  	_ =	swait.ge [sflag:s6], $0x2000  }
0xb2: {  	[sflag:s6] =	ssyncset.done $0x0  }
0xb3: {  	[sflag:s6] =	ssyncadd.s32 $0xFFFFE000  }
0xb4: {  	[spmem:s2] =	stream.indirect.scatter.add.f32 [tilespmem:s9], [sflag:$0x1], $0x10, s24, s10, $0xb8;
	[tilespmem:$0x7000] =	vst v63  }
0xb5: {  	_ =	swait.ge [sflag:s6], $0x2000  }
0xb6: {  	[sflag:s6] =	ssyncset.done $0x0  }
0xb7: {  	[sflag:s6] =	ssyncadd.s32 $0xFFFFE000  }
0xb8: {  	[spmem:s2] =	stream.indirect.scatter.add.f32 [tilespmem:s9], [sflag:$0x1], $0x10, s25, s10, $0xb8;
	[tilespmem:$0x7000] =	vst v63  }
0xb9: {  	_ =	swait.ge [sflag:s6], $0x2000  }
0xba: {  	[sflag:s6] =	ssyncset.done $0x0  }
0xbb: {  	[sflag:s6] =	ssyncadd.s32 $0xFFFFE000  }
0xbc: {  	[spmem:s2] =	stream.indirect.scatter.add.f32 [tilespmem:s9], [sflag:$0x1], $0x10, s26, s10, $0xb8;
	[tilespmem:$0x7000] =	vst v63  }
0xbd: {  	_ =	swait.ge [sflag:s6], $0x2000  }
0xbe: {  	[sflag:s6] =	ssyncset.done $0x0  }
0xbf: {  	[sflag:s6] =	ssyncadd.s32 $0xFFFFE000  }
0xc0: {  	[spmem:s2] =	stream.indirect.scatter.add.f32 [tilespmem:s9], [sflag:$0x1], $0x10, s28, s10, $0xb8;
	[tilespmem:$0x7000] =	vst v63  }
0xc1: {  	_ =	swait.ge [sflag:s6], $0x2000  }
0xc2: {  	[sflag:s6] =	ssyncset.done $0x0  }
0xc3: {  	[sflag:s6] =	ssyncadd.s32 $0xFFFFE000  }
0xc4: {  	[spmem:s2] =	stream.indirect.scatter.add.f32 [tilespmem:s9], [sflag:$0x1], $0x10, s29, s10, $0xb8;
	[tilespmem:$0x7000] =	vst v63  }
0xc5: {  	_ =	swait.ge [sflag:s6], $0x2000  }
0xc6: {  	p0 =	sne.s32 s31, $0x1;
	[sflag:s6] =	ssyncset.done $0x0  }
.Ltmp1:
0xc7: {  	[sflag:s6] =	ssyncadd.s32 $0xFFFFE000;
	(pc) =	sbr.rel @p0 .LBB2_1-.Ltmp1, $4  }
0xc8: {  	[bflag:$0x0] =	sbarrier.arrive $0xFFFF  }
0xc9: {  	[hbm:s30], [sflag:s5] =	dma.local [spmem:s7], $0x500  }
0xca: {  	_ =	swait.ge [sflag:s6], $0x500  }
0xcb: {  	s31 =	sadd.s32 $0xFFFFFFFF, s31;
	[sflag:s6] =	ssyncset.done $0x0  }
.LBB2_2:
0xcc: {  	[sflag:s6] =	ssyncadd.s32 $0xFFFFFB00  }
0xcd: {  	_ =	sfence.sel $0x180000  }
0xce: {  	[bflag:$0x0] =	sbarrier.arrive $0xFFFF  }
0xcf: {  	_ =	strace $0x90000047  }
0xd0: {  	s0 =	stileid.u32;
	[bflag:$0x2] =	sbarrier.arrive $0xFFFF  }
0xd1: {  	p0 =	sne.s32 s0, $0x0;
	s0 =	rddreg [dreg:$0x2]  }
0xd2: {  	s0 =	sadd.s32 @!p0 $0x100000, s0  }
0xd3: {  	[sflag:s0] =	ssyncadd.tile.s32 @!p0 $0x1;
	_ =	shalt  }
.Lfunc_end2:
_tile_overlayer_lowered:
.L_overlay_start_2:
0xd4: {  	(tag) =	ssettag $0x2  }
0xd5: {  	s0 =	rddreg [dreg:$0x0];
	s2 =	stileid.u32  }
0xd6: {  	s1 =	rddreg [dreg:$0x1];
	p0 =	sne.s32 s2, $0x0  }
0xd7: {  	s3 =	rddreg [dreg:$0x2];
	[bflag:$0x3] =	sbarrier.arrive $0xFFFF;
	s2 =	simm.s32 @!p0 $0x1C01  }
0xd8: {  	[timem:s3], [sflag:s2] =	dma.local @!p0 [hbm:s0], s1  }
0xd9: {  	s0 =	simm.s32 @!p0 $0x1  }
0xda: {  	_ =	swait.ge @!p0 [sflag:s0], s1  }
0xdb: {  	s1 =	ssub.s32 @!p0 $0x0, s1;
	[sflag:s0] =	ssyncset.done @!p0 $0x0  }
0xdc: {  	[sflag:s0] =	ssyncadd.s32 @!p0 s1  }
0xdd: {  	[bflag:$0x3] =	sbarrier.arrive $0xFFFF  }
0xde: {  	_ =	shalt  }

</sc_bundles>
